<compile_context>
chip_gen: v7x
topology: tpu7x:2x2x1
jax: 0.10.2.dev20260603
libtpu: 0.0.44.dev20260713+nightly
codegen_flags: <defaults>
</compile_context>

<pallas_src>
import functools

import jax
import jax.numpy as jnp
from jax import lax
from jax.experimental import pallas as pl
from jax.experimental.pallas import tpu as pltpu
from jax.experimental.pallas import tpu_sc as plsc

_NC = 2
_NS = 16
_NW = _NC * _NS
_C = 1024
_BN = 131072


def _convert(tableT, V, D):
    bn = _BN
    G = bn // 8
    grid = (V + bn - 1) // bn
    R = G * grid

    def body(x_ref, o_ref):
        x = x_ref[...]
        xx = jnp.concatenate(
            [x[:, G * k:G * (k + 1)] for k in range(8)], axis=0)
        o_ref[...] = xx.T

    return pl.pallas_call(
        body,
        grid=(grid,),
        in_specs=[pl.BlockSpec((D, bn), lambda i: (0, i))],
        out_specs=pl.BlockSpec((G, 128), lambda i: (i, 0)),
        out_shape=jax.ShapeDtypeStruct((R, 128), jnp.float32),
    )(tableT)


def _granule_idx(idx1):
    bi = 102400
    (B,) = idx1.shape

    G = _BN // 8
    sh = G.bit_length() - 1

    def body(x_ref, o_ref):
        v = x_ref[...]
        o_ref[...] = (v & ~(_BN - 1)) | ((v & (G - 1)) << 3) | ((v >> sh) & 7)

    return pl.pallas_call(
        body,
        grid=(B // bi,),
        in_specs=[pl.BlockSpec((bi,), lambda i: (i,))],
        out_specs=pl.BlockSpec((bi,), lambda i: (i,)),
        out_shape=jax.ShapeDtypeStruct((B,), jnp.int32),
    )(idx1)


def _gather(idx1, lin, B, Vp, D):
    b_per_w = B // _NW
    n_chunks = b_per_w // _C
    n_t = _C // 128
    n_tc = B // 128

    mesh = plsc.VectorSubcoreMesh(core_axis_name="c", subcore_axis_name="s")

    @functools.partial(
        pl.kernel,
        mesh=mesh,
        out_type=jax.ShapeDtypeStruct((2, n_tc * 8, 128), jnp.float32),
        scratch_types=[
            pltpu.VMEM((2, _C), jnp.int32),
            pltpu.VMEM((2, _C, D), jnp.float32),
            pltpu.VMEM((2, 2 * n_t * 8, 129), jnp.float32),
            [pltpu.SemaphoreType.DMA] * 2,
            [pltpu.SemaphoreType.DMA] * 2,
        ],
        compiler_params=pltpu.CompilerParams(
            use_tc_tiling_on_sc=False, needs_layout_passes=False),
    )
    def emb(idx_hbm, lin_hbm, out_hbm, idx_v, rows_v, tile_v, gsems, ssems):
        wid = lax.axis_index("s") * _NC + lax.axis_index("c")
        base = wid * b_per_w
        iota = lax.iota(jnp.int32, 16)
        row_f = (iota // 8) * (n_t * 8) + (iota % 8)

        def load_idx(g, b):
            pltpu.sync_copy(idx_hbm.at[pl.ds(base + g * _C, _C)], idx_v.at[b])

        def fire_gather(b):
            return pltpu.async_copy(
                lin_hbm.at[idx_v.at[b]], rows_v.at[b], gsems[b])

        def fire_stores(g, b):
            tc0 = (base + g * _C) // 128
            return [
                pltpu.async_copy(
                    tile_v.at[b, pl.ds(r * (n_t * 8), n_t * 8), pl.ds(0, 128)],
                    out_hbm.at[r, pl.ds(tc0 * 8, n_t * 8)], ssems[b])
                for r in (0, 1)
            ]

        def retile(b):
            for k in range(n_t):
                rowv = row_f + k * 8

                def wbody(w4, colv, k=k, rowv=rowv):
                    for u in range(4):
                        v = rows_v[b, k * 128 + w4 * 4 + u, :]
                        plsc.store_scatter(tile_v.at[b], [rowv, colv + u], v)
                    return colv + 4

                lax.fori_loop(0, 32, wbody, jnp.zeros((16,), jnp.int32))

        def pair(p, _):
            g0 = p * 2
            load_idx(g0, 0)
            cg0 = fire_gather(0)
            load_idx(g0 + 1, 1)
            cg1 = fire_gather(1)
            cg0.wait()
            retile(0)
            s0 = fire_stores(g0, 0)
            cg1.wait()
            retile(1)
            s1 = fire_stores(g0 + 1, 1)
            for cp in s0 + s1:
                cp.wait()
            return 0

        lax.fori_loop(0, n_chunks // 2, pair, 0)
        if n_chunks % 2:
            g0 = n_chunks - 1
            load_idx(g0, 0)
            fire_gather(0).wait()
            retile(0)
            for cp in fire_stores(g0, 0):
                cp.wait()

    return emb(idx1, lin)


@jax.jit
def kernel(indices, table):
    (B,) = indices.shape
    V, D = table.shape
    Vp = ((V + 127) // 128) * 128

    idx1 = indices.astype(jnp.int32)
    tableT = table.T

    idx2 = _granule_idx(idx1)
    lin2d = _convert(tableT, V, D)
    Vp2 = lin2d.shape[0] * 8
    lin = lin2d.reshape(Vp2, D)
    out3 = _gather(idx2, lin, B, Vp2, D)
    out4d = out3.reshape(2, B // 128, 8, 128)
    return jnp.transpose(out4d, (1, 3, 0, 2)).reshape(B, D)

# --- scband reference (transcript-rebuilt; emitter-appended) ---
"""Pipeline reference for scband-embedding-42769284333976 (READ-ONLY COPY).

The authoritative reference and input builder live on the scoring server;
editing this copy changes nothing except your own understanding.
"""

import jax, jax.numpy as jnp
import numpy as np

VOCAB = 1000000
EMB_SIZE = 16
N_LOOKUPS = 819200


def setup_inputs(seed: int = 0) -> dict:
    key = jax.random.key(seed)
    k_idx, k_tab = jax.random.split(key)
    indices = jax.random.randint(k_idx, (N_LOOKUPS,), 0, VOCAB, dtype=jnp.int64 if jax.config.jax_enable_x64 else jnp.int32)
    # nn.Embedding default init: N(0, 1)
    table = jax.random.normal(k_tab, (VOCAB, EMB_SIZE), dtype=jnp.float32)
    return {"indices": indices, "table": table}


def reference(indices, table):
    # Embedding.forwards(syms): for each symbol, look up its row in the
    # embedding table and stack -> equivalent to a batched gather.
    # (the obj_to_ix dict maps symbols to contiguous ints; here symbols
    # are already the integer ids, so the lookup is table[idx])
    return jnp.take(table, indices, axis=0)

if __name__ == "__main__":
    import jax
    _d = setup_inputs()
    print(jax.jit(kernel)(*tuple(_d.values())))

</pallas_src>

<mosaic_0001>
#map = affine_map<(d0, d1) -> (0)>
#map1 = affine_map<(d0, d1) -> (0, 0)>
#map2 = affine_map<(d0, d1) -> (0, 0, 0)>
module attributes {stable_mosaic.version = 14 : i64} {
  func.func @emb(%arg0: i32, %arg1: i32, %arg2: memref<819200xi32, #tpu.memory_space<hbm>>, %arg3: memref<1048576x16xf32, #tpu.memory_space<hbm>>, %arg4: memref<2x51200x128xf32, #tpu.memory_space<hbm>>, %arg5: memref<2x1024xi32, #tpu.memory_space<vmem>>, %arg6: memref<2x1024x16xf32, #tpu.memory_space<vmem>>, %arg7: memref<2x128x129xf32, #tpu.memory_space<vmem>>, %arg8: memref<!tpu.dma_semaphore, #tpu.memory_space<semaphore_mem>>, %arg9: memref<!tpu.dma_semaphore, #tpu.memory_space<semaphore_mem>>, %arg10: memref<!tpu.dma_semaphore, #tpu.memory_space<semaphore_mem>>, %arg11: memref<!tpu.dma_semaphore, #tpu.memory_space<semaphore_mem>>) attributes {dimension_semantics = [#tpu.dimension_semantics<core_parallel>, #tpu.dimension_semantics<subcore_parallel>], iteration_bounds = array<i64: 2, 16>, scalar_prefetch = 0 : i64, scratch_operands = 7 : i64, tpu.core_type = #tpu.core_type<sc_vector_subcore>, window_params = [{transform_indices = #map}, {transform_indices = #map1}, {transform_indices = #map2}]} {
    %mul3A = arith.constant 2 : i32
    %mul3A_0 = arith.muli %arg1, %mul3A : i32
    %add3A = arith.addi %mul3A_0, %arg0 : i32
    %mul3A_1 = arith.constant 25600 : i32
    %mul3A_2 = arith.muli %add3A, %mul3A_1 : i32
    %iota3A = tpu.iota {dimensions = array<i32: 0>} : vector<16xi32>
    %jit3A = arith.constant 8 : i32
    %div3A = vector.broadcast %jit3A : i32 to vector<16xi32>
    %div3A_3 = arith.divsi %iota3A, %div3A : vector<16xi32>
    %sign3A = arith.constant 0 : i32
    %sign3A_4 = vector.broadcast %sign3A : i32 to vector<16xi32>
    %sign3A_5 = arith.cmpi sgt, %iota3A, %sign3A_4 : vector<16xi32>
    %sign3A_6 = arith.extui %sign3A_5 : vector<16xi1> to vector<16xi32>
    %sign3A_7 = arith.constant 0 : i32
    %sign3A_8 = vector.broadcast %sign3A_7 : i32 to vector<16xi32>
    %sign3A_9 = arith.cmpi slt, %iota3A, %sign3A_8 : vector<16xi32>
    %sign3A_10 = arith.extui %sign3A_9 : vector<16xi1> to vector<16xi32>
    %sign3A_11 = arith.subi %sign3A_6, %sign3A_10 : vector<16xi32>
    %sign3A_12 = arith.constant 0 : i32
    %sign3A_13 = arith.cmpi sgt, %jit3A, %sign3A_12 : i32
    %sign3A_14 = arith.extui %sign3A_13 : i1 to i32
    %sign3A_15 = arith.constant 0 : i32
    %sign3A_16 = arith.cmpi slt, %jit3A, %sign3A_15 : i32
    %sign3A_17 = arith.extui %sign3A_16 : i1 to i32
    %sign3A_18 = arith.subi %sign3A_14, %sign3A_17 : i32
    %ne3A = vector.broadcast %sign3A_18 : i32 to vector<16xi32>
    %ne3A_19 = arith.cmpi ne, %sign3A_11, %ne3A : vector<16xi32>
    %rem3A = vector.broadcast %jit3A : i32 to vector<16xi32>
    %rem3A_20 = arith.remsi %iota3A, %rem3A : vector<16xi32>
    %ne3A_21 = arith.constant 0 : i32
    %ne3A_22 = vector.broadcast %ne3A_21 : i32 to vector<16xi32>
    %ne3A_23 = arith.cmpi ne, %rem3A_20, %ne3A_22 : vector<16xi32>
    %and3A = arith.andi %ne3A_19, %ne3A_23 : vector<16xi1>
    %sub3A = arith.constant 1 : i32
    %sub3A_24 = vector.broadcast %sub3A : i32 to vector<16xi32>
    %sub3A_25 = arith.subi %div3A_3, %sub3A_24 : vector<16xi32>
    %select_n3A = arith.select %and3A, %sub3A_25, %div3A_3 : vector<16xi1>, vector<16xi32>
    %mul3A_26 = arith.constant 64 : i32
    %mul3A_27 = vector.broadcast %mul3A_26 : i32 to vector<16xi32>
    %mul3A_28 = arith.muli %select_n3A, %mul3A_27 : vector<16xi32>
    %jit3A_29 = arith.constant 8 : i32
    %eq3A = arith.constant 0 : i32
    %eq3A_30 = arith.cmpi eq, %jit3A_29, %eq3A : i32
    %jit3A_31 = arith.constant 1 : i32
    %select_n3A_32 = arith.select %eq3A_30, %jit3A_31, %jit3A_29 : i32
    %rem3A_33 = vector.broadcast %select_n3A_32 : i32 to vector<16xi32>
    %rem3A_34 = arith.remsi %iota3A, %rem3A_33 : vector<16xi32>
    %ne3A_35 = arith.constant 0 : i32
    %ne3A_36 = vector.broadcast %ne3A_35 : i32 to vector<16xi32>
    %ne3A_37 = arith.cmpi ne, %rem3A_34, %ne3A_36 : vector<16xi32>
    %lt3A = arith.constant 0 : i32
    %lt3A_38 = vector.broadcast %lt3A : i32 to vector<16xi32>
    %lt3A_39 = arith.cmpi slt, %rem3A_34, %lt3A_38 : vector<16xi32>
    %lt3A_40 = arith.constant 0 : i32
    %lt3A_41 = arith.cmpi slt, %select_n3A_32, %lt3A_40 : i32
    %ne3A_42 = vector.broadcast %lt3A_41 : i1 to vector<16xi1>
    %ne3A_43 = vector.broadcast %ne3A_42 : vector<16xi1> to vector<16xi1>
    %ne3A_44 = arith.xori %lt3A_39, %ne3A_43 : vector<16xi1>
    %and3A_45 = arith.andi %ne3A_44, %ne3A_37 : vector<16xi1>
    %add3A_46 = vector.broadcast %select_n3A_32 : i32 to vector<16xi32>
    %add3A_47 = arith.addi %rem3A_34, %add3A_46 : vector<16xi32>
    %select_n3A_48 = arith.select %and3A_45, %add3A_47, %rem3A_34 : vector<16xi1>, vector<16xi32>
    %add3A_49 = arith.addi %mul3A_28, %select_n3A_48 : vector<16xi32>
    %scan3A = arith.constant 0 : i32
    %scan3A_50 = arith.constant 0 : i32
    %scan3A_51 = arith.constant 12 : i32
    %scan3A_52 = arith.addi %scan3A_50, %scan3A_51 : i32
    %scan3A_53 = arith.constant 1 : i32
    %scan3A_54 = scf.for %scan3A_261 = %scan3A_50 to %scan3A_52 step %scan3A_53 iter_args(%scan3A_262 = %scan3A) -> (i32)  : i32 {
      %mul3A_263 = arith.constant 2 : i32
      %mul3A_264 = arith.muli %scan3A_261, %mul3A_263 : i32
      %mul3A_265 = arith.constant 1024 : i32
      %mul3A_266 = arith.muli %mul3A_264, %mul3A_265 : i32
      %add3A_267 = arith.addi %mul3A_2, %mul3A_266 : i32
      %run_scoped3A_268 = arith.constant 0 : i32
      "tpu.region"() ({
        %run_scoped3A_692 = tpu.sem_alloc : memref<!tpu.dma_semaphore, #tpu.memory_space<semaphore_mem>>
        %dma_start3A_693 = arith.constant 0 : i32
        %dma_start3A_694 = tpu.memref_slice %arg5[%run_scoped3A_268, %dma_start3A_693] : memref<2x1024xi32, #tpu.memory_space<vmem>> -> memref<1x1024xi32, #tpu.memory_space<vmem>>
        %dma_start3A_695 = tpu.memref_squeeze %dma_start3A_694 : memref<1x1024xi32, #tpu.memory_space<vmem>> -> memref<1024xi32, #tpu.memory_space<vmem>>
        %dma_start3A_696 = tpu.memref_slice %arg2[%add3A_267] : memref<819200xi32, #tpu.memory_space<hbm>> -> memref<1024xi32, #tpu.memory_space<hbm>>
        %dma_start3A_697 = arith.constant 0 : i32
        %dma_start3A_698 = tpu.memref_slice %arg5[%run_scoped3A_268, %dma_start3A_697] : memref<2x1024xi32, #tpu.memory_space<vmem>> -> memref<1x1024xi32, #tpu.memory_space<vmem>>
        %dma_start3A_699 = tpu.memref_squeeze %dma_start3A_698 : memref<1x1024xi32, #tpu.memory_space<vmem>> -> memref<1024xi32, #tpu.memory_space<vmem>>
        %dma_start3A_700 = tpu.memref_slice %arg2[%add3A_267] : memref<819200xi32, #tpu.memory_space<hbm>> -> memref<1024xi32, #tpu.memory_space<hbm>>
        tpu.enqueue_dma source(%dma_start3A_700 : memref<1024xi32, #tpu.memory_space<hbm>>) target(%dma_start3A_699 : memref<1024xi32, #tpu.memory_space<vmem>>) target_semaphore(%run_scoped3A_692 : memref<!tpu.dma_semaphore, #tpu.memory_space<semaphore_mem>>)
        %dma_wait3A_701 = arith.constant 0 : i32
        %dma_wait3A_702 = tpu.memref_slice %arg5[%run_scoped3A_268, %dma_wait3A_701] : memref<2x1024xi32, #tpu.memory_space<vmem>> -> memref<1x1024xi32, #tpu.memory_space<vmem>>
        %dma_wait3A_703 = tpu.memref_squeeze %dma_wait3A_702 : memref<1x1024xi32, #tpu.memory_space<vmem>> -> memref<1024xi32, #tpu.memory_space<vmem>>
        %dma_wait3A_704 = tpu.memref_slice %arg2[%add3A_267] : memref<819200xi32, #tpu.memory_space<hbm>> -> memref<1024xi32, #tpu.memory_space<hbm>>
        %dma_wait3A_705 = arith.constant 0 : i32
        %dma_wait3A_706 = tpu.memref_slice %arg5[%run_scoped3A_268, %dma_wait3A_705] : memref<2x1024xi32, #tpu.memory_space<vmem>> -> memref<1x1024xi32, #tpu.memory_space<vmem>>
        %dma_wait3A_707 = tpu.memref_squeeze %dma_wait3A_706 : memref<1x1024xi32, #tpu.memory_space<vmem>> -> memref<1024xi32, #tpu.memory_space<vmem>>
        %dma_wait3A_708 = tpu.memref_slice %arg2[%add3A_267] : memref<819200xi32, #tpu.memory_space<hbm>> -> memref<1024xi32, #tpu.memory_space<hbm>>
        tpu.wait_dma2 semaphore(%run_scoped3A_692 : memref<!tpu.dma_semaphore, #tpu.memory_space<semaphore_mem>>) src(%dma_wait3A_708 : memref<1024xi32, #tpu.memory_space<hbm>>) dst(%dma_wait3A_707 : memref<1024xi32, #tpu.memory_space<vmem>>)
        tpu.yield
      }) : () -> ()
      %dma_start3A_269 = arith.constant 0 : i32
      %dma_start3A_270 = arith.constant 0 : i32
      %dma_start3A_271 = arith.constant 0 : i32
      %dma_start3A_272 = arith.constant 0 : i32
      %dma_start3A_273 = tpu.memref_slice %arg6[%dma_start3A_270, %dma_start3A_271, %dma_start3A_272] : memref<2x1024x16xf32, #tpu.memory_space<vmem>> -> memref<1x1024x16xf32, #tpu.memory_space<vmem>>
      %dma_start3A_274 = tpu.memref_squeeze %dma_start3A_273 : memref<1x1024x16xf32, #tpu.memory_space<vmem>> -> memref<1024x16xf32, #tpu.memory_space<vmem>>
      %dma_start3A_275 = arith.constant 0 : i32
      %dma_start3A_276 = tpu.memref_slice %arg5[%dma_start3A_269, %dma_start3A_275] : memref<2x1024xi32, #tpu.memory_space<vmem>> -> memref<1x1024xi32, #tpu.memory_space<vmem>>
      %dma_start3A_277 = tpu.memref_squeeze %dma_start3A_276 : memref<1x1024xi32, #tpu.memory_space<vmem>> -> memref<1024xi32, #tpu.memory_space<vmem>>
      %dma_start3A_278 = arith.constant 0 : i32
      %dma_start3A_279 = arith.constant 0 : i32
      %dma_start3A_280 = tpu.memref_slice %arg3[%dma_start3A_278, %dma_start3A_279] : memref<1048576x16xf32, #tpu.memory_space<hbm>> -> memref<1048576x16xf32, #tpu.memory_space<hbm>>
      tpu.enqueue_indirect_dma source(%dma_start3A_280 : memref<1048576x16xf32, #tpu.memory_space<hbm>>) target(%dma_start3A_274 : memref<1024x16xf32, #tpu.memory_space<vmem>>) offsets(%dma_start3A_277 : memref<1024xi32, #tpu.memory_space<vmem>>) semaphore(%arg8 : memref<!tpu.dma_semaphore, #tpu.memory_space<semaphore_mem>>)
      %add3A_281 = arith.constant 1 : i32
      %add3A_282 = arith.addi %mul3A_264, %add3A_281 : i32
      %mul3A_283 = arith.constant 1024 : i32
      %mul3A_284 = arith.muli %add3A_282, %mul3A_283 : i32
      %add3A_285 = arith.addi %mul3A_2, %mul3A_284 : i32
      %run_scoped3A_286 = arith.constant 1 : i32
      "tpu.region"() ({
        %run_scoped3A_692 = tpu.sem_alloc : memref<!tpu.dma_semaphore, #tpu.memory_space<semaphore_mem>>
        %dma_start3A_693 = arith.constant 0 : i32
        %dma_start3A_694 = tpu.memref_slice %arg5[%run_scoped3A_286, %dma_start3A_693] : memref<2x1024xi32, #tpu.memory_space<vmem>> -> memref<1x1024xi32, #tpu.memory_space<vmem>>
        %dma_start3A_695 = tpu.memref_squeeze %dma_start3A_694 : memref<1x1024xi32, #tpu.memory_space<vmem>> -> memref<1024xi32, #tpu.memory_space<vmem>>
        %dma_start3A_696 = tpu.memref_slice %arg2[%add3A_285] : memref<819200xi32, #tpu.memory_space<hbm>> -> memref<1024xi32, #tpu.memory_space<hbm>>
        %dma_start3A_697 = arith.constant 0 : i32
        %dma_start3A_698 = tpu.memref_slice %arg5[%run_scoped3A_286, %dma_start3A_697] : memref<2x1024xi32, #tpu.memory_space<vmem>> -> memref<1x1024xi32, #tpu.memory_space<vmem>>
        %dma_start3A_699 = tpu.memref_squeeze %dma_start3A_698 : memref<1x1024xi32, #tpu.memory_space<vmem>> -> memref<1024xi32, #tpu.memory_space<vmem>>
        %dma_start3A_700 = tpu.memref_slice %arg2[%add3A_285] : memref<819200xi32, #tpu.memory_space<hbm>> -> memref<1024xi32, #tpu.memory_space<hbm>>
        tpu.enqueue_dma source(%dma_start3A_700 : memref<1024xi32, #tpu.memory_space<hbm>>) target(%dma_start3A_699 : memref<1024xi32, #tpu.memory_space<vmem>>) target_semaphore(%run_scoped3A_692 : memref<!tpu.dma_semaphore, #tpu.memory_space<semaphore_mem>>)
        %dma_wait3A_701 = arith.constant 0 : i32
        %dma_wait3A_702 = tpu.memref_slice %arg5[%run_scoped3A_286, %dma_wait3A_701] : memref<2x1024xi32, #tpu.memory_space<vmem>> -> memref<1x1024xi32, #tpu.memory_space<vmem>>
        %dma_wait3A_703 = tpu.memref_squeeze %dma_wait3A_702 : memref<1x1024xi32, #tpu.memory_space<vmem>> -> memref<1024xi32, #tpu.memory_space<vmem>>
        %dma_wait3A_704 = tpu.memref_slice %arg2[%add3A_285] : memref<819200xi32, #tpu.memory_space<hbm>> -> memref<1024xi32, #tpu.memory_space<hbm>>
        %dma_wait3A_705 = arith.constant 0 : i32
        %dma_wait3A_706 = tpu.memref_slice %arg5[%run_scoped3A_286, %dma_wait3A_705] : memref<2x1024xi32, #tpu.memory_space<vmem>> -> memref<1x1024xi32, #tpu.memory_space<vmem>>
        %dma_wait3A_707 = tpu.memref_squeeze %dma_wait3A_706 : memref<1x1024xi32, #tpu.memory_space<vmem>> -> memref<1024xi32, #tpu.memory_space<vmem>>
        %dma_wait3A_708 = tpu.memref_slice %arg2[%add3A_285] : memref<819200xi32, #tpu.memory_space<hbm>> -> memref<1024xi32, #tpu.memory_space<hbm>>
        tpu.wait_dma2 semaphore(%run_scoped3A_692 : memref<!tpu.dma_semaphore, #tpu.memory_space<semaphore_mem>>) src(%dma_wait3A_708 : memref<1024xi32, #tpu.memory_space<hbm>>) dst(%dma_wait3A_707 : memref<1024xi32, #tpu.memory_space<vmem>>)
        tpu.yield
      }) : () -> ()
      %dma_start3A_287 = arith.constant 1 : i32
      %dma_start3A_288 = arith.constant 1 : i32
      %dma_start3A_289 = arith.constant 0 : i32
      %dma_start3A_290 = arith.constant 0 : i32
      %dma_start3A_291 = tpu.memref_slice %arg6[%dma_start3A_288, %dma_start3A_289, %dma_start3A_290] : memref<2x1024x16xf32, #tpu.memory_space<vmem>> -> memref<1x1024x16xf32, #tpu.memory_space<vmem>>
      %dma_start3A_292 = tpu.memref_squeeze %dma_start3A_291 : memref<1x1024x16xf32, #tpu.memory_space<vmem>> -> memref<1024x16xf32, #tpu.memory_space<vmem>>
      %dma_start3A_293 = arith.constant 0 : i32
      %dma_start3A_294 = tpu.memref_slice %arg5[%dma_start3A_287, %dma_start3A_293] : memref<2x1024xi32, #tpu.memory_space<vmem>> -> memref<1x1024xi32, #tpu.memory_space<vmem>>
      %dma_start3A_295 = tpu.memref_squeeze %dma_start3A_294 : memref<1x1024xi32, #tpu.memory_space<vmem>> -> memref<1024xi32, #tpu.memory_space<vmem>>
      %dma_start3A_296 = arith.constant 0 : i32
      %dma_start3A_297 = arith.constant 0 : i32
      %dma_start3A_298 = tpu.memref_slice %arg3[%dma_start3A_296, %dma_start3A_297] : memref<1048576x16xf32, #tpu.memory_space<hbm>> -> memref<1048576x16xf32, #tpu.memory_space<hbm>>
      tpu.enqueue_indirect_dma source(%dma_start3A_298 : memref<1048576x16xf32, #tpu.memory_space<hbm>>) target(%dma_start3A_292 : memref<1024x16xf32, #tpu.memory_space<vmem>>) offsets(%dma_start3A_295 : memref<1024xi32, #tpu.memory_space<vmem>>) semaphore(%arg9 : memref<!tpu.dma_semaphore, #tpu.memory_space<semaphore_mem>>)
      %dma_wait3A_299 = arith.constant 0 : i32
      %dma_wait3A_300 = arith.constant 0 : i32
      %dma_wait3A_301 = arith.constant 0 : i32
      %dma_wait3A_302 = arith.constant 0 : i32
      %dma_wait3A_303 = tpu.memref_slice %arg6[%dma_wait3A_300, %dma_wait3A_301, %dma_wait3A_302] : memref<2x1024x16xf32, #tpu.memory_space<vmem>> -> memref<1x1024x16xf32, #tpu.memory_space<vmem>>
      %dma_wait3A_304 = tpu.memref_squeeze %dma_wait3A_303 : memref<1x1024x16xf32, #tpu.memory_space<vmem>> -> memref<1024x16xf32, #tpu.memory_space<vmem>>
      %dma_wait3A_305 = arith.constant 0 : i32
      %dma_wait3A_306 = tpu.memref_slice %arg5[%dma_wait3A_299, %dma_wait3A_305] : memref<2x1024xi32, #tpu.memory_space<vmem>> -> memref<1x1024xi32, #tpu.memory_space<vmem>>
      %dma_wait3A_307 = tpu.memref_squeeze %dma_wait3A_306 : memref<1x1024xi32, #tpu.memory_space<vmem>> -> memref<1024xi32, #tpu.memory_space<vmem>>
      %dma_wait3A_308 = arith.constant 0 : i32
      %dma_wait3A_309 = arith.constant 0 : i32
      %dma_wait3A_310 = tpu.memref_slice %arg3[%dma_wait3A_308, %dma_wait3A_309] : memref<1048576x16xf32, #tpu.memory_space<hbm>> -> memref<1048576x16xf32, #tpu.memory_space<hbm>>
      tpu.wait_indirect_dma semaphore(%arg8 : memref<!tpu.dma_semaphore, #tpu.memory_space<semaphore_mem>>) src(%dma_wait3A_310 : memref<1048576x16xf32, #tpu.memory_space<hbm>>) dst(%dma_wait3A_304 : memref<1024x16xf32, #tpu.memory_space<vmem>>)
      %add3A_311 = arith.constant 0 : i32
      %add3A_312 = vector.broadcast %add3A_311 : i32 to vector<16xi32>
      %add3A_313 = arith.addi %add3A_49, %add3A_312 : vector<16xi32>
      %broadcast_in_dim3A_314 = arith.constant 0 : i32
      %broadcast_in_dim3A_315 = vector.broadcast %broadcast_in_dim3A_314 : i32 to vector<16xi32>
      %scan3A_316 = arith.constant 0 : i32
      %scan3A_317 = arith.constant 32 : i32
      %scan3A_318 = arith.addi %scan3A_316, %scan3A_317 : i32
      %scan3A_319 = arith.constant 1 : i32
      %scan3A_320 = scf.for %scan3A_692 = %scan3A_316 to %scan3A_318 step %scan3A_319 iter_args(%scan3A_693 = %broadcast_in_dim3A_315) -> (vector<16xi32>)  : i32 {
        %mul3A_694 = arith.constant 4 : i32
        %mul3A_695 = arith.muli %scan3A_692, %mul3A_694 : i32
        %add3A_696 = arith.constant 0 : i32
        %add3A_697 = arith.addi %add3A_696, %mul3A_695 : i32
        %add3A_698 = arith.constant 0 : i32
        %add3A_699 = arith.addi %add3A_697, %add3A_698 : i32
        %get3A = arith.constant 0 : i32
        %get3A_700 = arith.index_cast %get3A : i32 to index
        %get3A_701 = arith.index_cast %add3A_699 : i32 to index
        %get3A_702 = arith.constant 0 : index
        %get3A_703 = tpu.vector_load %arg6[%get3A_700, %get3A_701, %get3A_702] {strides = array<i32>} : memref<2x1024x16xf32, #tpu.memory_space<vmem>>, vector<16xf32>,
        %add3A_704 = arith.constant 0 : i32
        %add3A_705 = vector.broadcast %add3A_704 : i32 to vector<16xi32>
        %add3A_706 = arith.addi %scan3A_693, %add3A_705 : vector<16xi32>
        %scatter3A = arith.constant 0 : i32
        %scatter3A_707 = arith.constant 0 : i32
        %scatter3A_708 = arith.constant 0 : i32
        %scatter3A_709 = tpu.memref_slice %arg7[%scatter3A, %scatter3A_707, %scatter3A_708] : memref<2x128x129xf32, #tpu.memory_space<vmem>> -> memref<1x128x129xf32, #tpu.memory_space<vmem>>
        %scatter3A_710 = tpu.memref_squeeze %scatter3A_709 : memref<1x128x129xf32, #tpu.memory_space<vmem>> -> memref<128x129xf32, #tpu.memory_space<vmem>>
        tpu.vector_store_idx %scatter3A_710[%add3A_313, %add3A_706], %get3A_703 : memref<128x129xf32, #tpu.memory_space<vmem>>[vector<16xi32>, vector<16xi32>], vector<16xf32>,
        %mul3A_711 = arith.constant 4 : i32
        %mul3A_712 = arith.muli %scan3A_692, %mul3A_711 : i32
        %add3A_713 = arith.constant 0 : i32
        %add3A_714 = arith.addi %add3A_713, %mul3A_712 : i32
        %add3A_715 = arith.constant 1 : i32
        %add3A_716 = arith.addi %add3A_714, %add3A_715 : i32
        %get3A_717 = arith.constant 0 : i32
        %get3A_718 = arith.index_cast %get3A_717 : i32 to index
        %get3A_719 = arith.index_cast %add3A_716 : i32 to index
        %get3A_720 = arith.constant 0 : index
        %get3A_721 = tpu.vector_load %arg6[%get3A_718, %get3A_719, %get3A_720] {strides = array<i32>} : memref<2x1024x16xf32, #tpu.memory_space<vmem>>, vector<16xf32>,
        %add3A_722 = arith.constant 1 : i32
        %add3A_723 = vector.broadcast %add3A_722 : i32 to vector<16xi32>
        %add3A_724 = arith.addi %scan3A_693, %add3A_723 : vector<16xi32>
        %scatter3A_725 = arith.constant 0 : i32
        %scatter3A_726 = arith.constant 0 : i32
        %scatter3A_727 = arith.constant 0 : i32
        %scatter3A_728 = tpu.memref_slice %arg7[%scatter3A_725, %scatter3A_726, %scatter3A_727] : memref<2x128x129xf32, #tpu.memory_space<vmem>> -> memref<1x128x129xf32, #tpu.memory_space<vmem>>
        %scatter3A_729 = tpu.memref_squeeze %scatter3A_728 : memref<1x128x129xf32, #tpu.memory_space<vmem>> -> memref<128x129xf32, #tpu.memory_space<vmem>>
        tpu.vector_store_idx %scatter3A_729[%add3A_313, %add3A_724], %get3A_721 : memref<128x129xf32, #tpu.memory_space<vmem>>[vector<16xi32>, vector<16xi32>], vector<16xf32>,
        %mul3A_730 = arith.constant 4 : i32
        %mul3A_731 = arith.muli %scan3A_692, %mul3A_730 : i32
        %add3A_732 = arith.constant 0 : i32
        %add3A_733 = arith.addi %add3A_732, %mul3A_731 : i32
        %add3A_734 = arith.constant 2 : i32
        %add3A_735 = arith.addi %add3A_733, %add3A_734 : i32
        %get3A_736 = arith.constant 0 : i32
        %get3A_737 = arith.index_cast %get3A_736 : i32 to index
        %get3A_738 = arith.index_cast %add3A_735 : i32 to index
        %get3A_739 = arith.constant 0 : index
        %get3A_740 = tpu.vector_load %arg6[%get3A_737, %get3A_738, %get3A_739] {strides = array<i32>} : memref<2x1024x16xf32, #tpu.memory_space<vmem>>, vector<16xf32>,
        %add3A_741 = arith.constant 2 : i32
        %add3A_742 = vector.broadcast %add3A_741 : i32 to vector<16xi32>
        %add3A_743 = arith.addi %scan3A_693, %add3A_742 : vector<16xi32>
        %scatter3A_744 = arith.constant 0 : i32
        %scatter3A_745 = arith.constant 0 : i32
        %scatter3A_746 = arith.constant 0 : i32
        %scatter3A_747 = tpu.memref_slice %arg7[%scatter3A_744, %scatter3A_745, %scatter3A_746] : memref<2x128x129xf32, #tpu.memory_space<vmem>> -> memref<1x128x129xf32, #tpu.memory_space<vmem>>
        %scatter3A_748 = tpu.memref_squeeze %scatter3A_747 : memref<1x128x129xf32, #tpu.memory_space<vmem>> -> memref<128x129xf32, #tpu.memory_space<vmem>>
        tpu.vector_store_idx %scatter3A_748[%add3A_313, %add3A_743], %get3A_740 : memref<128x129xf32, #tpu.memory_space<vmem>>[vector<16xi32>, vector<16xi32>], vector<16xf32>,
        %mul3A_749 = arith.constant 4 : i32
        %mul3A_750 = arith.muli %scan3A_692, %mul3A_749 : i32
        %add3A_751 = arith.constant 0 : i32
        %add3A_752 = arith.addi %add3A_751, %mul3A_750 : i32
        %add3A_753 = arith.constant 3 : i32
        %add3A_754 = arith.addi %add3A_752, %add3A_753 : i32
        %get3A_755 = arith.constant 0 : i32
        %get3A_756 = arith.index_cast %get3A_755 : i32 to index
        %get3A_757 = arith.index_cast %add3A_754 : i32 to index
        %get3A_758 = arith.constant 0 : index
        %get3A_759 = tpu.vector_load %arg6[%get3A_756, %get3A_757, %get3A_758] {strides = array<i32>} : memref<2x1024x16xf32, #tpu.memory_space<vmem>>, vector<16xf32>,
        %add3A_760 = arith.constant 3 : i32
        %add3A_761 = vector.broadcast %add3A_760 : i32 to vector<16xi32>
        %add3A_762 = arith.addi %scan3A_693, %add3A_761 : vector<16xi32>
        %scatter3A_763 = arith.constant 0 : i32
        %scatter3A_764 = arith.constant 0 : i32
        %scatter3A_765 = arith.constant 0 : i32
        %scatter3A_766 = tpu.memref_slice %arg7[%scatter3A_763, %scatter3A_764, %scatter3A_765] : memref<2x128x129xf32, #tpu.memory_space<vmem>> -> memref<1x128x129xf32, #tpu.memory_space<vmem>>
        %scatter3A_767 = tpu.memref_squeeze %scatter3A_766 : memref<1x128x129xf32, #tpu.memory_space<vmem>> -> memref<128x129xf32, #tpu.memory_space<vmem>>
        tpu.vector_store_idx %scatter3A_767[%add3A_313, %add3A_762], %get3A_759 : memref<128x129xf32, #tpu.memory_space<vmem>>[vector<16xi32>, vector<16xi32>], vector<16xf32>,
        %add3A_768 = arith.constant 4 : i32
        %add3A_769 = vector.broadcast %add3A_768 : i32 to vector<16xi32>
        %add3A_770 = arith.addi %scan3A_693, %add3A_769 : vector<16xi32>
        scf.yield %add3A_770 : vector<16xi32>
      }
      %scan3A_321 = arith.constant 32 : i32
      %add3A_322 = arith.constant 8 : i32
      %add3A_323 = vector.broadcast %add3A_322 : i32 to vector<16xi32>
      %add3A_324 = arith.addi %add3A_49, %add3A_323 : vector<16xi32>
      %broadcast_in_dim3A_325 = arith.constant 0 : i32
      %broadcast_in_dim3A_326 = vector.broadcast %broadcast_in_dim3A_325 : i32 to vector<16xi32>
      %scan3A_327 = arith.constant 0 : i32
      %scan3A_328 = arith.constant 32 : i32
      %scan3A_329 = arith.addi %scan3A_327, %scan3A_328 : i32
      %scan3A_330 = arith.constant 1 : i32
      %scan3A_331 = scf.for %scan3A_692 = %scan3A_327 to %scan3A_329 step %scan3A_330 iter_args(%scan3A_693 = %broadcast_in_dim3A_326) -> (vector<16xi32>)  : i32 {
        %mul3A_694 = arith.constant 4 : i32
        %mul3A_695 = arith.muli %scan3A_692, %mul3A_694 : i32
        %add3A_696 = arith.constant 128 : i32
        %add3A_697 = arith.addi %add3A_696, %mul3A_695 : i32
        %add3A_698 = arith.constant 0 : i32
        %add3A_699 = arith.addi %add3A_697, %add3A_698 : i32
        %get3A = arith.constant 0 : i32
        %get3A_700 = arith.index_cast %get3A : i32 to index
        %get3A_701 = arith.index_cast %add3A_699 : i32 to index
        %get3A_702 = arith.constant 0 : index
        %get3A_703 = tpu.vector_load %arg6[%get3A_700, %get3A_701, %get3A_702] {strides = array<i32>} : memref<2x1024x16xf32, #tpu.memory_space<vmem>>, vector<16xf32>,
        %add3A_704 = arith.constant 0 : i32
        %add3A_705 = vector.broadcast %add3A_704 : i32 to vector<16xi32>
        %add3A_706 = arith.addi %scan3A_693, %add3A_705 : vector<16xi32>
        %scatter3A = arith.constant 0 : i32
        %scatter3A_707 = arith.constant 0 : i32
        %scatter3A_708 = arith.constant 0 : i32
        %scatter3A_709 = tpu.memref_slice %arg7[%scatter3A, %scatter3A_707, %scatter3A_708] : memref<2x128x129xf32, #tpu.memory_space<vmem>> -> memref<1x128x129xf32, #tpu.memory_space<vmem>>
        %scatter3A_710 = tpu.memref_squeeze %scatter3A_709 : memref<1x128x129xf32, #tpu.memory_space<vmem>> -> memref<128x129xf32, #tpu.memory_space<vmem>>
        tpu.vector_store_idx %scatter3A_710[%add3A_324, %add3A_706], %get3A_703 : memref<128x129xf32, #tpu.memory_space<vmem>>[vector<16xi32>, vector<16xi32>], vector<16xf32>,
        %mul3A_711 = arith.constant 4 : i32
        %mul3A_712 = arith.muli %scan3A_692, %mul3A_711 : i32
        %add3A_713 = arith.constant 128 : i32
        %add3A_714 = arith.addi %add3A_713, %mul3A_712 : i32
        %add3A_715 = arith.constant 1 : i32
        %add3A_716 = arith.addi %add3A_714, %add3A_715 : i32
        %get3A_717 = arith.constant 0 : i32
        %get3A_718 = arith.index_cast %get3A_717 : i32 to index
        %get3A_719 = arith.index_cast %add3A_716 : i32 to index
        %get3A_720 = arith.constant 0 : index
        %get3A_721 = tpu.vector_load %arg6[%get3A_718, %get3A_719, %get3A_720] {strides = array<i32>} : memref<2x1024x16xf32, #tpu.memory_space<vmem>>, vector<16xf32>,
        %add3A_722 = arith.constant 1 : i32
        %add3A_723 = vector.broadcast %add3A_722 : i32 to vector<16xi32>
        %add3A_724 = arith.addi %scan3A_693, %add3A_723 : vector<16xi32>
        %scatter3A_725 = arith.constant 0 : i32
        %scatter3A_726 = arith.constant 0 : i32
        %scatter3A_727 = arith.constant 0 : i32
        %scatter3A_728 = tpu.memref_slice %arg7[%scatter3A_725, %scatter3A_726, %scatter3A_727] : memref<2x128x129xf32, #tpu.memory_space<vmem>> -> memref<1x128x129xf32, #tpu.memory_space<vmem>>
        %scatter3A_729 = tpu.memref_squeeze %scatter3A_728 : memref<1x128x129xf32, #tpu.memory_space<vmem>> -> memref<128x129xf32, #tpu.memory_space<vmem>>
        tpu.vector_store_idx %scatter3A_729[%add3A_324, %add3A_724], %get3A_721 : memref<128x129xf32, #tpu.memory_space<vmem>>[vector<16xi32>, vector<16xi32>], vector<16xf32>,
        %mul3A_730 = arith.constant 4 : i32
        %mul3A_731 = arith.muli %scan3A_692, %mul3A_730 : i32
        %add3A_732 = arith.constant 128 : i32
        %add3A_733 = arith.addi %add3A_732, %mul3A_731 : i32
        %add3A_734 = arith.constant 2 : i32
        %add3A_735 = arith.addi %add3A_733, %add3A_734 : i32
        %get3A_736 = arith.constant 0 : i32
        %get3A_737 = arith.index_cast %get3A_736 : i32 to index
        %get3A_738 = arith.index_cast %add3A_735 : i32 to index
        %get3A_739 = arith.constant 0 : index
        %get3A_740 = tpu.vector_load %arg6[%get3A_737, %get3A_738, %get3A_739] {strides = array<i32>} : memref<2x1024x16xf32, #tpu.memory_space<vmem>>, vector<16xf32>,
        %add3A_741 = arith.constant 2 : i32
        %add3A_742 = vector.broadcast %add3A_741 : i32 to vector<16xi32>
        %add3A_743 = arith.addi %scan3A_693, %add3A_742 : vector<16xi32>
        %scatter3A_744 = arith.constant 0 : i32
        %scatter3A_745 = arith.constant 0 : i32
        %scatter3A_746 = arith.constant 0 : i32
        %scatter3A_747 = tpu.memref_slice %arg7[%scatter3A_744, %scatter3A_745, %scatter3A_746] : memref<2x128x129xf32, #tpu.memory_space<vmem>> -> memref<1x128x129xf32, #tpu.memory_space<vmem>>
        %scatter3A_748 = tpu.memref_squeeze %scatter3A_747 : memref<1x128x129xf32, #tpu.memory_space<vmem>> -> memref<128x129xf32, #tpu.memory_space<vmem>>
        tpu.vector_store_idx %scatter3A_748[%add3A_324, %add3A_743], %get3A_740 : memref<128x129xf32, #tpu.memory_space<vmem>>[vector<16xi32>, vector<16xi32>], vector<16xf32>,
        %mul3A_749 = arith.constant 4 : i32
        %mul3A_750 = arith.muli %scan3A_692, %mul3A_749 : i32
        %add3A_751 = arith.constant 128 : i32
        %add3A_752 = arith.addi %add3A_751, %mul3A_750 : i32
        %add3A_753 = arith.constant 3 : i32
        %add3A_754 = arith.addi %add3A_752, %add3A_753 : i32
        %get3A_755 = arith.constant 0 : i32
        %get3A_756 = arith.index_cast %get3A_755 : i32 to index
        %get3A_757 = arith.index_cast %add3A_754 : i32 to index
        %get3A_758 = arith.constant 0 : index
        %get3A_759 = tpu.vector_load %arg6[%get3A_756, %get3A_757, %get3A_758] {strides = array<i32>} : memref<2x1024x16xf32, #tpu.memory_space<vmem>>, vector<16xf32>,
        %add3A_760 = arith.constant 3 : i32
        %add3A_761 = vector.broadcast %add3A_760 : i32 to vector<16xi32>
        %add3A_762 = arith.addi %scan3A_693, %add3A_761 : vector<16xi32>
        %scatter3A_763 = arith.constant 0 : i32
        %scatter3A_764 = arith.constant 0 : i32
        %scatter3A_765 = arith.constant 0 : i32
        %scatter3A_766 = tpu.memref_slice %arg7[%scatter3A_763, %scatter3A_764, %scatter3A_765] : memref<2x128x129xf32, #tpu.memory_space<vmem>> -> memref<1x128x129xf32, #tpu.memory_space<vmem>>
        %scatter3A_767 = tpu.memref_squeeze %scatter3A_766 : memref<1x128x129xf32, #tpu.memory_space<vmem>> -> memref<128x129xf32, #tpu.memory_space<vmem>>
        tpu.vector_store_idx %scatter3A_767[%add3A_324, %add3A_762], %get3A_759 : memref<128x129xf32, #tpu.memory_space<vmem>>[vector<16xi32>, vector<16xi32>], vector<16xf32>,
        %add3A_768 = arith.constant 4 : i32
        %add3A_769 = vector.broadcast %add3A_768 : i32 to vector<16xi32>
        %add3A_770 = arith.addi %scan3A_693, %add3A_769 : vector<16xi32>
        scf.yield %add3A_770 : vector<16xi32>
      }
      %scan3A_332 = arith.constant 32 : i32
      %add3A_333 = arith.constant 16 : i32
      %add3A_334 = vector.broadcast %add3A_333 : i32 to vector<16xi32>
      %add3A_335 = arith.addi %add3A_49, %add3A_334 : vector<16xi32>
      %broadcast_in_dim3A_336 = arith.constant 0 : i32
      %broadcast_in_dim3A_337 = vector.broadcast %broadcast_in_dim3A_336 : i32 to vector<16xi32>
      %scan3A_338 = arith.constant 0 : i32
      %scan3A_339 = arith.constant 32 : i32
      %scan3A_340 = arith.addi %scan3A_338, %scan3A_339 : i32
      %scan3A_341 = arith.constant 1 : i32
      %scan3A_342 = scf.for %scan3A_692 = %scan3A_338 to %scan3A_340 step %scan3A_341 iter_args(%scan3A_693 = %broadcast_in_dim3A_337) -> (vector<16xi32>)  : i32 {
        %mul3A_694 = arith.constant 4 : i32
        %mul3A_695 = arith.muli %scan3A_692, %mul3A_694 : i32
        %add3A_696 = arith.constant 256 : i32
        %add3A_697 = arith.addi %add3A_696, %mul3A_695 : i32
        %add3A_698 = arith.constant 0 : i32
        %add3A_699 = arith.addi %add3A_697, %add3A_698 : i32
        %get3A = arith.constant 0 : i32
        %get3A_700 = arith.index_cast %get3A : i32 to index
        %get3A_701 = arith.index_cast %add3A_699 : i32 to index
        %get3A_702 = arith.constant 0 : index
        %get3A_703 = tpu.vector_load %arg6[%get3A_700, %get3A_701, %get3A_702] {strides = array<i32>} : memref<2x1024x16xf32, #tpu.memory_space<vmem>>, vector<16xf32>,
        %add3A_704 = arith.constant 0 : i32
        %add3A_705 = vector.broadcast %add3A_704 : i32 to vector<16xi32>
        %add3A_706 = arith.addi %scan3A_693, %add3A_705 : vector<16xi32>
        %scatter3A = arith.constant 0 : i32
        %scatter3A_707 = arith.constant 0 : i32
        %scatter3A_708 = arith.constant 0 : i32
        %scatter3A_709 = tpu.memref_slice %arg7[%scatter3A, %scatter3A_707, %scatter3A_708] : memref<2x128x129xf32, #tpu.memory_space<vmem>> -> memref<1x128x129xf32, #tpu.memory_space<vmem>>
        %scatter3A_710 = tpu.memref_squeeze %scatter3A_709 : memref<1x128x129xf32, #tpu.memory_space<vmem>> -> memref<128x129xf32, #tpu.memory_space<vmem>>
        tpu.vector_store_idx %scatter3A_710[%add3A_335, %add3A_706], %get3A_703 : memref<128x129xf32, #tpu.memory_space<vmem>>[vector<16xi32>, vector<16xi32>], vector<16xf32>,
        %mul3A_711 = arith.constant 4 : i32
        %mul3A_712 = arith.muli %scan3A_692, %mul3A_711 : i32
        %add3A_713 = arith.constant 256 : i32
        %add3A_714 = arith.addi %add3A_713, %mul3A_712 : i32
        %add3A_715 = arith.constant 1 : i32
        %add3A_716 = arith.addi %add3A_714, %add3A_715 : i32
        %get3A_717 = arith.constant 0 : i32
        %get3A_718 = arith.index_cast %get3A_717 : i32 to index
        %get3A_719 = arith.index_cast %add3A_716 : i32 to index
        %get3A_720 = arith.constant 0 : index
        %get3A_721 = tpu.vector_load %arg6[%get3A_718, %get3A_719, %get3A_720] {strides = array<i32>} : memref<2x1024x16xf32, #tpu.memory_space<vmem>>, vector<16xf32>,
        %add3A_722 = arith.constant 1 : i32
        %add3A_723 = vector.broadcast %add3A_722 : i32 to vector<16xi32>
        %add3A_724 = arith.addi %scan3A_693, %add3A_723 : vector<16xi32>
        %scatter3A_725 = arith.constant 0 : i32
        %scatter3A_726 = arith.constant 0 : i32
        %scatter3A_727 = arith.constant 0 : i32
        %scatter3A_728 = tpu.memref_slice %arg7[%scatter3A_725, %scatter3A_726, %scatter3A_727] : memref<2x128x129xf32, #tpu.memory_space<vmem>> -> memref<1x128x129xf32, #tpu.memory_space<vmem>>
        %scatter3A_729 = tpu.memref_squeeze %scatter3A_728 : memref<1x128x129xf32, #tpu.memory_space<vmem>> -> memref<128x129xf32, #tpu.memory_space<vmem>>
        tpu.vector_store_idx %scatter3A_729[%add3A_335, %add3A_724], %get3A_721 : memref<128x129xf32, #tpu.memory_space<vmem>>[vector<16xi32>, vector<16xi32>], vector<16xf32>,
        %mul3A_730 = arith.constant 4 : i32
        %mul3A_731 = arith.muli %scan3A_692, %mul3A_730 : i32
        %add3A_732 = arith.constant 256 : i32
        %add3A_733 = arith.addi %add3A_732, %mul3A_731 : i32
        %add3A_734 = arith.constant 2 : i32
        %add3A_735 = arith.addi %add3A_733, %add3A_734 : i32
        %get3A_736 = arith.constant 0 : i32
        %get3A_737 = arith.index_cast %get3A_736 : i32 to index
        %get3A_738 = arith.index_cast %add3A_735 : i32 to index
        %get3A_739 = arith.constant 0 : index
        %get3A_740 = tpu.vector_load %arg6[%get3A_737, %get3A_738, %get3A_739] {strides = array<i32>} : memref<2x1024x16xf32, #tpu.memory_space<vmem>>, vector<16xf32>,
        %add3A_741 = arith.constant 2 : i32
        %add3A_742 = vector.broadcast %add3A_741 : i32 to vector<16xi32>
        %add3A_743 = arith.addi %scan3A_693, %add3A_742 : vector<16xi32>
        %scatter3A_744 = arith.constant 0 : i32
        %scatter3A_745 = arith.constant 0 : i32
        %scatter3A_746 = arith.constant 0 : i32
        %scatter3A_747 = tpu.memref_slice %arg7[%scatter3A_744, %scatter3A_745, %scatter3A_746] : memref<2x128x129xf32, #tpu.memory_space<vmem>> -> memref<1x128x129xf32, #tpu.memory_space<vmem>>
        %scatter3A_748 = tpu.memref_squeeze %scatter3A_747 : memref<1x128x129xf32, #tpu.memory_space<vmem>> -> memref<128x129xf32, #tpu.memory_space<vmem>>
        tpu.vector_store_idx %scatter3A_748[%add3A_335, %add3A_743], %get3A_740 : memref<128x129xf32, #tpu.memory_space<vmem>>[vector<16xi32>, vector<16xi32>], vector<16xf32>,
        %mul3A_749 = arith.constant 4 : i32
        %mul3A_750 = arith.muli %scan3A_692, %mul3A_749 : i32
        %add3A_751 = arith.constant 256 : i32
        %add3A_752 = arith.addi %add3A_751, %mul3A_750 : i32
        %add3A_753 = arith.constant 3 : i32
        %add3A_754 = arith.addi %add3A_752, %add3A_753 : i32
        %get3A_755 = arith.constant 0 : i32
        %get3A_756 = arith.index_cast %get3A_755 : i32 to index
        %get3A_757 = arith.index_cast %add3A_754 : i32 to index
        %get3A_758 = arith.constant 0 : index
        %get3A_759 = tpu.vector_load %arg6[%get3A_756, %get3A_757, %get3A_758] {strides = array<i32>} : memref<2x1024x16xf32, #tpu.memory_space<vmem>>, vector<16xf32>,
        %add3A_760 = arith.constant 3 : i32
        %add3A_761 = vector.broadcast %add3A_760 : i32 to vector<16xi32>
        %add3A_762 = arith.addi %scan3A_693, %add3A_761 : vector<16xi32>
        %scatter3A_763 = arith.constant 0 : i32
        %scatter3A_764 = arith.constant 0 : i32
        %scatter3A_765 = arith.constant 0 : i32
        %scatter3A_766 = tpu.memref_slice %arg7[%scatter3A_763, %scatter3A_764, %scatter3A_765] : memref<2x128x129xf32, #tpu.memory_space<vmem>> -> memref<1x128x129xf32, #tpu.memory_space<vmem>>
        %scatter3A_767 = tpu.memref_squeeze %scatter3A_766 : memref<1x128x129xf32, #tpu.memory_space<vmem>> -> memref<128x129xf32, #tpu.memory_space<vmem>>
        tpu.vector_store_idx %scatter3A_767[%add3A_335, %add3A_762], %get3A_759 : memref<128x129xf32, #tpu.memory_space<vmem>>[vector<16xi32>, vector<16xi32>], vector<16xf32>,
        %add3A_768 = arith.constant 4 : i32
        %add3A_769 = vector.broadcast %add3A_768 : i32 to vector<16xi32>
        %add3A_770 = arith.addi %scan3A_693, %add3A_769 : vector<16xi32>
        scf.yield %add3A_770 : vector<16xi32>
      }
      %scan3A_343 = arith.constant 32 : i32
      %add3A_344 = arith.constant 24 : i32
      %add3A_345 = vector.broadcast %add3A_344 : i32 to vector<16xi32>
      %add3A_346 = arith.addi %add3A_49, %add3A_345 : vector<16xi32>
      %broadcast_in_dim3A_347 = arith.constant 0 : i32
      %broadcast_in_dim3A_348 = vector.broadcast %broadcast_in_dim3A_347 : i32 to vector<16xi32>
      %scan3A_349 = arith.constant 0 : i32
      %scan3A_350 = arith.constant 32 : i32
      %scan3A_351 = arith.addi %scan3A_349, %scan3A_350 : i32
      %scan3A_352 = arith.constant 1 : i32
      %scan3A_353 = scf.for %scan3A_692 = %scan3A_349 to %scan3A_351 step %scan3A_352 iter_args(%scan3A_693 = %broadcast_in_dim3A_348) -> (vector<16xi32>)  : i32 {
        %mul3A_694 = arith.constant 4 : i32
        %mul3A_695 = arith.muli %scan3A_692, %mul3A_694 : i32
        %add3A_696 = arith.constant 384 : i32
        %add3A_697 = arith.addi %add3A_696, %mul3A_695 : i32
        %add3A_698 = arith.constant 0 : i32
        %add3A_699 = arith.addi %add3A_697, %add3A_698 : i32
        %get3A = arith.constant 0 : i32
        %get3A_700 = arith.index_cast %get3A : i32 to index
        %get3A_701 = arith.index_cast %add3A_699 : i32 to index
        %get3A_702 = arith.constant 0 : index
        %get3A_703 = tpu.vector_load %arg6[%get3A_700, %get3A_701, %get3A_702] {strides = array<i32>} : memref<2x1024x16xf32, #tpu.memory_space<vmem>>, vector<16xf32>,
        %add3A_704 = arith.constant 0 : i32
        %add3A_705 = vector.broadcast %add3A_704 : i32 to vector<16xi32>
        %add3A_706 = arith.addi %scan3A_693, %add3A_705 : vector<16xi32>
        %scatter3A = arith.constant 0 : i32
        %scatter3A_707 = arith.constant 0 : i32
        %scatter3A_708 = arith.constant 0 : i32
        %scatter3A_709 = tpu.memref_slice %arg7[%scatter3A, %scatter3A_707, %scatter3A_708] : memref<2x128x129xf32, #tpu.memory_space<vmem>> -> memref<1x128x129xf32, #tpu.memory_space<vmem>>
        %scatter3A_710 = tpu.memref_squeeze %scatter3A_709 : memref<1x128x129xf32, #tpu.memory_space<vmem>> -> memref<128x129xf32, #tpu.memory_space<vmem>>
        tpu.vector_store_idx %scatter3A_710[%add3A_346, %add3A_706], %get3A_703 : memref<128x129xf32, #tpu.memory_space<vmem>>[vector<16xi32>, vector<16xi32>], vector<16xf32>,
        %mul3A_711 = arith.constant 4 : i32
        %mul3A_712 = arith.muli %scan3A_692, %mul3A_711 : i32
        %add3A_713 = arith.constant 384 : i32
        %add3A_714 = arith.addi %add3A_713, %mul3A_712 : i32
        %add3A_715 = arith.constant 1 : i32
        %add3A_716 = arith.addi %add3A_714, %add3A_715 : i32
        %get3A_717 = arith.constant 0 : i32
        %get3A_718 = arith.index_cast %get3A_717 : i32 to index
        %get3A_719 = arith.index_cast %add3A_716 : i32 to index
        %get3A_720 = arith.constant 0 : index
        %get3A_721 = tpu.vector_load %arg6[%get3A_718, %get3A_719, %get3A_720] {strides = array<i32>} : memref<2x1024x16xf32, #tpu.memory_space<vmem>>, vector<16xf32>,
        %add3A_722 = arith.constant 1 : i32
        %add3A_723 = vector.broadcast %add3A_722 : i32 to vector<16xi32>
        %add3A_724 = arith.addi %scan3A_693, %add3A_723 : vector<16xi32>
        %scatter3A_725 = arith.constant 0 : i32
        %scatter3A_726 = arith.constant 0 : i32
        %scatter3A_727 = arith.constant 0 : i32
        %scatter3A_728 = tpu.memref_slice %arg7[%scatter3A_725, %scatter3A_726, %scatter3A_727] : memref<2x128x129xf32, #tpu.memory_space<vmem>> -> memref<1x128x129xf32, #tpu.memory_space<vmem>>
        %scatter3A_729 = tpu.memref_squeeze %scatter3A_728 : memref<1x128x129xf32, #tpu.memory_space<vmem>> -> memref<128x129xf32, #tpu.memory_space<vmem>>
        tpu.vector_store_idx %scatter3A_729[%add3A_346, %add3A_724], %get3A_721 : memref<128x129xf32, #tpu.memory_space<vmem>>[vector<16xi32>, vector<16xi32>], vector<16xf32>,
        %mul3A_730 = arith.constant 4 : i32
        %mul3A_731 = arith.muli %scan3A_692, %mul3A_730 : i32
        %add3A_732 = arith.constant 384 : i32
        %add3A_733 = arith.addi %add3A_732, %mul3A_731 : i32
        %add3A_734 = arith.constant 2 : i32
        %add3A_735 = arith.addi %add3A_733, %add3A_734 : i32
        %get3A_736 = arith.constant 0 : i32
        %get3A_737 = arith.index_cast %get3A_736 : i32 to index
        %get3A_738 = arith.index_cast %add3A_735 : i32 to index
        %get3A_739 = arith.constant 0 : index
        %get3A_740 = tpu.vector_load %arg6[%get3A_737, %get3A_738, %get3A_739] {strides = array<i32>} : memref<2x1024x16xf32, #tpu.memory_space<vmem>>, vector<16xf32>,
        %add3A_741 = arith.constant 2 : i32
        %add3A_742 = vector.broadcast %add3A_741 : i32 to vector<16xi32>
        %add3A_743 = arith.addi %scan3A_693, %add3A_742 : vector<16xi32>
        %scatter3A_744 = arith.constant 0 : i32
        %scatter3A_745 = arith.constant 0 : i32
        %scatter3A_746 = arith.constant 0 : i32
        %scatter3A_747 = tpu.memref_slice %arg7[%scatter3A_744, %scatter3A_745, %scatter3A_746] : memref<2x128x129xf32, #tpu.memory_space<vmem>> -> memref<1x128x129xf32, #tpu.memory_space<vmem>>
        %scatter3A_748 = tpu.memref_squeeze %scatter3A_747 : memref<1x128x129xf32, #tpu.memory_space<vmem>> -> memref<128x129xf32, #tpu.memory_space<vmem>>
        tpu.vector_store_idx %scatter3A_748[%add3A_346, %add3A_743], %get3A_740 : memref<128x129xf32, #tpu.memory_space<vmem>>[vector<16xi32>, vector<16xi32>], vector<16xf32>,
        %mul3A_749 = arith.constant 4 : i32
        %mul3A_750 = arith.muli %scan3A_692, %mul3A_749 : i32
        %add3A_751 = arith.constant 384 : i32
        %add3A_752 = arith.addi %add3A_751, %mul3A_750 : i32
        %add3A_753 = arith.constant 3 : i32
        %add3A_754 = arith.addi %add3A_752, %add3A_753 : i32
        %get3A_755 = arith.constant 0 : i32
        %get3A_756 = arith.index_cast %get3A_755 : i32 to index
        %get3A_757 = arith.index_cast %add3A_754 : i32 to index
        %get3A_758 = arith.constant 0 : index
        %get3A_759 = tpu.vector_load %arg6[%get3A_756, %get3A_757, %get3A_758] {strides = array<i32>} : memref<2x1024x16xf32, #tpu.memory_space<vmem>>, vector<16xf32>,
        %add3A_760 = arith.constant 3 : i32
        %add3A_761 = vector.broadcast %add3A_760 : i32 to vector<16xi32>
        %add3A_762 = arith.addi %scan3A_693, %add3A_761 : vector<16xi32>
        %scatter3A_763 = arith.constant 0 : i32
        %scatter3A_764 = arith.constant 0 : i32
        %scatter3A_765 = arith.constant 0 : i32
        %scatter3A_766 = tpu.memref_slice %arg7[%scatter3A_763, %scatter3A_764, %scatter3A_765] : memref<2x128x129xf32, #tpu.memory_space<vmem>> -> memref<1x128x129xf32, #tpu.memory_space<vmem>>
        %scatter3A_767 = tpu.memref_squeeze %scatter3A_766 : memref<1x128x129xf32, #tpu.memory_space<vmem>> -> memref<128x129xf32, #tpu.memory_space<vmem>>
        tpu.vector_store_idx %scatter3A_767[%add3A_346, %add3A_762], %get3A_759 : memref<128x129xf32, #tpu.memory_space<vmem>>[vector<16xi32>, vector<16xi32>], vector<16xf32>,
        %add3A_768 = arith.constant 4 : i32
        %add3A_769 = vector.broadcast %add3A_768 : i32 to vector<16xi32>
        %add3A_770 = arith.addi %scan3A_693, %add3A_769 : vector<16xi32>
        scf.yield %add3A_770 : vector<16xi32>
      }
      %scan3A_354 = arith.constant 32 : i32
      %add3A_355 = arith.constant 32 : i32
      %add3A_356 = vector.broadcast %add3A_355 : i32 to vector<16xi32>
      %add3A_357 = arith.addi %add3A_49, %add3A_356 : vector<16xi32>
      %broadcast_in_dim3A_358 = arith.constant 0 : i32
      %broadcast_in_dim3A_359 = vector.broadcast %broadcast_in_dim3A_358 : i32 to vector<16xi32>
      %scan3A_360 = arith.constant 0 : i32
      %scan3A_361 = arith.constant 32 : i32
      %scan3A_362 = arith.addi %scan3A_360, %scan3A_361 : i32
      %scan3A_363 = arith.constant 1 : i32
      %scan3A_364 = scf.for %scan3A_692 = %scan3A_360 to %scan3A_362 step %scan3A_363 iter_args(%scan3A_693 = %broadcast_in_dim3A_359) -> (vector<16xi32>)  : i32 {
        %mul3A_694 = arith.constant 4 : i32
        %mul3A_695 = arith.muli %scan3A_692, %mul3A_694 : i32
        %add3A_696 = arith.constant 512 : i32
        %add3A_697 = arith.addi %add3A_696, %mul3A_695 : i32
        %add3A_698 = arith.constant 0 : i32
        %add3A_699 = arith.addi %add3A_697, %add3A_698 : i32
        %get3A = arith.constant 0 : i32
        %get3A_700 = arith.index_cast %get3A : i32 to index
        %get3A_701 = arith.index_cast %add3A_699 : i32 to index
        %get3A_702 = arith.constant 0 : index
        %get3A_703 = tpu.vector_load %arg6[%get3A_700, %get3A_701, %get3A_702] {strides = array<i32>} : memref<2x1024x16xf32, #tpu.memory_space<vmem>>, vector<16xf32>,
        %add3A_704 = arith.constant 0 : i32
        %add3A_705 = vector.broadcast %add3A_704 : i32 to vector<16xi32>
        %add3A_706 = arith.addi %scan3A_693, %add3A_705 : vector<16xi32>
        %scatter3A = arith.constant 0 : i32
        %scatter3A_707 = arith.constant 0 : i32
        %scatter3A_708 = arith.constant 0 : i32
        %scatter3A_709 = tpu.memref_slice %arg7[%scatter3A, %scatter3A_707, %scatter3A_708] : memref<2x128x129xf32, #tpu.memory_space<vmem>> -> memref<1x128x129xf32, #tpu.memory_space<vmem>>
        %scatter3A_710 = tpu.memref_squeeze %scatter3A_709 : memref<1x128x129xf32, #tpu.memory_space<vmem>> -> memref<128x129xf32, #tpu.memory_space<vmem>>
        tpu.vector_store_idx %scatter3A_710[%add3A_357, %add3A_706], %get3A_703 : memref<128x129xf32, #tpu.memory_space<vmem>>[vector<16xi32>, vector<16xi32>], vector<16xf32>,
        %mul3A_711 = arith.constant 4 : i32
        %mul3A_712 = arith.muli %scan3A_692, %mul3A_711 : i32
        %add3A_713 = arith.constant 512 : i32
        %add3A_714 = arith.addi %add3A_713, %mul3A_712 : i32
        %add3A_715 = arith.constant 1 : i32
        %add3A_716 = arith.addi %add3A_714, %add3A_715 : i32
        %get3A_717 = arith.constant 0 : i32
        %get3A_718 = arith.index_cast %get3A_717 : i32 to index
        %get3A_719 = arith.index_cast %add3A_716 : i32 to index
        %get3A_720 = arith.constant 0 : index
        %get3A_721 = tpu.vector_load %arg6[%get3A_718, %get3A_719, %get3A_720] {strides = array<i32>} : memref<2x1024x16xf32, #tpu.memory_space<vmem>>, vector<16xf32>,
        %add3A_722 = arith.constant 1 : i32
        %add3A_723 = vector.broadcast %add3A_722 : i32 to vector<16xi32>
        %add3A_724 = arith.addi %scan3A_693, %add3A_723 : vector<16xi32>
        %scatter3A_725 = arith.constant 0 : i32
        %scatter3A_726 = arith.constant 0 : i32
        %scatter3A_727 = arith.constant 0 : i32
        %scatter3A_728 = tpu.memref_slice %arg7[%scatter3A_725, %scatter3A_726, %scatter3A_727] : memref<2x128x129xf32, #tpu.memory_space<vmem>> -> memref<1x128x129xf32, #tpu.memory_space<vmem>>
        %scatter3A_729 = tpu.memref_squeeze %scatter3A_728 : memref<1x128x129xf32, #tpu.memory_space<vmem>> -> memref<128x129xf32, #tpu.memory_space<vmem>>
        tpu.vector_store_idx %scatter3A_729[%add3A_357, %add3A_724], %get3A_721 : memref<128x129xf32, #tpu.memory_space<vmem>>[vector<16xi32>, vector<16xi32>], vector<16xf32>,
        %mul3A_730 = arith.constant 4 : i32
        %mul3A_731 = arith.muli %scan3A_692, %mul3A_730 : i32
        %add3A_732 = arith.constant 512 : i32
        %add3A_733 = arith.addi %add3A_732, %mul3A_731 : i32
        %add3A_734 = arith.constant 2 : i32
        %add3A_735 = arith.addi %add3A_733, %add3A_734 : i32
        %get3A_736 = arith.constant 0 : i32
        %get3A_737 = arith.index_cast %get3A_736 : i32 to index
        %get3A_738 = arith.index_cast %add3A_735 : i32 to index
        %get3A_739 = arith.constant 0 : index
        %get3A_740 = tpu.vector_load %arg6[%get3A_737, %get3A_738, %get3A_739] {strides = array<i32>} : memref<2x1024x16xf32, #tpu.memory_space<vmem>>, vector<16xf32>,
        %add3A_741 = arith.constant 2 : i32
        %add3A_742 = vector.broadcast %add3A_741 : i32 to vector<16xi32>
        %add3A_743 = arith.addi %scan3A_693, %add3A_742 : vector<16xi32>
        %scatter3A_744 = arith.constant 0 : i32
        %scatter3A_745 = arith.constant 0 : i32
        %scatter3A_746 = arith.constant 0 : i32
        %scatter3A_747 = tpu.memref_slice %arg7[%scatter3A_744, %scatter3A_745, %scatter3A_746] : memref<2x128x129xf32, #tpu.memory_space<vmem>> -> memref<1x128x129xf32, #tpu.memory_space<vmem>>
        %scatter3A_748 = tpu.memref_squeeze %scatter3A_747 : memref<1x128x129xf32, #tpu.memory_space<vmem>> -> memref<128x129xf32, #tpu.memory_space<vmem>>
        tpu.vector_store_idx %scatter3A_748[%add3A_357, %add3A_743], %get3A_740 : memref<128x129xf32, #tpu.memory_space<vmem>>[vector<16xi32>, vector<16xi32>], vector<16xf32>,
        %mul3A_749 = arith.constant 4 : i32
        %mul3A_750 = arith.muli %scan3A_692, %mul3A_749 : i32
        %add3A_751 = arith.constant 512 : i32
        %add3A_752 = arith.addi %add3A_751, %mul3A_750 : i32
        %add3A_753 = arith.constant 3 : i32
        %add3A_754 = arith.addi %add3A_752, %add3A_753 : i32
        %get3A_755 = arith.constant 0 : i32
        %get3A_756 = arith.index_cast %get3A_755 : i32 to index
        %get3A_757 = arith.index_cast %add3A_754 : i32 to index
        %get3A_758 = arith.constant 0 : index
        %get3A_759 = tpu.vector_load %arg6[%get3A_756, %get3A_757, %get3A_758] {strides = array<i32>} : memref<2x1024x16xf32, #tpu.memory_space<vmem>>, vector<16xf32>,
        %add3A_760 = arith.constant 3 : i32
        %add3A_761 = vector.broadcast %add3A_760 : i32 to vector<16xi32>
        %add3A_762 = arith.addi %scan3A_693, %add3A_761 : vector<16xi32>
        %scatter3A_763 = arith.constant 0 : i32
        %scatter3A_764 = arith.constant 0 : i32
        %scatter3A_765 = arith.constant 0 : i32
        %scatter3A_766 = tpu.memref_slice %arg7[%scatter3A_763, %scatter3A_764, %scatter3A_765] : memref<2x128x129xf32, #tpu.memory_space<vmem>> -> memref<1x128x129xf32, #tpu.memory_space<vmem>>
        %scatter3A_767 = tpu.memref_squeeze %scatter3A_766 : memref<1x128x129xf32, #tpu.memory_space<vmem>> -> memref<128x129xf32, #tpu.memory_space<vmem>>
        tpu.vector_store_idx %scatter3A_767[%add3A_357, %add3A_762], %get3A_759 : memref<128x129xf32, #tpu.memory_space<vmem>>[vector<16xi32>, vector<16xi32>], vector<16xf32>,
        %add3A_768 = arith.constant 4 : i32
        %add3A_769 = vector.broadcast %add3A_768 : i32 to vector<16xi32>
        %add3A_770 = arith.addi %scan3A_693, %add3A_769 : vector<16xi32>
        scf.yield %add3A_770 : vector<16xi32>
      }
      %scan3A_365 = arith.constant 32 : i32
      %add3A_366 = arith.constant 40 : i32
      %add3A_367 = vector.broadcast %add3A_366 : i32 to vector<16xi32>
      %add3A_368 = arith.addi %add3A_49, %add3A_367 : vector<16xi32>
      %broadcast_in_dim3A_369 = arith.constant 0 : i32
      %broadcast_in_dim3A_370 = vector.broadcast %broadcast_in_dim3A_369 : i32 to vector<16xi32>
      %scan3A_371 = arith.constant 0 : i32
      %scan3A_372 = arith.constant 32 : i32
      %scan3A_373 = arith.addi %scan3A_371, %scan3A_372 : i32
      %scan3A_374 = arith.constant 1 : i32
      %scan3A_375 = scf.for %scan3A_692 = %scan3A_371 to %scan3A_373 step %scan3A_374 iter_args(%scan3A_693 = %broadcast_in_dim3A_370) -> (vector<16xi32>)  : i32 {
        %mul3A_694 = arith.constant 4 : i32
        %mul3A_695 = arith.muli %scan3A_692, %mul3A_694 : i32
        %add3A_696 = arith.constant 640 : i32
        %add3A_697 = arith.addi %add3A_696, %mul3A_695 : i32
        %add3A_698 = arith.constant 0 : i32
        %add3A_699 = arith.addi %add3A_697, %add3A_698 : i32
        %get3A = arith.constant 0 : i32
        %get3A_700 = arith.index_cast %get3A : i32 to index
        %get3A_701 = arith.index_cast %add3A_699 : i32 to index
        %get3A_702 = arith.constant 0 : index
        %get3A_703 = tpu.vector_load %arg6[%get3A_700, %get3A_701, %get3A_702] {strides = array<i32>} : memref<2x1024x16xf32, #tpu.memory_space<vmem>>, vector<16xf32>,
        %add3A_704 = arith.constant 0 : i32
        %add3A_705 = vector.broadcast %add3A_704 : i32 to vector<16xi32>
        %add3A_706 = arith.addi %scan3A_693, %add3A_705 : vector<16xi32>
        %scatter3A = arith.constant 0 : i32
        %scatter3A_707 = arith.constant 0 : i32
        %scatter3A_708 = arith.constant 0 : i32
        %scatter3A_709 = tpu.memref_slice %arg7[%scatter3A, %scatter3A_707, %scatter3A_708] : memref<2x128x129xf32, #tpu.memory_space<vmem>> -> memref<1x128x129xf32, #tpu.memory_space<vmem>>
        %scatter3A_710 = tpu.memref_squeeze %scatter3A_709 : memref<1x128x129xf32, #tpu.memory_space<vmem>> -> memref<128x129xf32, #tpu.memory_space<vmem>>
        tpu.vector_store_idx %scatter3A_710[%add3A_368, %add3A_706], %get3A_703 : memref<128x129xf32, #tpu.memory_space<vmem>>[vector<16xi32>, vector<16xi32>], vector<16xf32>,
        %mul3A_711 = arith.constant 4 : i32
        %mul3A_712 = arith.muli %scan3A_692, %mul3A_711 : i32
        %add3A_713 = arith.constant 640 : i32
        %add3A_714 = arith.addi %add3A_713, %mul3A_712 : i32
        %add3A_715 = arith.constant 1 : i32
        %add3A_716 = arith.addi %add3A_714, %add3A_715 : i32
        %get3A_717 = arith.constant 0 : i32
        %get3A_718 = arith.index_cast %get3A_717 : i32 to index
        %get3A_719 = arith.index_cast %add3A_716 : i32 to index
        %get3A_720 = arith.constant 0 : index
        %get3A_721 = tpu.vector_load %arg6[%get3A_718, %get3A_719, %get3A_720] {strides = array<i32>} : memref<2x1024x16xf32, #tpu.memory_space<vmem>>, vector<16xf32>,
        %add3A_722 = arith.constant 1 : i32
        %add3A_723 = vector.broadcast %add3A_722 : i32 to vector<16xi32>
        %add3A_724 = arith.addi %scan3A_693, %add3A_723 : vector<16xi32>
        %scatter3A_725 = arith.constant 0 : i32
        %scatter3A_726 = arith.constant 0 : i32
        %scatter3A_727 = arith.constant 0 : i32
        %scatter3A_728 = tpu.memref_slice %arg7[%scatter3A_725, %scatter3A_726, %scatter3A_727] : memref<2x128x129xf32, #tpu.memory_space<vmem>> -> memref<1x128x129xf32, #tpu.memory_space<vmem>>
        %scatter3A_729 = tpu.memref_squeeze %scatter3A_728 : memref<1x128x129xf32, #tpu.memory_space<vmem>> -> memref<128x129xf32, #tpu.memory_space<vmem>>
        tpu.vector_store_idx %scatter3A_729[%add3A_368, %add3A_724], %get3A_721 : memref<128x129xf32, #tpu.memory_space<vmem>>[vector<16xi32>, vector<16xi32>], vector<16xf32>,
        %mul3A_730 = arith.constant 4 : i32
        %mul3A_731 = arith.muli %scan3A_692, %mul3A_730 : i32
        %add3A_732 = arith.constant 640 : i32
        %add3A_733 = arith.addi %add3A_732, %mul3A_731 : i32
        %add3A_734 = arith.constant 2 : i32
        %add3A_735 = arith.addi %add3A_733, %add3A_734 : i32
        %get3A_736 = arith.constant 0 : i32
        %get3A_737 = arith.index_cast %get3A_736 : i32 to index
        %get3A_738 = arith.index_cast %add3A_735 : i32 to index
        %get3A_739 = arith.constant 0 : index
        %get3A_740 = tpu.vector_load %arg6[%get3A_737, %get3A_738, %get3A_739] {strides = array<i32>} : memref<2x1024x16xf32, #tpu.memory_space<vmem>>, vector<16xf32>,
        %add3A_741 = arith.constant 2 : i32
        %add3A_742 = vector.broadcast %add3A_741 : i32 to vector<16xi32>
        %add3A_743 = arith.addi %scan3A_693, %add3A_742 : vector<16xi32>
        %scatter3A_744 = arith.constant 0 : i32
        %scatter3A_745 = arith.constant 0 : i32
        %scatter3A_746 = arith.constant 0 : i32
        %scatter3A_747 = tpu.memref_slice %arg7[%scatter3A_744, %scatter3A_745, %scatter3A_746] : memref<2x128x129xf32, #tpu.memory_space<vmem>> -> memref<1x128x129xf32, #tpu.memory_space<vmem>>
        %scatter3A_748 = tpu.memref_squeeze %scatter3A_747 : memref<1x128x129xf32, #tpu.memory_space<vmem>> -> memref<128x129xf32, #tpu.memory_space<vmem>>
        tpu.vector_store_idx %scatter3A_748[%add3A_368, %add3A_743], %get3A_740 : memref<128x129xf32, #tpu.memory_space<vmem>>[vector<16xi32>, vector<16xi32>], vector<16xf32>,
        %mul3A_749 = arith.constant 4 : i32
        %mul3A_750 = arith.muli %scan3A_692, %mul3A_749 : i32
        %add3A_751 = arith.constant 640 : i32
        %add3A_752 = arith.addi %add3A_751, %mul3A_750 : i32
        %add3A_753 = arith.constant 3 : i32
        %add3A_754 = arith.addi %add3A_752, %add3A_753 : i32
        %get3A_755 = arith.constant 0 : i32
        %get3A_756 = arith.index_cast %get3A_755 : i32 to index
        %get3A_757 = arith.index_cast %add3A_754 : i32 to index
        %get3A_758 = arith.constant 0 : index
        %get3A_759 = tpu.vector_load %arg6[%get3A_756, %get3A_757, %get3A_758] {strides = array<i32>} : memref<2x1024x16xf32, #tpu.memory_space<vmem>>, vector<16xf32>,
        %add3A_760 = arith.constant 3 : i32
        %add3A_761 = vector.broadcast %add3A_760 : i32 to vector<16xi32>
        %add3A_762 = arith.addi %scan3A_693, %add3A_761 : vector<16xi32>
        %scatter3A_763 = arith.constant 0 : i32
        %scatter3A_764 = arith.constant 0 : i32
        %scatter3A_765 = arith.constant 0 : i32
        %scatter3A_766 = tpu.memref_slice %arg7[%scatter3A_763, %scatter3A_764, %scatter3A_765] : memref<2x128x129xf32, #tpu.memory_space<vmem>> -> memref<1x128x129xf32, #tpu.memory_space<vmem>>
        %scatter3A_767 = tpu.memref_squeeze %scatter3A_766 : memref<1x128x129xf32, #tpu.memory_space<vmem>> -> memref<128x129xf32, #tpu.memory_space<vmem>>
        tpu.vector_store_idx %scatter3A_767[%add3A_368, %add3A_762], %get3A_759 : memref<128x129xf32, #tpu.memory_space<vmem>>[vector<16xi32>, vector<16xi32>], vector<16xf32>,
        %add3A_768 = arith.constant 4 : i32
        %add3A_769 = vector.broadcast %add3A_768 : i32 to vector<16xi32>
        %add3A_770 = arith.addi %scan3A_693, %add3A_769 : vector<16xi32>
        scf.yield %add3A_770 : vector<16xi32>
      }
      %scan3A_376 = arith.constant 32 : i32
      %add3A_377 = arith.constant 48 : i32
      %add3A_378 = vector.broadcast %add3A_377 : i32 to vector<16xi32>
      %add3A_379 = arith.addi %add3A_49, %add3A_378 : vector<16xi32>
      %broadcast_in_dim3A_380 = arith.constant 0 : i32
      %broadcast_in_dim3A_381 = vector.broadcast %broadcast_in_dim3A_380 : i32 to vector<16xi32>
      %scan3A_382 = arith.constant 0 : i32
      %scan3A_383 = arith.constant 32 : i32
      %scan3A_384 = arith.addi %scan3A_382, %scan3A_383 : i32
      %scan3A_385 = arith.constant 1 : i32
      %scan3A_386 = scf.for %scan3A_692 = %scan3A_382 to %scan3A_384 step %scan3A_385 iter_args(%scan3A_693 = %broadcast_in_dim3A_381) -> (vector<16xi32>)  : i32 {
        %mul3A_694 = arith.constant 4 : i32
        %mul3A_695 = arith.muli %scan3A_692, %mul3A_694 : i32
        %add3A_696 = arith.constant 768 : i32
        %add3A_697 = arith.addi %add3A_696, %mul3A_695 : i32
        %add3A_698 = arith.constant 0 : i32
        %add3A_699 = arith.addi %add3A_697, %add3A_698 : i32
        %get3A = arith.constant 0 : i32
        %get3A_700 = arith.index_cast %get3A : i32 to index
        %get3A_701 = arith.index_cast %add3A_699 : i32 to index
        %get3A_702 = arith.constant 0 : index
        %get3A_703 = tpu.vector_load %arg6[%get3A_700, %get3A_701, %get3A_702] {strides = array<i32>} : memref<2x1024x16xf32, #tpu.memory_space<vmem>>, vector<16xf32>,
        %add3A_704 = arith.constant 0 : i32
        %add3A_705 = vector.broadcast %add3A_704 : i32 to vector<16xi32>
        %add3A_706 = arith.addi %scan3A_693, %add3A_705 : vector<16xi32>
        %scatter3A = arith.constant 0 : i32
        %scatter3A_707 = arith.constant 0 : i32
        %scatter3A_708 = arith.constant 0 : i32
        %scatter3A_709 = tpu.memref_slice %arg7[%scatter3A, %scatter3A_707, %scatter3A_708] : memref<2x128x129xf32, #tpu.memory_space<vmem>> -> memref<1x128x129xf32, #tpu.memory_space<vmem>>
        %scatter3A_710 = tpu.memref_squeeze %scatter3A_709 : memref<1x128x129xf32, #tpu.memory_space<vmem>> -> memref<128x129xf32, #tpu.memory_space<vmem>>
        tpu.vector_store_idx %scatter3A_710[%add3A_379, %add3A_706], %get3A_703 : memref<128x129xf32, #tpu.memory_space<vmem>>[vector<16xi32>, vector<16xi32>], vector<16xf32>,
        %mul3A_711 = arith.constant 4 : i32
        %mul3A_712 = arith.muli %scan3A_692, %mul3A_711 : i32
        %add3A_713 = arith.constant 768 : i32
        %add3A_714 = arith.addi %add3A_713, %mul3A_712 : i32
        %add3A_715 = arith.constant 1 : i32
        %add3A_716 = arith.addi %add3A_714, %add3A_715 : i32
        %get3A_717 = arith.constant 0 : i32
        %get3A_718 = arith.index_cast %get3A_717 : i32 to index
        %get3A_719 = arith.index_cast %add3A_716 : i32 to index
        %get3A_720 = arith.constant 0 : index
        %get3A_721 = tpu.vector_load %arg6[%get3A_718, %get3A_719, %get3A_720] {strides = array<i32>} : memref<2x1024x16xf32, #tpu.memory_space<vmem>>, vector<16xf32>,
        %add3A_722 = arith.constant 1 : i32
        %add3A_723 = vector.broadcast %add3A_722 : i32 to vector<16xi32>
        %add3A_724 = arith.addi %scan3A_693, %add3A_723 : vector<16xi32>
        %scatter3A_725 = arith.constant 0 : i32
        %scatter3A_726 = arith.constant 0 : i32
        %scatter3A_727 = arith.constant 0 : i32
        %scatter3A_728 = tpu.memref_slice %arg7[%scatter3A_725, %scatter3A_726, %scatter3A_727] : memref<2x128x129xf32, #tpu.memory_space<vmem>> -> memref<1x128x129xf32, #tpu.memory_space<vmem>>
        %scatter3A_729 = tpu.memref_squeeze %scatter3A_728 : memref<1x128x129xf32, #tpu.memory_space<vmem>> -> memref<128x129xf32, #tpu.memory_space<vmem>>
        tpu.vector_store_idx %scatter3A_729[%add3A_379, %add3A_724], %get3A_721 : memref<128x129xf32, #tpu.memory_space<vmem>>[vector<16xi32>, vector<16xi32>], vector<16xf32>,
        %mul3A_730 = arith.constant 4 : i32
        %mul3A_731 = arith.muli %scan3A_692, %mul3A_730 : i32
        %add3A_732 = arith.constant 768 : i32
        %add3A_733 = arith.addi %add3A_732, %mul3A_731 : i32
        %add3A_734 = arith.constant 2 : i32
        %add3A_735 = arith.addi %add3A_733, %add3A_734 : i32
        %get3A_736 = arith.constant 0 : i32
        %get3A_737 = arith.index_cast %get3A_736 : i32 to index
        %get3A_738 = arith.index_cast %add3A_735 : i32 to index
        %get3A_739 = arith.constant 0 : index
        %get3A_740 = tpu.vector_load %arg6[%get3A_737, %get3A_738, %get3A_739] {strides = array<i32>} : memref<2x1024x16xf32, #tpu.memory_space<vmem>>, vector<16xf32>,
        %add3A_741 = arith.constant 2 : i32
        %add3A_742 = vector.broadcast %add3A_741 : i32 to vector<16xi32>
        %add3A_743 = arith.addi %scan3A_693, %add3A_742 : vector<16xi32>
        %scatter3A_744 = arith.constant 0 : i32
        %scatter3A_745 = arith.constant 0 : i32
        %scatter3A_746 = arith.constant 0 : i32
        %scatter3A_747 = tpu.memref_slice %arg7[%scatter3A_744, %scatter3A_745, %scatter3A_746] : memref<2x128x129xf32, #tpu.memory_space<vmem>> -> memref<1x128x129xf32, #tpu.memory_space<vmem>>
        %scatter3A_748 = tpu.memref_squeeze %scatter3A_747 : memref<1x128x129xf32, #tpu.memory_space<vmem>> -> memref<128x129xf32, #tpu.memory_space<vmem>>
        tpu.vector_store_idx %scatter3A_748[%add3A_379, %add3A_743], %get3A_740 : memref<128x129xf32, #tpu.memory_space<vmem>>[vector<16xi32>, vector<16xi32>], vector<16xf32>,
        %mul3A_749 = arith.constant 4 : i32
        %mul3A_750 = arith.muli %scan3A_692, %mul3A_749 : i32
        %add3A_751 = arith.constant 768 : i32
        %add3A_752 = arith.addi %add3A_751, %mul3A_750 : i32
        %add3A_753 = arith.constant 3 : i32
        %add3A_754 = arith.addi %add3A_752, %add3A_753 : i32
        %get3A_755 = arith.constant 0 : i32
        %get3A_756 = arith.index_cast %get3A_755 : i32 to index
        %get3A_757 = arith.index_cast %add3A_754 : i32 to index
        %get3A_758 = arith.constant 0 : index
        %get3A_759 = tpu.vector_load %arg6[%get3A_756, %get3A_757, %get3A_758] {strides = array<i32>} : memref<2x1024x16xf32, #tpu.memory_space<vmem>>, vector<16xf32>,
        %add3A_760 = arith.constant 3 : i32
        %add3A_761 = vector.broadcast %add3A_760 : i32 to vector<16xi32>
        %add3A_762 = arith.addi %scan3A_693, %add3A_761 : vector<16xi32>
        %scatter3A_763 = arith.constant 0 : i32
        %scatter3A_764 = arith.constant 0 : i32
        %scatter3A_765 = arith.constant 0 : i32
        %scatter3A_766 = tpu.memref_slice %arg7[%scatter3A_763, %scatter3A_764, %scatter3A_765] : memref<2x128x129xf32, #tpu.memory_space<vmem>> -> memref<1x128x129xf32, #tpu.memory_space<vmem>>
        %scatter3A_767 = tpu.memref_squeeze %scatter3A_766 : memref<1x128x129xf32, #tpu.memory_space<vmem>> -> memref<128x129xf32, #tpu.memory_space<vmem>>
        tpu.vector_store_idx %scatter3A_767[%add3A_379, %add3A_762], %get3A_759 : memref<128x129xf32, #tpu.memory_space<vmem>>[vector<16xi32>, vector<16xi32>], vector<16xf32>,
        %add3A_768 = arith.constant 4 : i32
        %add3A_769 = vector.broadcast %add3A_768 : i32 to vector<16xi32>
        %add3A_770 = arith.addi %scan3A_693, %add3A_769 : vector<16xi32>
        scf.yield %add3A_770 : vector<16xi32>
      }
      %scan3A_387 = arith.constant 32 : i32
      %add3A_388 = arith.constant 56 : i32
      %add3A_389 = vector.broadcast %add3A_388 : i32 to vector<16xi32>
      %add3A_390 = arith.addi %add3A_49, %add3A_389 : vector<16xi32>
      %broadcast_in_dim3A_391 = arith.constant 0 : i32
      %broadcast_in_dim3A_392 = vector.broadcast %broadcast_in_dim3A_391 : i32 to vector<16xi32>
      %scan3A_393 = arith.constant 0 : i32
      %scan3A_394 = arith.constant 32 : i32
      %scan3A_395 = arith.addi %scan3A_393, %scan3A_394 : i32
      %scan3A_396 = arith.constant 1 : i32
      %scan3A_397 = scf.for %scan3A_692 = %scan3A_393 to %scan3A_395 step %scan3A_396 iter_args(%scan3A_693 = %broadcast_in_dim3A_392) -> (vector<16xi32>)  : i32 {
        %mul3A_694 = arith.constant 4 : i32
        %mul3A_695 = arith.muli %scan3A_692, %mul3A_694 : i32
        %add3A_696 = arith.constant 896 : i32
        %add3A_697 = arith.addi %add3A_696, %mul3A_695 : i32
        %add3A_698 = arith.constant 0 : i32
        %add3A_699 = arith.addi %add3A_697, %add3A_698 : i32
        %get3A = arith.constant 0 : i32
        %get3A_700 = arith.index_cast %get3A : i32 to index
        %get3A_701 = arith.index_cast %add3A_699 : i32 to index
        %get3A_702 = arith.constant 0 : index
        %get3A_703 = tpu.vector_load %arg6[%get3A_700, %get3A_701, %get3A_702] {strides = array<i32>} : memref<2x1024x16xf32, #tpu.memory_space<vmem>>, vector<16xf32>,
        %add3A_704 = arith.constant 0 : i32
        %add3A_705 = vector.broadcast %add3A_704 : i32 to vector<16xi32>
        %add3A_706 = arith.addi %scan3A_693, %add3A_705 : vector<16xi32>
        %scatter3A = arith.constant 0 : i32
        %scatter3A_707 = arith.constant 0 : i32
        %scatter3A_708 = arith.constant 0 : i32
        %scatter3A_709 = tpu.memref_slice %arg7[%scatter3A, %scatter3A_707, %scatter3A_708] : memref<2x128x129xf32, #tpu.memory_space<vmem>> -> memref<1x128x129xf32, #tpu.memory_space<vmem>>
        %scatter3A_710 = tpu.memref_squeeze %scatter3A_709 : memref<1x128x129xf32, #tpu.memory_space<vmem>> -> memref<128x129xf32, #tpu.memory_space<vmem>>
        tpu.vector_store_idx %scatter3A_710[%add3A_390, %add3A_706], %get3A_703 : memref<128x129xf32, #tpu.memory_space<vmem>>[vector<16xi32>, vector<16xi32>], vector<16xf32>,
        %mul3A_711 = arith.constant 4 : i32
        %mul3A_712 = arith.muli %scan3A_692, %mul3A_711 : i32
        %add3A_713 = arith.constant 896 : i32
        %add3A_714 = arith.addi %add3A_713, %mul3A_712 : i32
        %add3A_715 = arith.constant 1 : i32
        %add3A_716 = arith.addi %add3A_714, %add3A_715 : i32
        %get3A_717 = arith.constant 0 : i32
        %get3A_718 = arith.index_cast %get3A_717 : i32 to index
        %get3A_719 = arith.index_cast %add3A_716 : i32 to index
        %get3A_720 = arith.constant 0 : index
        %get3A_721 = tpu.vector_load %arg6[%get3A_718, %get3A_719, %get3A_720] {strides = array<i32>} : memref<2x1024x16xf32, #tpu.memory_space<vmem>>, vector<16xf32>,
        %add3A_722 = arith.constant 1 : i32
        %add3A_723 = vector.broadcast %add3A_722 : i32 to vector<16xi32>
        %add3A_724 = arith.addi %scan3A_693, %add3A_723 : vector<16xi32>
        %scatter3A_725 = arith.constant 0 : i32
        %scatter3A_726 = arith.constant 0 : i32
        %scatter3A_727 = arith.constant 0 : i32
        %scatter3A_728 = tpu.memref_slice %arg7[%scatter3A_725, %scatter3A_726, %scatter3A_727] : memref<2x128x129xf32, #tpu.memory_space<vmem>> -> memref<1x128x129xf32, #tpu.memory_space<vmem>>
        %scatter3A_729 = tpu.memref_squeeze %scatter3A_728 : memref<1x128x129xf32, #tpu.memory_space<vmem>> -> memref<128x129xf32, #tpu.memory_space<vmem>>
        tpu.vector_store_idx %scatter3A_729[%add3A_390, %add3A_724], %get3A_721 : memref<128x129xf32, #tpu.memory_space<vmem>>[vector<16xi32>, vector<16xi32>], vector<16xf32>,
        %mul3A_730 = arith.constant 4 : i32
        %mul3A_731 = arith.muli %scan3A_692, %mul3A_730 : i32
        %add3A_732 = arith.constant 896 : i32
        %add3A_733 = arith.addi %add3A_732, %mul3A_731 : i32
        %add3A_734 = arith.constant 2 : i32
        %add3A_735 = arith.addi %add3A_733, %add3A_734 : i32
        %get3A_736 = arith.constant 0 : i32
        %get3A_737 = arith.index_cast %get3A_736 : i32 to index
        %get3A_738 = arith.index_cast %add3A_735 : i32 to index
        %get3A_739 = arith.constant 0 : index
        %get3A_740 = tpu.vector_load %arg6[%get3A_737, %get3A_738, %get3A_739] {strides = array<i32>} : memref<2x1024x16xf32, #tpu.memory_space<vmem>>, vector<16xf32>,
        %add3A_741 = arith.constant 2 : i32
        %add3A_742 = vector.broadcast %add3A_741 : i32 to vector<16xi32>
        %add3A_743 = arith.addi %scan3A_693, %add3A_742 : vector<16xi32>
        %scatter3A_744 = arith.constant 0 : i32
        %scatter3A_745 = arith.constant 0 : i32
        %scatter3A_746 = arith.constant 0 : i32
        %scatter3A_747 = tpu.memref_slice %arg7[%scatter3A_744, %scatter3A_745, %scatter3A_746] : memref<2x128x129xf32, #tpu.memory_space<vmem>> -> memref<1x128x129xf32, #tpu.memory_space<vmem>>
        %scatter3A_748 = tpu.memref_squeeze %scatter3A_747 : memref<1x128x129xf32, #tpu.memory_space<vmem>> -> memref<128x129xf32, #tpu.memory_space<vmem>>
        tpu.vector_store_idx %scatter3A_748[%add3A_390, %add3A_743], %get3A_740 : memref<128x129xf32, #tpu.memory_space<vmem>>[vector<16xi32>, vector<16xi32>], vector<16xf32>,
        %mul3A_749 = arith.constant 4 : i32
        %mul3A_750 = arith.muli %scan3A_692, %mul3A_749 : i32
        %add3A_751 = arith.constant 896 : i32
        %add3A_752 = arith.addi %add3A_751, %mul3A_750 : i32
        %add3A_753 = arith.constant 3 : i32
        %add3A_754 = arith.addi %add3A_752, %add3A_753 : i32
        %get3A_755 = arith.constant 0 : i32
        %get3A_756 = arith.index_cast %get3A_755 : i32 to index
        %get3A_757 = arith.index_cast %add3A_754 : i32 to index
        %get3A_758 = arith.constant 0 : index
        %get3A_759 = tpu.vector_load %arg6[%get3A_756, %get3A_757, %get3A_758] {strides = array<i32>} : memref<2x1024x16xf32, #tpu.memory_space<vmem>>, vector<16xf32>,
        %add3A_760 = arith.constant 3 : i32
        %add3A_761 = vector.broadcast %add3A_760 : i32 to vector<16xi32>
        %add3A_762 = arith.addi %scan3A_693, %add3A_761 : vector<16xi32>
        %scatter3A_763 = arith.constant 0 : i32
        %scatter3A_764 = arith.constant 0 : i32
        %scatter3A_765 = arith.constant 0 : i32
        %scatter3A_766 = tpu.memref_slice %arg7[%scatter3A_763, %scatter3A_764, %scatter3A_765] : memref<2x128x129xf32, #tpu.memory_space<vmem>> -> memref<1x128x129xf32, #tpu.memory_space<vmem>>
        %scatter3A_767 = tpu.memref_squeeze %scatter3A_766 : memref<1x128x129xf32, #tpu.memory_space<vmem>> -> memref<128x129xf32, #tpu.memory_space<vmem>>
        tpu.vector_store_idx %scatter3A_767[%add3A_390, %add3A_762], %get3A_759 : memref<128x129xf32, #tpu.memory_space<vmem>>[vector<16xi32>, vector<16xi32>], vector<16xf32>,
        %add3A_768 = arith.constant 4 : i32
        %add3A_769 = vector.broadcast %add3A_768 : i32 to vector<16xi32>
        %add3A_770 = arith.addi %scan3A_693, %add3A_769 : vector<16xi32>
        scf.yield %add3A_770 : vector<16xi32>
      }
      %scan3A_398 = arith.constant 32 : i32
      %mul3A_399 = arith.constant 1024 : i32
      %mul3A_400 = arith.muli %mul3A_264, %mul3A_399 : i32
      %add3A_401 = arith.addi %mul3A_2, %mul3A_400 : i32
      %jit3A_402 = arith.constant 128 : i32
      %div3A_403 = arith.divsi %add3A_401, %jit3A_402 : i32
      %sign3A_404 = arith.constant 0 : i32
      %sign3A_405 = arith.cmpi sgt, %add3A_401, %sign3A_404 : i32
      %sign3A_406 = arith.extui %sign3A_405 : i1 to i32
      %sign3A_407 = arith.constant 0 : i32
      %sign3A_408 = arith.cmpi slt, %add3A_401, %sign3A_407 : i32
      %sign3A_409 = arith.extui %sign3A_408 : i1 to i32
      %sign3A_410 = arith.subi %sign3A_406, %sign3A_409 : i32
      %sign3A_411 = arith.constant 0 : i32
      %sign3A_412 = arith.cmpi sgt, %jit3A_402, %sign3A_411 : i32
      %sign3A_413 = arith.extui %sign3A_412 : i1 to i32
      %sign3A_414 = arith.constant 0 : i32
      %sign3A_415 = arith.cmpi slt, %jit3A_402, %sign3A_414 : i32
      %sign3A_416 = arith.extui %sign3A_415 : i1 to i32
      %sign3A_417 = arith.subi %sign3A_413, %sign3A_416 : i32
      %ne3A_418 = arith.cmpi ne, %sign3A_410, %sign3A_417 : i32
      %rem3A_419 = arith.remsi %add3A_401, %jit3A_402 : i32
      %ne3A_420 = arith.constant 0 : i32
      %ne3A_421 = arith.cmpi ne, %rem3A_419, %ne3A_420 : i32
      %and3A_422 = arith.andi %ne3A_418, %ne3A_421 : i1
      %sub3A_423 = arith.constant 1 : i32
      %sub3A_424 = arith.subi %div3A_403, %sub3A_423 : i32
      %select_n3A_425 = arith.select %and3A_422, %sub3A_424, %div3A_403 : i32
      %mul3A_426 = arith.constant 8 : i32
      %mul3A_427 = arith.muli %select_n3A_425, %mul3A_426 : i32
      %dma_start3A_428 = arith.constant 0 : i32
      %dma_start3A_429 = arith.constant 0 : i32
      %dma_start3A_430 = arith.constant 0 : i32
      %dma_start3A_431 = arith.constant 0 : i32
      %dma_start3A_432 = tpu.memref_slice %arg7[%dma_start3A_428, %dma_start3A_430, %dma_start3A_431] : memref<2x128x129xf32, #tpu.memory_space<vmem>> -> memref<1x64x128xf32, #tpu.memory_space<vmem>>
      %dma_start3A_433 = tpu.memref_squeeze %dma_start3A_432 : memref<1x64x128xf32, #tpu.memory_space<vmem>> -> memref<64x128xf32, #tpu.memory_space<vmem>>
      %dma_start3A_434 = arith.constant 0 : i32
      %dma_start3A_435 = tpu.memref_slice %arg4[%dma_start3A_429, %mul3A_427, %dma_start3A_434] : memref<2x51200x128xf32, #tpu.memory_space<hbm>> -> memref<1x64x128xf32, #tpu.memory_space<hbm>>
      %dma_start3A_436 = tpu.memref_squeeze %dma_start3A_435 : memref<1x64x128xf32, #tpu.memory_space<hbm>> -> memref<64x128xf32, #tpu.memory_space<hbm>>
      %dma_start3A_437 = arith.constant 0 : i32
      %dma_start3A_438 = tpu.memref_slice %arg4[%dma_start3A_429, %mul3A_427, %dma_start3A_437] : memref<2x51200x128xf32, #tpu.memory_space<hbm>> -> memref<1x64x128xf32, #tpu.memory_space<hbm>>
      %dma_start3A_439 = tpu.memref_squeeze %dma_start3A_438 : memref<1x64x128xf32, #tpu.memory_space<hbm>> -> memref<64x128xf32, #tpu.memory_space<hbm>>
      %dma_start3A_440 = arith.constant 0 : i32
      %dma_start3A_441 = arith.constant 0 : i32
      %dma_start3A_442 = tpu.memref_slice %arg7[%dma_start3A_428, %dma_start3A_440, %dma_start3A_441] : memref<2x128x129xf32, #tpu.memory_space<vmem>> -> memref<1x64x128xf32, #tpu.memory_space<vmem>>
      %dma_start3A_443 = tpu.memref_squeeze %dma_start3A_442 : memref<1x64x128xf32, #tpu.memory_space<vmem>> -> memref<64x128xf32, #tpu.memory_space<vmem>>
      tpu.enqueue_dma source(%dma_start3A_443 : memref<64x128xf32, #tpu.memory_space<vmem>>) target(%dma_start3A_439 : memref<64x128xf32, #tpu.memory_space<hbm>>) target_semaphore(%arg10 : memref<!tpu.dma_semaphore, #tpu.memory_space<semaphore_mem>>)
      %mul3A_444 = arith.constant 8 : i32
      %mul3A_445 = arith.muli %select_n3A_425, %mul3A_444 : i32
      %dma_start3A_446 = arith.constant 0 : i32
      %dma_start3A_447 = arith.constant 1 : i32
      %dma_start3A_448 = arith.constant 64 : i32
      %dma_start3A_449 = arith.constant 0 : i32
      %dma_start3A_450 = tpu.memref_slice %arg7[%dma_start3A_446, %dma_start3A_448, %dma_start3A_449] : memref<2x128x129xf32, #tpu.memory_space<vmem>> -> memref<1x64x128xf32, #tpu.memory_space<vmem>>
      %dma_start3A_451 = tpu.memref_squeeze %dma_start3A_450 : memref<1x64x128xf32, #tpu.memory_space<vmem>> -> memref<64x128xf32, #tpu.memory_space<vmem>>
      %dma_start3A_452 = arith.constant 0 : i32
      %dma_start3A_453 = tpu.memref_slice %arg4[%dma_start3A_447, %mul3A_445, %dma_start3A_452] : memref<2x51200x128xf32, #tpu.memory_space<hbm>> -> memref<1x64x128xf32, #tpu.memory_space<hbm>>
      %dma_start3A_454 = tpu.memref_squeeze %dma_start3A_453 : memref<1x64x128xf32, #tpu.memory_space<hbm>> -> memref<64x128xf32, #tpu.memory_space<hbm>>
      %dma_start3A_455 = arith.constant 0 : i32
      %dma_start3A_456 = tpu.memref_slice %arg4[%dma_start3A_447, %mul3A_445, %dma_start3A_455] : memref<2x51200x128xf32, #tpu.memory_space<hbm>> -> memref<1x64x128xf32, #tpu.memory_space<hbm>>
      %dma_start3A_457 = tpu.memref_squeeze %dma_start3A_456 : memref<1x64x128xf32, #tpu.memory_space<hbm>> -> memref<64x128xf32, #tpu.memory_space<hbm>>
      %dma_start3A_458 = arith.constant 64 : i32
      %dma_start3A_459 = arith.constant 0 : i32
      %dma_start3A_460 = tpu.memref_slice %arg7[%dma_start3A_446, %dma_start3A_458, %dma_start3A_459] : memref<2x128x129xf32, #tpu.memory_space<vmem>> -> memref<1x64x128xf32, #tpu.memory_space<vmem>>
      %dma_start3A_461 = tpu.memref_squeeze %dma_start3A_460 : memref<1x64x128xf32, #tpu.memory_space<vmem>> -> memref<64x128xf32, #tpu.memory_space<vmem>>
      tpu.enqueue_dma source(%dma_start3A_461 : memref<64x128xf32, #tpu.memory_space<vmem>>) target(%dma_start3A_457 : memref<64x128xf32, #tpu.memory_space<hbm>>) target_semaphore(%arg10 : memref<!tpu.dma_semaphore, #tpu.memory_space<semaphore_mem>>)
      %dma_wait3A_462 = arith.constant 1 : i32
      %dma_wait3A_463 = arith.constant 1 : i32
      %dma_wait3A_464 = arith.constant 0 : i32
      %dma_wait3A_465 = arith.constant 0 : i32
      %dma_wait3A_466 = tpu.memref_slice %arg6[%dma_wait3A_463, %dma_wait3A_464, %dma_wait3A_465] : memref<2x1024x16xf32, #tpu.memory_space<vmem>> -> memref<1x1024x16xf32, #tpu.memory_space<vmem>>
      %dma_wait3A_467 = tpu.memref_squeeze %dma_wait3A_466 : memref<1x1024x16xf32, #tpu.memory_space<vmem>> -> memref<1024x16xf32, #tpu.memory_space<vmem>>
      %dma_wait3A_468 = arith.constant 0 : i32
      %dma_wait3A_469 = tpu.memref_slice %arg5[%dma_wait3A_462, %dma_wait3A_468] : memref<2x1024xi32, #tpu.memory_space<vmem>> -> memref<1x1024xi32, #tpu.memory_space<vmem>>
      %dma_wait3A_470 = tpu.memref_squeeze %dma_wait3A_469 : memref<1x1024xi32, #tpu.memory_space<vmem>> -> memref<1024xi32, #tpu.memory_space<vmem>>
      %dma_wait3A_471 = arith.constant 0 : i32
      %dma_wait3A_472 = arith.constant 0 : i32
      %dma_wait3A_473 = tpu.memref_slice %arg3[%dma_wait3A_471, %dma_wait3A_472] : memref<1048576x16xf32, #tpu.memory_space<hbm>> -> memref<1048576x16xf32, #tpu.memory_space<hbm>>
      tpu.wait_indirect_dma semaphore(%arg9 : memref<!tpu.dma_semaphore, #tpu.memory_space<semaphore_mem>>) src(%dma_wait3A_473 : memref<1048576x16xf32, #tpu.memory_space<hbm>>) dst(%dma_wait3A_467 : memref<1024x16xf32, #tpu.memory_space<vmem>>)
      %add3A_474 = arith.constant 0 : i32
      %add3A_475 = vector.broadcast %add3A_474 : i32 to vector<16xi32>
      %add3A_476 = arith.addi %add3A_49, %add3A_475 : vector<16xi32>
      %broadcast_in_dim3A_477 = arith.constant 0 : i32
      %broadcast_in_dim3A_478 = vector.broadcast %broadcast_in_dim3A_477 : i32 to vector<16xi32>
      %scan3A_479 = arith.constant 0 : i32
      %scan3A_480 = arith.constant 32 : i32
      %scan3A_481 = arith.addi %scan3A_479, %scan3A_480 : i32
      %scan3A_482 = arith.constant 1 : i32
      %scan3A_483 = scf.for %scan3A_692 = %scan3A_479 to %scan3A_481 step %scan3A_482 iter_args(%scan3A_693 = %broadcast_in_dim3A_478) -> (vector<16xi32>)  : i32 {
        %mul3A_694 = arith.constant 4 : i32
        %mul3A_695 = arith.muli %scan3A_692, %mul3A_694 : i32
        %add3A_696 = arith.constant 0 : i32
        %add3A_697 = arith.addi %add3A_696, %mul3A_695 : i32
        %add3A_698 = arith.constant 0 : i32
        %add3A_699 = arith.addi %add3A_697, %add3A_698 : i32
        %get3A = arith.constant 1 : i32
        %get3A_700 = arith.index_cast %get3A : i32 to index
        %get3A_701 = arith.index_cast %add3A_699 : i32 to index
        %get3A_702 = arith.constant 0 : index
        %get3A_703 = tpu.vector_load %arg6[%get3A_700, %get3A_701, %get3A_702] {strides = array<i32>} : memref<2x1024x16xf32, #tpu.memory_space<vmem>>, vector<16xf32>,
        %add3A_704 = arith.constant 0 : i32
        %add3A_705 = vector.broadcast %add3A_704 : i32 to vector<16xi32>
        %add3A_706 = arith.addi %scan3A_693, %add3A_705 : vector<16xi32>
        %scatter3A = arith.constant 1 : i32
        %scatter3A_707 = arith.constant 0 : i32
        %scatter3A_708 = arith.constant 0 : i32
        %scatter3A_709 = tpu.memref_slice %arg7[%scatter3A, %scatter3A_707, %scatter3A_708] : memref<2x128x129xf32, #tpu.memory_space<vmem>> -> memref<1x128x129xf32, #tpu.memory_space<vmem>>
        %scatter3A_710 = tpu.memref_squeeze %scatter3A_709 : memref<1x128x129xf32, #tpu.memory_space<vmem>> -> memref<128x129xf32, #tpu.memory_space<vmem>>
        tpu.vector_store_idx %scatter3A_710[%add3A_476, %add3A_706], %get3A_703 : memref<128x129xf32, #tpu.memory_space<vmem>>[vector<16xi32>, vector<16xi32>], vector<16xf32>,
        %mul3A_711 = arith.constant 4 : i32
        %mul3A_712 = arith.muli %scan3A_692, %mul3A_711 : i32
        %add3A_713 = arith.constant 0 : i32
        %add3A_714 = arith.addi %add3A_713, %mul3A_712 : i32
        %add3A_715 = arith.constant 1 : i32
        %add3A_716 = arith.addi %add3A_714, %add3A_715 : i32
        %get3A_717 = arith.constant 1 : i32
        %get3A_718 = arith.index_cast %get3A_717 : i32 to index
        %get3A_719 = arith.index_cast %add3A_716 : i32 to index
        %get3A_720 = arith.constant 0 : index
        %get3A_721 = tpu.vector_load %arg6[%get3A_718, %get3A_719, %get3A_720] {strides = array<i32>} : memref<2x1024x16xf32, #tpu.memory_space<vmem>>, vector<16xf32>,
        %add3A_722 = arith.constant 1 : i32
        %add3A_723 = vector.broadcast %add3A_722 : i32 to vector<16xi32>
        %add3A_724 = arith.addi %scan3A_693, %add3A_723 : vector<16xi32>
        %scatter3A_725 = arith.constant 1 : i32
        %scatter3A_726 = arith.constant 0 : i32
        %scatter3A_727 = arith.constant 0 : i32
        %scatter3A_728 = tpu.memref_slice %arg7[%scatter3A_725, %scatter3A_726, %scatter3A_727] : memref<2x128x129xf32, #tpu.memory_space<vmem>> -> memref<1x128x129xf32, #tpu.memory_space<vmem>>
        %scatter3A_729 = tpu.memref_squeeze %scatter3A_728 : memref<1x128x129xf32, #tpu.memory_space<vmem>> -> memref<128x129xf32, #tpu.memory_space<vmem>>
        tpu.vector_store_idx %scatter3A_729[%add3A_476, %add3A_724], %get3A_721 : memref<128x129xf32, #tpu.memory_space<vmem>>[vector<16xi32>, vector<16xi32>], vector<16xf32>,
        %mul3A_730 = arith.constant 4 : i32
        %mul3A_731 = arith.muli %scan3A_692, %mul3A_730 : i32
        %add3A_732 = arith.constant 0 : i32
        %add3A_733 = arith.addi %add3A_732, %mul3A_731 : i32
        %add3A_734 = arith.constant 2 : i32
        %add3A_735 = arith.addi %add3A_733, %add3A_734 : i32
        %get3A_736 = arith.constant 1 : i32
        %get3A_737 = arith.index_cast %get3A_736 : i32 to index
        %get3A_738 = arith.index_cast %add3A_735 : i32 to index
        %get3A_739 = arith.constant 0 : index
        %get3A_740 = tpu.vector_load %arg6[%get3A_737, %get3A_738, %get3A_739] {strides = array<i32>} : memref<2x1024x16xf32, #tpu.memory_space<vmem>>, vector<16xf32>,
        %add3A_741 = arith.constant 2 : i32
        %add3A_742 = vector.broadcast %add3A_741 : i32 to vector<16xi32>
        %add3A_743 = arith.addi %scan3A_693, %add3A_742 : vector<16xi32>
        %scatter3A_744 = arith.constant 1 : i32
        %scatter3A_745 = arith.constant 0 : i32
        %scatter3A_746 = arith.constant 0 : i32
        %scatter3A_747 = tpu.memref_slice %arg7[%scatter3A_744, %scatter3A_745, %scatter3A_746] : memref<2x128x129xf32, #tpu.memory_space<vmem>> -> memref<1x128x129xf32, #tpu.memory_space<vmem>>
        %scatter3A_748 = tpu.memref_squeeze %scatter3A_747 : memref<1x128x129xf32, #tpu.memory_space<vmem>> -> memref<128x129xf32, #tpu.memory_space<vmem>>
        tpu.vector_store_idx %scatter3A_748[%add3A_476, %add3A_743], %get3A_740 : memref<128x129xf32, #tpu.memory_space<vmem>>[vector<16xi32>, vector<16xi32>], vector<16xf32>,
        %mul3A_749 = arith.constant 4 : i32
        %mul3A_750 = arith.muli %scan3A_692, %mul3A_749 : i32
        %add3A_751 = arith.constant 0 : i32
        %add3A_752 = arith.addi %add3A_751, %mul3A_750 : i32
        %add3A_753 = arith.constant 3 : i32
        %add3A_754 = arith.addi %add3A_752, %add3A_753 : i32
        %get3A_755 = arith.constant 1 : i32
        %get3A_756 = arith.index_cast %get3A_755 : i32 to index
        %get3A_757 = arith.index_cast %add3A_754 : i32 to index
        %get3A_758 = arith.constant 0 : index
        %get3A_759 = tpu.vector_load %arg6[%get3A_756, %get3A_757, %get3A_758] {strides = array<i32>} : memref<2x1024x16xf32, #tpu.memory_space<vmem>>, vector<16xf32>,
        %add3A_760 = arith.constant 3 : i32
        %add3A_761 = vector.broadcast %add3A_760 : i32 to vector<16xi32>
        %add3A_762 = arith.addi %scan3A_693, %add3A_761 : vector<16xi32>
        %scatter3A_763 = arith.constant 1 : i32
        %scatter3A_764 = arith.constant 0 : i32
        %scatter3A_765 = arith.constant 0 : i32
        %scatter3A_766 = tpu.memref_slice %arg7[%scatter3A_763, %scatter3A_764, %scatter3A_765] : memref<2x128x129xf32, #tpu.memory_space<vmem>> -> memref<1x128x129xf32, #tpu.memory_space<vmem>>
        %scatter3A_767 = tpu.memref_squeeze %scatter3A_766 : memref<1x128x129xf32, #tpu.memory_space<vmem>> -> memref<128x129xf32, #tpu.memory_space<vmem>>
        tpu.vector_store_idx %scatter3A_767[%add3A_476, %add3A_762], %get3A_759 : memref<128x129xf32, #tpu.memory_space<vmem>>[vector<16xi32>, vector<16xi32>], vector<16xf32>,
        %add3A_768 = arith.constant 4 : i32
        %add3A_769 = vector.broadcast %add3A_768 : i32 to vector<16xi32>
        %add3A_770 = arith.addi %scan3A_693, %add3A_769 : vector<16xi32>
        scf.yield %add3A_770 : vector<16xi32>
      }
      %scan3A_484 = arith.constant 32 : i32
      %add3A_485 = arith.constant 8 : i32
      %add3A_486 = vector.broadcast %add3A_485 : i32 to vector<16xi32>
      %add3A_487 = arith.addi %add3A_49, %add3A_486 : vector<16xi32>
      %broadcast_in_dim3A_488 = arith.constant 0 : i32
      %broadcast_in_dim3A_489 = vector.broadcast %broadcast_in_dim3A_488 : i32 to vector<16xi32>
      %scan3A_490 = arith.constant 0 : i32
      %scan3A_491 = arith.constant 32 : i32
      %scan3A_492 = arith.addi %scan3A_490, %scan3A_491 : i32
      %scan3A_493 = arith.constant 1 : i32
      %scan3A_494 = scf.for %scan3A_692 = %scan3A_490 to %scan3A_492 step %scan3A_493 iter_args(%scan3A_693 = %broadcast_in_dim3A_489) -> (vector<16xi32>)  : i32 {
        %mul3A_694 = arith.constant 4 : i32
        %mul3A_695 = arith.muli %scan3A_692, %mul3A_694 : i32
        %add3A_696 = arith.constant 128 : i32
        %add3A_697 = arith.addi %add3A_696, %mul3A_695 : i32
        %add3A_698 = arith.constant 0 : i32
        %add3A_699 = arith.addi %add3A_697, %add3A_698 : i32
        %get3A = arith.constant 1 : i32
        %get3A_700 = arith.index_cast %get3A : i32 to index
        %get3A_701 = arith.index_cast %add3A_699 : i32 to index
        %get3A_702 = arith.constant 0 : index
        %get3A_703 = tpu.vector_load %arg6[%get3A_700, %get3A_701, %get3A_702] {strides = array<i32>} : memref<2x1024x16xf32, #tpu.memory_space<vmem>>, vector<16xf32>,
        %add3A_704 = arith.constant 0 : i32
        %add3A_705 = vector.broadcast %add3A_704 : i32 to vector<16xi32>
        %add3A_706 = arith.addi %scan3A_693, %add3A_705 : vector<16xi32>
        %scatter3A = arith.constant 1 : i32
        %scatter3A_707 = arith.constant 0 : i32
        %scatter3A_708 = arith.constant 0 : i32
        %scatter3A_709 = tpu.memref_slice %arg7[%scatter3A, %scatter3A_707, %scatter3A_708] : memref<2x128x129xf32, #tpu.memory_space<vmem>> -> memref<1x128x129xf32, #tpu.memory_space<vmem>>
        %scatter3A_710 = tpu.memref_squeeze %scatter3A_709 : memref<1x128x129xf32, #tpu.memory_space<vmem>> -> memref<128x129xf32, #tpu.memory_space<vmem>>
        tpu.vector_store_idx %scatter3A_710[%add3A_487, %add3A_706], %get3A_703 : memref<128x129xf32, #tpu.memory_space<vmem>>[vector<16xi32>, vector<16xi32>], vector<16xf32>,
        %mul3A_711 = arith.constant 4 : i32
        %mul3A_712 = arith.muli %scan3A_692, %mul3A_711 : i32
        %add3A_713 = arith.constant 128 : i32
        %add3A_714 = arith.addi %add3A_713, %mul3A_712 : i32
        %add3A_715 = arith.constant 1 : i32
        %add3A_716 = arith.addi %add3A_714, %add3A_715 : i32
        %get3A_717 = arith.constant 1 : i32
        %get3A_718 = arith.index_cast %get3A_717 : i32 to index
        %get3A_719 = arith.index_cast %add3A_716 : i32 to index
        %get3A_720 = arith.constant 0 : index
        %get3A_721 = tpu.vector_load %arg6[%get3A_718, %get3A_719, %get3A_720] {strides = array<i32>} : memref<2x1024x16xf32, #tpu.memory_space<vmem>>, vector<16xf32>,
        %add3A_722 = arith.constant 1 : i32
        %add3A_723 = vector.broadcast %add3A_722 : i32 to vector<16xi32>
        %add3A_724 = arith.addi %scan3A_693, %add3A_723 : vector<16xi32>
        %scatter3A_725 = arith.constant 1 : i32
        %scatter3A_726 = arith.constant 0 : i32
        %scatter3A_727 = arith.constant 0 : i32
        %scatter3A_728 = tpu.memref_slice %arg7[%scatter3A_725, %scatter3A_726, %scatter3A_727] : memref<2x128x129xf32, #tpu.memory_space<vmem>> -> memref<1x128x129xf32, #tpu.memory_space<vmem>>
        %scatter3A_729 = tpu.memref_squeeze %scatter3A_728 : memref<1x128x129xf32, #tpu.memory_space<vmem>> -> memref<128x129xf32, #tpu.memory_space<vmem>>
        tpu.vector_store_idx %scatter3A_729[%add3A_487, %add3A_724], %get3A_721 : memref<128x129xf32, #tpu.memory_space<vmem>>[vector<16xi32>, vector<16xi32>], vector<16xf32>,
        %mul3A_730 = arith.constant 4 : i32
        %mul3A_731 = arith.muli %scan3A_692, %mul3A_730 : i32
        %add3A_732 = arith.constant 128 : i32
        %add3A_733 = arith.addi %add3A_732, %mul3A_731 : i32
        %add3A_734 = arith.constant 2 : i32
        %add3A_735 = arith.addi %add3A_733, %add3A_734 : i32
        %get3A_736 = arith.constant 1 : i32
        %get3A_737 = arith.index_cast %get3A_736 : i32 to index
        %get3A_738 = arith.index_cast %add3A_735 : i32 to index
        %get3A_739 = arith.constant 0 : index
        %get3A_740 = tpu.vector_load %arg6[%get3A_737, %get3A_738, %get3A_739] {strides = array<i32>} : memref<2x1024x16xf32, #tpu.memory_space<vmem>>, vector<16xf32>,
        %add3A_741 = arith.constant 2 : i32
        %add3A_742 = vector.broadcast %add3A_741 : i32 to vector<16xi32>
        %add3A_743 = arith.addi %scan3A_693, %add3A_742 : vector<16xi32>
        %scatter3A_744 = arith.constant 1 : i32
        %scatter3A_745 = arith.constant 0 : i32
        %scatter3A_746 = arith.constant 0 : i32
        %scatter3A_747 = tpu.memref_slice %arg7[%scatter3A_744, %scatter3A_745, %scatter3A_746] : memref<2x128x129xf32, #tpu.memory_space<vmem>> -> memref<1x128x129xf32, #tpu.memory_space<vmem>>
        %scatter3A_748 = tpu.memref_squeeze %scatter3A_747 : memref<1x128x129xf32, #tpu.memory_space<vmem>> -> memref<128x129xf32, #tpu.memory_space<vmem>>
        tpu.vector_store_idx %scatter3A_748[%add3A_487, %add3A_743], %get3A_740 : memref<128x129xf32, #tpu.memory_space<vmem>>[vector<16xi32>, vector<16xi32>], vector<16xf32>,
        %mul3A_749 = arith.constant 4 : i32
        %mul3A_750 = arith.muli %scan3A_692, %mul3A_749 : i32
        %add3A_751 = arith.constant 128 : i32
        %add3A_752 = arith.addi %add3A_751, %mul3A_750 : i32
        %add3A_753 = arith.constant 3 : i32
        %add3A_754 = arith.addi %add3A_752, %add3A_753 : i32
        %get3A_755 = arith.constant 1 : i32
        %get3A_756 = arith.index_cast %get3A_755 : i32 to index
        %get3A_757 = arith.index_cast %add3A_754 : i32 to index
        %get3A_758 = arith.constant 0 : index
        %get3A_759 = tpu.vector_load %arg6[%get3A_756, %get3A_757, %get3A_758] {strides = array<i32>} : memref<2x1024x16xf32, #tpu.memory_space<vmem>>, vector<16xf32>,
        %add3A_760 = arith.constant 3 : i32
        %add3A_761 = vector.broadcast %add3A_760 : i32 to vector<16xi32>
        %add3A_762 = arith.addi %scan3A_693, %add3A_761 : vector<16xi32>
        %scatter3A_763 = arith.constant 1 : i32
        %scatter3A_764 = arith.constant 0 : i32
        %scatter3A_765 = arith.constant 0 : i32
        %scatter3A_766 = tpu.memref_slice %arg7[%scatter3A_763, %scatter3A_764, %scatter3A_765] : memref<2x128x129xf32, #tpu.memory_space<vmem>> -> memref<1x128x129xf32, #tpu.memory_space<vmem>>
        %scatter3A_767 = tpu.memref_squeeze %scatter3A_766 : memref<1x128x129xf32, #tpu.memory_space<vmem>> -> memref<128x129xf32, #tpu.memory_space<vmem>>
        tpu.vector_store_idx %scatter3A_767[%add3A_487, %add3A_762], %get3A_759 : memref<128x129xf32, #tpu.memory_space<vmem>>[vector<16xi32>, vector<16xi32>], vector<16xf32>,
        %add3A_768 = arith.constant 4 : i32
        %add3A_769 = vector.broadcast %add3A_768 : i32 to vector<16xi32>
        %add3A_770 = arith.addi %scan3A_693, %add3A_769 : vector<16xi32>
        scf.yield %add3A_770 : vector<16xi32>
      }
      %scan3A_495 = arith.constant 32 : i32
      %add3A_496 = arith.constant 16 : i32
      %add3A_497 = vector.broadcast %add3A_496 : i32 to vector<16xi32>
      %add3A_498 = arith.addi %add3A_49, %add3A_497 : vector<16xi32>
      %broadcast_in_dim3A_499 = arith.constant 0 : i32
      %broadcast_in_dim3A_500 = vector.broadcast %broadcast_in_dim3A_499 : i32 to vector<16xi32>
      %scan3A_501 = arith.constant 0 : i32
      %scan3A_502 = arith.constant 32 : i32
      %scan3A_503 = arith.addi %scan3A_501, %scan3A_502 : i32
      %scan3A_504 = arith.constant 1 : i32
      %scan3A_505 = scf.for %scan3A_692 = %scan3A_501 to %scan3A_503 step %scan3A_504 iter_args(%scan3A_693 = %broadcast_in_dim3A_500) -> (vector<16xi32>)  : i32 {
        %mul3A_694 = arith.constant 4 : i32
        %mul3A_695 = arith.muli %scan3A_692, %mul3A_694 : i32
        %add3A_696 = arith.constant 256 : i32
        %add3A_697 = arith.addi %add3A_696, %mul3A_695 : i32
        %add3A_698 = arith.constant 0 : i32
        %add3A_699 = arith.addi %add3A_697, %add3A_698 : i32
        %get3A = arith.constant 1 : i32
        %get3A_700 = arith.index_cast %get3A : i32 to index
        %get3A_701 = arith.index_cast %add3A_699 : i32 to index
        %get3A_702 = arith.constant 0 : index
        %get3A_703 = tpu.vector_load %arg6[%get3A_700, %get3A_701, %get3A_702] {strides = array<i32>} : memref<2x1024x16xf32, #tpu.memory_space<vmem>>, vector<16xf32>,
        %add3A_704 = arith.constant 0 : i32
        %add3A_705 = vector.broadcast %add3A_704 : i32 to vector<16xi32>
        %add3A_706 = arith.addi %scan3A_693, %add3A_705 : vector<16xi32>
        %scatter3A = arith.constant 1 : i32
        %scatter3A_707 = arith.constant 0 : i32
        %scatter3A_708 = arith.constant 0 : i32
        %scatter3A_709 = tpu.memref_slice %arg7[%scatter3A, %scatter3A_707, %scatter3A_708] : memref<2x128x129xf32, #tpu.memory_space<vmem>> -> memref<1x128x129xf32, #tpu.memory_space<vmem>>
        %scatter3A_710 = tpu.memref_squeeze %scatter3A_709 : memref<1x128x129xf32, #tpu.memory_space<vmem>> -> memref<128x129xf32, #tpu.memory_space<vmem>>
        tpu.vector_store_idx %scatter3A_710[%add3A_498, %add3A_706], %get3A_703 : memref<128x129xf32, #tpu.memory_space<vmem>>[vector<16xi32>, vector<16xi32>], vector<16xf32>,
        %mul3A_711 = arith.constant 4 : i32
        %mul3A_712 = arith.muli %scan3A_692, %mul3A_711 : i32
        %add3A_713 = arith.constant 256 : i32
        %add3A_714 = arith.addi %add3A_713, %mul3A_712 : i32
        %add3A_715 = arith.constant 1 : i32
        %add3A_716 = arith.addi %add3A_714, %add3A_715 : i32
        %get3A_717 = arith.constant 1 : i32
        %get3A_718 = arith.index_cast %get3A_717 : i32 to index
        %get3A_719 = arith.index_cast %add3A_716 : i32 to index
        %get3A_720 = arith.constant 0 : index
        %get3A_721 = tpu.vector_load %arg6[%get3A_718, %get3A_719, %get3A_720] {strides = array<i32>} : memref<2x1024x16xf32, #tpu.memory_space<vmem>>, vector<16xf32>,
        %add3A_722 = arith.constant 1 : i32
        %add3A_723 = vector.broadcast %add3A_722 : i32 to vector<16xi32>
        %add3A_724 = arith.addi %scan3A_693, %add3A_723 : vector<16xi32>
        %scatter3A_725 = arith.constant 1 : i32
        %scatter3A_726 = arith.constant 0 : i32
        %scatter3A_727 = arith.constant 0 : i32
        %scatter3A_728 = tpu.memref_slice %arg7[%scatter3A_725, %scatter3A_726, %scatter3A_727] : memref<2x128x129xf32, #tpu.memory_space<vmem>> -> memref<1x128x129xf32, #tpu.memory_space<vmem>>
        %scatter3A_729 = tpu.memref_squeeze %scatter3A_728 : memref<1x128x129xf32, #tpu.memory_space<vmem>> -> memref<128x129xf32, #tpu.memory_space<vmem>>
        tpu.vector_store_idx %scatter3A_729[%add3A_498, %add3A_724], %get3A_721 : memref<128x129xf32, #tpu.memory_space<vmem>>[vector<16xi32>, vector<16xi32>], vector<16xf32>,
        %mul3A_730 = arith.constant 4 : i32
        %mul3A_731 = arith.muli %scan3A_692, %mul3A_730 : i32
        %add3A_732 = arith.constant 256 : i32
        %add3A_733 = arith.addi %add3A_732, %mul3A_731 : i32
        %add3A_734 = arith.constant 2 : i32
        %add3A_735 = arith.addi %add3A_733, %add3A_734 : i32
        %get3A_736 = arith.constant 1 : i32
        %get3A_737 = arith.index_cast %get3A_736 : i32 to index
        %get3A_738 = arith.index_cast %add3A_735 : i32 to index
        %get3A_739 = arith.constant 0 : index
        %get3A_740 = tpu.vector_load %arg6[%get3A_737, %get3A_738, %get3A_739] {strides = array<i32>} : memref<2x1024x16xf32, #tpu.memory_space<vmem>>, vector<16xf32>,
        %add3A_741 = arith.constant 2 : i32
        %add3A_742 = vector.broadcast %add3A_741 : i32 to vector<16xi32>
        %add3A_743 = arith.addi %scan3A_693, %add3A_742 : vector<16xi32>
        %scatter3A_744 = arith.constant 1 : i32
        %scatter3A_745 = arith.constant 0 : i32
        %scatter3A_746 = arith.constant 0 : i32
        %scatter3A_747 = tpu.memref_slice %arg7[%scatter3A_744, %scatter3A_745, %scatter3A_746] : memref<2x128x129xf32, #tpu.memory_space<vmem>> -> memref<1x128x129xf32, #tpu.memory_space<vmem>>
        %scatter3A_748 = tpu.memref_squeeze %scatter3A_747 : memref<1x128x129xf32, #tpu.memory_space<vmem>> -> memref<128x129xf32, #tpu.memory_space<vmem>>
        tpu.vector_store_idx %scatter3A_748[%add3A_498, %add3A_743], %get3A_740 : memref<128x129xf32, #tpu.memory_space<vmem>>[vector<16xi32>, vector<16xi32>], vector<16xf32>,
        %mul3A_749 = arith.constant 4 : i32
        %mul3A_750 = arith.muli %scan3A_692, %mul3A_749 : i32
        %add3A_751 = arith.constant 256 : i32
        %add3A_752 = arith.addi %add3A_751, %mul3A_750 : i32
        %add3A_753 = arith.constant 3 : i32
        %add3A_754 = arith.addi %add3A_752, %add3A_753 : i32
        %get3A_755 = arith.constant 1 : i32
        %get3A_756 = arith.index_cast %get3A_755 : i32 to index
        %get3A_757 = arith.index_cast %add3A_754 : i32 to index
        %get3A_758 = arith.constant 0 : index
        %get3A_759 = tpu.vector_load %arg6[%get3A_756, %get3A_757, %get3A_758] {strides = array<i32>} : memref<2x1024x16xf32, #tpu.memory_space<vmem>>, vector<16xf32>,
        %add3A_760 = arith.constant 3 : i32
        %add3A_761 = vector.broadcast %add3A_760 : i32 to vector<16xi32>
        %add3A_762 = arith.addi %scan3A_693, %add3A_761 : vector<16xi32>
        %scatter3A_763 = arith.constant 1 : i32
        %scatter3A_764 = arith.constant 0 : i32
        %scatter3A_765 = arith.constant 0 : i32
        %scatter3A_766 = tpu.memref_slice %arg7[%scatter3A_763, %scatter3A_764, %scatter3A_765] : memref<2x128x129xf32, #tpu.memory_space<vmem>> -> memref<1x128x129xf32, #tpu.memory_space<vmem>>
        %scatter3A_767 = tpu.memref_squeeze %scatter3A_766 : memref<1x128x129xf32, #tpu.memory_space<vmem>> -> memref<128x129xf32, #tpu.memory_space<vmem>>
        tpu.vector_store_idx %scatter3A_767[%add3A_498, %add3A_762], %get3A_759 : memref<128x129xf32, #tpu.memory_space<vmem>>[vector<16xi32>, vector<16xi32>], vector<16xf32>,
        %add3A_768 = arith.constant 4 : i32
        %add3A_769 = vector.broadcast %add3A_768 : i32 to vector<16xi32>
        %add3A_770 = arith.addi %scan3A_693, %add3A_769 : vector<16xi32>
        scf.yield %add3A_770 : vector<16xi32>
      }
      %scan3A_506 = arith.constant 32 : i32
      %add3A_507 = arith.constant 24 : i32
      %add3A_508 = vector.broadcast %add3A_507 : i32 to vector<16xi32>
      %add3A_509 = arith.addi %add3A_49, %add3A_508 : vector<16xi32>
      %broadcast_in_dim3A_510 = arith.constant 0 : i32
      %broadcast_in_dim3A_511 = vector.broadcast %broadcast_in_dim3A_510 : i32 to vector<16xi32>
      %scan3A_512 = arith.constant 0 : i32
      %scan3A_513 = arith.constant 32 : i32
      %scan3A_514 = arith.addi %scan3A_512, %scan3A_513 : i32
      %scan3A_515 = arith.constant 1 : i32
      %scan3A_516 = scf.for %scan3A_692 = %scan3A_512 to %scan3A_514 step %scan3A_515 iter_args(%scan3A_693 = %broadcast_in_dim3A_511) -> (vector<16xi32>)  : i32 {
        %mul3A_694 = arith.constant 4 : i32
        %mul3A_695 = arith.muli %scan3A_692, %mul3A_694 : i32
        %add3A_696 = arith.constant 384 : i32
        %add3A_697 = arith.addi %add3A_696, %mul3A_695 : i32
        %add3A_698 = arith.constant 0 : i32
        %add3A_699 = arith.addi %add3A_697, %add3A_698 : i32
        %get3A = arith.constant 1 : i32
        %get3A_700 = arith.index_cast %get3A : i32 to index
        %get3A_701 = arith.index_cast %add3A_699 : i32 to index
        %get3A_702 = arith.constant 0 : index
        %get3A_703 = tpu.vector_load %arg6[%get3A_700, %get3A_701, %get3A_702] {strides = array<i32>} : memref<2x1024x16xf32, #tpu.memory_space<vmem>>, vector<16xf32>,
        %add3A_704 = arith.constant 0 : i32
        %add3A_705 = vector.broadcast %add3A_704 : i32 to vector<16xi32>
        %add3A_706 = arith.addi %scan3A_693, %add3A_705 : vector<16xi32>
        %scatter3A = arith.constant 1 : i32
        %scatter3A_707 = arith.constant 0 : i32
        %scatter3A_708 = arith.constant 0 : i32
        %scatter3A_709 = tpu.memref_slice %arg7[%scatter3A, %scatter3A_707, %scatter3A_708] : memref<2x128x129xf32, #tpu.memory_space<vmem>> -> memref<1x128x129xf32, #tpu.memory_space<vmem>>
        %scatter3A_710 = tpu.memref_squeeze %scatter3A_709 : memref<1x128x129xf32, #tpu.memory_space<vmem>> -> memref<128x129xf32, #tpu.memory_space<vmem>>
        tpu.vector_store_idx %scatter3A_710[%add3A_509, %add3A_706], %get3A_703 : memref<128x129xf32, #tpu.memory_space<vmem>>[vector<16xi32>, vector<16xi32>], vector<16xf32>,
        %mul3A_711 = arith.constant 4 : i32
        %mul3A_712 = arith.muli %scan3A_692, %mul3A_711 : i32
        %add3A_713 = arith.constant 384 : i32
        %add3A_714 = arith.addi %add3A_713, %mul3A_712 : i32
        %add3A_715 = arith.constant 1 : i32
        %add3A_716 = arith.addi %add3A_714, %add3A_715 : i32
        %get3A_717 = arith.constant 1 : i32
        %get3A_718 = arith.index_cast %get3A_717 : i32 to index
        %get3A_719 = arith.index_cast %add3A_716 : i32 to index
        %get3A_720 = arith.constant 0 : index
        %get3A_721 = tpu.vector_load %arg6[%get3A_718, %get3A_719, %get3A_720] {strides = array<i32>} : memref<2x1024x16xf32, #tpu.memory_space<vmem>>, vector<16xf32>,
        %add3A_722 = arith.constant 1 : i32
        %add3A_723 = vector.broadcast %add3A_722 : i32 to vector<16xi32>
        %add3A_724 = arith.addi %scan3A_693, %add3A_723 : vector<16xi32>
        %scatter3A_725 = arith.constant 1 : i32
        %scatter3A_726 = arith.constant 0 : i32
        %scatter3A_727 = arith.constant 0 : i32
        %scatter3A_728 = tpu.memref_slice %arg7[%scatter3A_725, %scatter3A_726, %scatter3A_727] : memref<2x128x129xf32, #tpu.memory_space<vmem>> -> memref<1x128x129xf32, #tpu.memory_space<vmem>>
        %scatter3A_729 = tpu.memref_squeeze %scatter3A_728 : memref<1x128x129xf32, #tpu.memory_space<vmem>> -> memref<128x129xf32, #tpu.memory_space<vmem>>
        tpu.vector_store_idx %scatter3A_729[%add3A_509, %add3A_724], %get3A_721 : memref<128x129xf32, #tpu.memory_space<vmem>>[vector<16xi32>, vector<16xi32>], vector<16xf32>,
        %mul3A_730 = arith.constant 4 : i32
        %mul3A_731 = arith.muli %scan3A_692, %mul3A_730 : i32
        %add3A_732 = arith.constant 384 : i32
        %add3A_733 = arith.addi %add3A_732, %mul3A_731 : i32
        %add3A_734 = arith.constant 2 : i32
        %add3A_735 = arith.addi %add3A_733, %add3A_734 : i32
        %get3A_736 = arith.constant 1 : i32
        %get3A_737 = arith.index_cast %get3A_736 : i32 to index
        %get3A_738 = arith.index_cast %add3A_735 : i32 to index
        %get3A_739 = arith.constant 0 : index
        %get3A_740 = tpu.vector_load %arg6[%get3A_737, %get3A_738, %get3A_739] {strides = array<i32>} : memref<2x1024x16xf32, #tpu.memory_space<vmem>>, vector<16xf32>,
        %add3A_741 = arith.constant 2 : i32
        %add3A_742 = vector.broadcast %add3A_741 : i32 to vector<16xi32>
        %add3A_743 = arith.addi %scan3A_693, %add3A_742 : vector<16xi32>
        %scatter3A_744 = arith.constant 1 : i32
        %scatter3A_745 = arith.constant 0 : i32
        %scatter3A_746 = arith.constant 0 : i32
        %scatter3A_747 = tpu.memref_slice %arg7[%scatter3A_744, %scatter3A_745, %scatter3A_746] : memref<2x128x129xf32, #tpu.memory_space<vmem>> -> memref<1x128x129xf32, #tpu.memory_space<vmem>>
        %scatter3A_748 = tpu.memref_squeeze %scatter3A_747 : memref<1x128x129xf32, #tpu.memory_space<vmem>> -> memref<128x129xf32, #tpu.memory_space<vmem>>
        tpu.vector_store_idx %scatter3A_748[%add3A_509, %add3A_743], %get3A_740 : memref<128x129xf32, #tpu.memory_space<vmem>>[vector<16xi32>, vector<16xi32>], vector<16xf32>,
        %mul3A_749 = arith.constant 4 : i32
        %mul3A_750 = arith.muli %scan3A_692, %mul3A_749 : i32
        %add3A_751 = arith.constant 384 : i32
        %add3A_752 = arith.addi %add3A_751, %mul3A_750 : i32
        %add3A_753 = arith.constant 3 : i32
        %add3A_754 = arith.addi %add3A_752, %add3A_753 : i32
        %get3A_755 = arith.constant 1 : i32
        %get3A_756 = arith.index_cast %get3A_755 : i32 to index
        %get3A_757 = arith.index_cast %add3A_754 : i32 to index
        %get3A_758 = arith.constant 0 : index
        %get3A_759 = tpu.vector_load %arg6[%get3A_756, %get3A_757, %get3A_758] {strides = array<i32>} : memref<2x1024x16xf32, #tpu.memory_space<vmem>>, vector<16xf32>,
        %add3A_760 = arith.constant 3 : i32
        %add3A_761 = vector.broadcast %add3A_760 : i32 to vector<16xi32>
        %add3A_762 = arith.addi %scan3A_693, %add3A_761 : vector<16xi32>
        %scatter3A_763 = arith.constant 1 : i32
        %scatter3A_764 = arith.constant 0 : i32
        %scatter3A_765 = arith.constant 0 : i32
        %scatter3A_766 = tpu.memref_slice %arg7[%scatter3A_763, %scatter3A_764, %scatter3A_765] : memref<2x128x129xf32, #tpu.memory_space<vmem>> -> memref<1x128x129xf32, #tpu.memory_space<vmem>>
        %scatter3A_767 = tpu.memref_squeeze %scatter3A_766 : memref<1x128x129xf32, #tpu.memory_space<vmem>> -> memref<128x129xf32, #tpu.memory_space<vmem>>
        tpu.vector_store_idx %scatter3A_767[%add3A_509, %add3A_762], %get3A_759 : memref<128x129xf32, #tpu.memory_space<vmem>>[vector<16xi32>, vector<16xi32>], vector<16xf32>,
        %add3A_768 = arith.constant 4 : i32
        %add3A_769 = vector.broadcast %add3A_768 : i32 to vector<16xi32>
        %add3A_770 = arith.addi %scan3A_693, %add3A_769 : vector<16xi32>
        scf.yield %add3A_770 : vector<16xi32>
      }
      %scan3A_517 = arith.constant 32 : i32
      %add3A_518 = arith.constant 32 : i32
      %add3A_519 = vector.broadcast %add3A_518 : i32 to vector<16xi32>
      %add3A_520 = arith.addi %add3A_49, %add3A_519 : vector<16xi32>
      %broadcast_in_dim3A_521 = arith.constant 0 : i32
      %broadcast_in_dim3A_522 = vector.broadcast %broadcast_in_dim3A_521 : i32 to vector<16xi32>
      %scan3A_523 = arith.constant 0 : i32
      %scan3A_524 = arith.constant 32 : i32
      %scan3A_525 = arith.addi %scan3A_523, %scan3A_524 : i32
      %scan3A_526 = arith.constant 1 : i32
      %scan3A_527 = scf.for %scan3A_692 = %scan3A_523 to %scan3A_525 step %scan3A_526 iter_args(%scan3A_693 = %broadcast_in_dim3A_522) -> (vector<16xi32>)  : i32 {
        %mul3A_694 = arith.constant 4 : i32
        %mul3A_695 = arith.muli %scan3A_692, %mul3A_694 : i32
        %add3A_696 = arith.constant 512 : i32
        %add3A_697 = arith.addi %add3A_696, %mul3A_695 : i32
        %add3A_698 = arith.constant 0 : i32
        %add3A_699 = arith.addi %add3A_697, %add3A_698 : i32
        %get3A = arith.constant 1 : i32
        %get3A_700 = arith.index_cast %get3A : i32 to index
        %get3A_701 = arith.index_cast %add3A_699 : i32 to index
        %get3A_702 = arith.constant 0 : index
        %get3A_703 = tpu.vector_load %arg6[%get3A_700, %get3A_701, %get3A_702] {strides = array<i32>} : memref<2x1024x16xf32, #tpu.memory_space<vmem>>, vector<16xf32>,
        %add3A_704 = arith.constant 0 : i32
        %add3A_705 = vector.broadcast %add3A_704 : i32 to vector<16xi32>
        %add3A_706 = arith.addi %scan3A_693, %add3A_705 : vector<16xi32>
        %scatter3A = arith.constant 1 : i32
        %scatter3A_707 = arith.constant 0 : i32
        %scatter3A_708 = arith.constant 0 : i32
        %scatter3A_709 = tpu.memref_slice %arg7[%scatter3A, %scatter3A_707, %scatter3A_708] : memref<2x128x129xf32, #tpu.memory_space<vmem>> -> memref<1x128x129xf32, #tpu.memory_space<vmem>>
        %scatter3A_710 = tpu.memref_squeeze %scatter3A_709 : memref<1x128x129xf32, #tpu.memory_space<vmem>> -> memref<128x129xf32, #tpu.memory_space<vmem>>
        tpu.vector_store_idx %scatter3A_710[%add3A_520, %add3A_706], %get3A_703 : memref<128x129xf32, #tpu.memory_space<vmem>>[vector<16xi32>, vector<16xi32>], vector<16xf32>,
        %mul3A_711 = arith.constant 4 : i32
        %mul3A_712 = arith.muli %scan3A_692, %mul3A_711 : i32
        %add3A_713 = arith.constant 512 : i32
        %add3A_714 = arith.addi %add3A_713, %mul3A_712 : i32
        %add3A_715 = arith.constant 1 : i32
        %add3A_716 = arith.addi %add3A_714, %add3A_715 : i32
        %get3A_717 = arith.constant 1 : i32
        %get3A_718 = arith.index_cast %get3A_717 : i32 to index
        %get3A_719 = arith.index_cast %add3A_716 : i32 to index
        %get3A_720 = arith.constant 0 : index
        %get3A_721 = tpu.vector_load %arg6[%get3A_718, %get3A_719, %get3A_720] {strides = array<i32>} : memref<2x1024x16xf32, #tpu.memory_space<vmem>>, vector<16xf32>,
        %add3A_722 = arith.constant 1 : i32
        %add3A_723 = vector.broadcast %add3A_722 : i32 to vector<16xi32>
        %add3A_724 = arith.addi %scan3A_693, %add3A_723 : vector<16xi32>
        %scatter3A_725 = arith.constant 1 : i32
        %scatter3A_726 = arith.constant 0 : i32
        %scatter3A_727 = arith.constant 0 : i32
        %scatter3A_728 = tpu.memref_slice %arg7[%scatter3A_725, %scatter3A_726, %scatter3A_727] : memref<2x128x129xf32, #tpu.memory_space<vmem>> -> memref<1x128x129xf32, #tpu.memory_space<vmem>>
        %scatter3A_729 = tpu.memref_squeeze %scatter3A_728 : memref<1x128x129xf32, #tpu.memory_space<vmem>> -> memref<128x129xf32, #tpu.memory_space<vmem>>
        tpu.vector_store_idx %scatter3A_729[%add3A_520, %add3A_724], %get3A_721 : memref<128x129xf32, #tpu.memory_space<vmem>>[vector<16xi32>, vector<16xi32>], vector<16xf32>,
        %mul3A_730 = arith.constant 4 : i32
        %mul3A_731 = arith.muli %scan3A_692, %mul3A_730 : i32
        %add3A_732 = arith.constant 512 : i32
        %add3A_733 = arith.addi %add3A_732, %mul3A_731 : i32
        %add3A_734 = arith.constant 2 : i32
        %add3A_735 = arith.addi %add3A_733, %add3A_734 : i32
        %get3A_736 = arith.constant 1 : i32
        %get3A_737 = arith.index_cast %get3A_736 : i32 to index
        %get3A_738 = arith.index_cast %add3A_735 : i32 to index
        %get3A_739 = arith.constant 0 : index
        %get3A_740 = tpu.vector_load %arg6[%get3A_737, %get3A_738, %get3A_739] {strides = array<i32>} : memref<2x1024x16xf32, #tpu.memory_space<vmem>>, vector<16xf32>,
        %add3A_741 = arith.constant 2 : i32
        %add3A_742 = vector.broadcast %add3A_741 : i32 to vector<16xi32>
        %add3A_743 = arith.addi %scan3A_693, %add3A_742 : vector<16xi32>
        %scatter3A_744 = arith.constant 1 : i32
        %scatter3A_745 = arith.constant 0 : i32
        %scatter3A_746 = arith.constant 0 : i32
        %scatter3A_747 = tpu.memref_slice %arg7[%scatter3A_744, %scatter3A_745, %scatter3A_746] : memref<2x128x129xf32, #tpu.memory_space<vmem>> -> memref<1x128x129xf32, #tpu.memory_space<vmem>>
        %scatter3A_748 = tpu.memref_squeeze %scatter3A_747 : memref<1x128x129xf32, #tpu.memory_space<vmem>> -> memref<128x129xf32, #tpu.memory_space<vmem>>
        tpu.vector_store_idx %scatter3A_748[%add3A_520, %add3A_743], %get3A_740 : memref<128x129xf32, #tpu.memory_space<vmem>>[vector<16xi32>, vector<16xi32>], vector<16xf32>,
        %mul3A_749 = arith.constant 4 : i32
        %mul3A_750 = arith.muli %scan3A_692, %mul3A_749 : i32
        %add3A_751 = arith.constant 512 : i32
        %add3A_752 = arith.addi %add3A_751, %mul3A_750 : i32
        %add3A_753 = arith.constant 3 : i32
        %add3A_754 = arith.addi %add3A_752, %add3A_753 : i32
        %get3A_755 = arith.constant 1 : i32
        %get3A_756 = arith.index_cast %get3A_755 : i32 to index
        %get3A_757 = arith.index_cast %add3A_754 : i32 to index
        %get3A_758 = arith.constant 0 : index
        %get3A_759 = tpu.vector_load %arg6[%get3A_756, %get3A_757, %get3A_758] {strides = array<i32>} : memref<2x1024x16xf32, #tpu.memory_space<vmem>>, vector<16xf32>,
        %add3A_760 = arith.constant 3 : i32
        %add3A_761 = vector.broadcast %add3A_760 : i32 to vector<16xi32>
        %add3A_762 = arith.addi %scan3A_693, %add3A_761 : vector<16xi32>
        %scatter3A_763 = arith.constant 1 : i32
        %scatter3A_764 = arith.constant 0 : i32
        %scatter3A_765 = arith.constant 0 : i32
        %scatter3A_766 = tpu.memref_slice %arg7[%scatter3A_763, %scatter3A_764, %scatter3A_765] : memref<2x128x129xf32, #tpu.memory_space<vmem>> -> memref<1x128x129xf32, #tpu.memory_space<vmem>>
        %scatter3A_767 = tpu.memref_squeeze %scatter3A_766 : memref<1x128x129xf32, #tpu.memory_space<vmem>> -> memref<128x129xf32, #tpu.memory_space<vmem>>
        tpu.vector_store_idx %scatter3A_767[%add3A_520, %add3A_762], %get3A_759 : memref<128x129xf32, #tpu.memory_space<vmem>>[vector<16xi32>, vector<16xi32>], vector<16xf32>,
        %add3A_768 = arith.constant 4 : i32
        %add3A_769 = vector.broadcast %add3A_768 : i32 to vector<16xi32>
        %add3A_770 = arith.addi %scan3A_693, %add3A_769 : vector<16xi32>
        scf.yield %add3A_770 : vector<16xi32>
      }
      %scan3A_528 = arith.constant 32 : i32
      %add3A_529 = arith.constant 40 : i32
      %add3A_530 = vector.broadcast %add3A_529 : i32 to vector<16xi32>
      %add3A_531 = arith.addi %add3A_49, %add3A_530 : vector<16xi32>
      %broadcast_in_dim3A_532 = arith.constant 0 : i32
      %broadcast_in_dim3A_533 = vector.broadcast %broadcast_in_dim3A_532 : i32 to vector<16xi32>
      %scan3A_534 = arith.constant 0 : i32
      %scan3A_535 = arith.constant 32 : i32
      %scan3A_536 = arith.addi %scan3A_534, %scan3A_535 : i32
      %scan3A_537 = arith.constant 1 : i32
      %scan3A_538 = scf.for %scan3A_692 = %scan3A_534 to %scan3A_536 step %scan3A_537 iter_args(%scan3A_693 = %broadcast_in_dim3A_533) -> (vector<16xi32>)  : i32 {
        %mul3A_694 = arith.constant 4 : i32
        %mul3A_695 = arith.muli %scan3A_692, %mul3A_694 : i32
        %add3A_696 = arith.constant 640 : i32
        %add3A_697 = arith.addi %add3A_696, %mul3A_695 : i32
        %add3A_698 = arith.constant 0 : i32
        %add3A_699 = arith.addi %add3A_697, %add3A_698 : i32
        %get3A = arith.constant 1 : i32
        %get3A_700 = arith.index_cast %get3A : i32 to index
        %get3A_701 = arith.index_cast %add3A_699 : i32 to index
        %get3A_702 = arith.constant 0 : index
        %get3A_703 = tpu.vector_load %arg6[%get3A_700, %get3A_701, %get3A_702] {strides = array<i32>} : memref<2x1024x16xf32, #tpu.memory_space<vmem>>, vector<16xf32>,
        %add3A_704 = arith.constant 0 : i32
        %add3A_705 = vector.broadcast %add3A_704 : i32 to vector<16xi32>
        %add3A_706 = arith.addi %scan3A_693, %add3A_705 : vector<16xi32>
        %scatter3A = arith.constant 1 : i32
        %scatter3A_707 = arith.constant 0 : i32
        %scatter3A_708 = arith.constant 0 : i32
        %scatter3A_709 = tpu.memref_slice %arg7[%scatter3A, %scatter3A_707, %scatter3A_708] : memref<2x128x129xf32, #tpu.memory_space<vmem>> -> memref<1x128x129xf32, #tpu.memory_space<vmem>>
        %scatter3A_710 = tpu.memref_squeeze %scatter3A_709 : memref<1x128x129xf32, #tpu.memory_space<vmem>> -> memref<128x129xf32, #tpu.memory_space<vmem>>
        tpu.vector_store_idx %scatter3A_710[%add3A_531, %add3A_706], %get3A_703 : memref<128x129xf32, #tpu.memory_space<vmem>>[vector<16xi32>, vector<16xi32>], vector<16xf32>,
        %mul3A_711 = arith.constant 4 : i32
        %mul3A_712 = arith.muli %scan3A_692, %mul3A_711 : i32
        %add3A_713 = arith.constant 640 : i32
        %add3A_714 = arith.addi %add3A_713, %mul3A_712 : i32
        %add3A_715 = arith.constant 1 : i32
        %add3A_716 = arith.addi %add3A_714, %add3A_715 : i32
        %get3A_717 = arith.constant 1 : i32
        %get3A_718 = arith.index_cast %get3A_717 : i32 to index
        %get3A_719 = arith.index_cast %add3A_716 : i32 to index
        %get3A_720 = arith.constant 0 : index
        %get3A_721 = tpu.vector_load %arg6[%get3A_718, %get3A_719, %get3A_720] {strides = array<i32>} : memref<2x1024x16xf32, #tpu.memory_space<vmem>>, vector<16xf32>,
        %add3A_722 = arith.constant 1 : i32
        %add3A_723 = vector.broadcast %add3A_722 : i32 to vector<16xi32>
        %add3A_724 = arith.addi %scan3A_693, %add3A_723 : vector<16xi32>
        %scatter3A_725 = arith.constant 1 : i32
        %scatter3A_726 = arith.constant 0 : i32
        %scatter3A_727 = arith.constant 0 : i32
        %scatter3A_728 = tpu.memref_slice %arg7[%scatter3A_725, %scatter3A_726, %scatter3A_727] : memref<2x128x129xf32, #tpu.memory_space<vmem>> -> memref<1x128x129xf32, #tpu.memory_space<vmem>>
        %scatter3A_729 = tpu.memref_squeeze %scatter3A_728 : memref<1x128x129xf32, #tpu.memory_space<vmem>> -> memref<128x129xf32, #tpu.memory_space<vmem>>
        tpu.vector_store_idx %scatter3A_729[%add3A_531, %add3A_724], %get3A_721 : memref<128x129xf32, #tpu.memory_space<vmem>>[vector<16xi32>, vector<16xi32>], vector<16xf32>,
        %mul3A_730 = arith.constant 4 : i32
        %mul3A_731 = arith.muli %scan3A_692, %mul3A_730 : i32
        %add3A_732 = arith.constant 640 : i32
        %add3A_733 = arith.addi %add3A_732, %mul3A_731 : i32
        %add3A_734 = arith.constant 2 : i32
        %add3A_735 = arith.addi %add3A_733, %add3A_734 : i32
        %get3A_736 = arith.constant 1 : i32
        %get3A_737 = arith.index_cast %get3A_736 : i32 to index
        %get3A_738 = arith.index_cast %add3A_735 : i32 to index
        %get3A_739 = arith.constant 0 : index
        %get3A_740 = tpu.vector_load %arg6[%get3A_737, %get3A_738, %get3A_739] {strides = array<i32>} : memref<2x1024x16xf32, #tpu.memory_space<vmem>>, vector<16xf32>,
        %add3A_741 = arith.constant 2 : i32
        %add3A_742 = vector.broadcast %add3A_741 : i32 to vector<16xi32>
        %add3A_743 = arith.addi %scan3A_693, %add3A_742 : vector<16xi32>
        %scatter3A_744 = arith.constant 1 : i32
        %scatter3A_745 = arith.constant 0 : i32
        %scatter3A_746 = arith.constant 0 : i32
        %scatter3A_747 = tpu.memref_slice %arg7[%scatter3A_744, %scatter3A_745, %scatter3A_746] : memref<2x128x129xf32, #tpu.memory_space<vmem>> -> memref<1x128x129xf32, #tpu.memory_space<vmem>>
        %scatter3A_748 = tpu.memref_squeeze %scatter3A_747 : memref<1x128x129xf32, #tpu.memory_space<vmem>> -> memref<128x129xf32, #tpu.memory_space<vmem>>
        tpu.vector_store_idx %scatter3A_748[%add3A_531, %add3A_743], %get3A_740 : memref<128x129xf32, #tpu.memory_space<vmem>>[vector<16xi32>, vector<16xi32>], vector<16xf32>,
        %mul3A_749 = arith.constant 4 : i32
        %mul3A_750 = arith.muli %scan3A_692, %mul3A_749 : i32
        %add3A_751 = arith.constant 640 : i32
        %add3A_752 = arith.addi %add3A_751, %mul3A_750 : i32
        %add3A_753 = arith.constant 3 : i32
        %add3A_754 = arith.addi %add3A_752, %add3A_753 : i32
        %get3A_755 = arith.constant 1 : i32
        %get3A_756 = arith.index_cast %get3A_755 : i32 to index
        %get3A_757 = arith.index_cast %add3A_754 : i32 to index
        %get3A_758 = arith.constant 0 : index
        %get3A_759 = tpu.vector_load %arg6[%get3A_756, %get3A_757, %get3A_758] {strides = array<i32>} : memref<2x1024x16xf32, #tpu.memory_space<vmem>>, vector<16xf32>,
        %add3A_760 = arith.constant 3 : i32
        %add3A_761 = vector.broadcast %add3A_760 : i32 to vector<16xi32>
        %add3A_762 = arith.addi %scan3A_693, %add3A_761 : vector<16xi32>
        %scatter3A_763 = arith.constant 1 : i32
        %scatter3A_764 = arith.constant 0 : i32
        %scatter3A_765 = arith.constant 0 : i32
        %scatter3A_766 = tpu.memref_slice %arg7[%scatter3A_763, %scatter3A_764, %scatter3A_765] : memref<2x128x129xf32, #tpu.memory_space<vmem>> -> memref<1x128x129xf32, #tpu.memory_space<vmem>>
        %scatter3A_767 = tpu.memref_squeeze %scatter3A_766 : memref<1x128x129xf32, #tpu.memory_space<vmem>> -> memref<128x129xf32, #tpu.memory_space<vmem>>
        tpu.vector_store_idx %scatter3A_767[%add3A_531, %add3A_762], %get3A_759 : memref<128x129xf32, #tpu.memory_space<vmem>>[vector<16xi32>, vector<16xi32>], vector<16xf32>,
        %add3A_768 = arith.constant 4 : i32
        %add3A_769 = vector.broadcast %add3A_768 : i32 to vector<16xi32>
        %add3A_770 = arith.addi %scan3A_693, %add3A_769 : vector<16xi32>
        scf.yield %add3A_770 : vector<16xi32>
      }
      %scan3A_539 = arith.constant 32 : i32
      %add3A_540 = arith.constant 48 : i32
      %add3A_541 = vector.broadcast %add3A_540 : i32 to vector<16xi32>
      %add3A_542 = arith.addi %add3A_49, %add3A_541 : vector<16xi32>
      %broadcast_in_dim3A_543 = arith.constant 0 : i32
      %broadcast_in_dim3A_544 = vector.broadcast %broadcast_in_dim3A_543 : i32 to vector<16xi32>
      %scan3A_545 = arith.constant 0 : i32
      %scan3A_546 = arith.constant 32 : i32
      %scan3A_547 = arith.addi %scan3A_545, %scan3A_546 : i32
      %scan3A_548 = arith.constant 1 : i32
      %scan3A_549 = scf.for %scan3A_692 = %scan3A_545 to %scan3A_547 step %scan3A_548 iter_args(%scan3A_693 = %broadcast_in_dim3A_544) -> (vector<16xi32>)  : i32 {
        %mul3A_694 = arith.constant 4 : i32
        %mul3A_695 = arith.muli %scan3A_692, %mul3A_694 : i32
        %add3A_696 = arith.constant 768 : i32
        %add3A_697 = arith.addi %add3A_696, %mul3A_695 : i32
        %add3A_698 = arith.constant 0 : i32
        %add3A_699 = arith.addi %add3A_697, %add3A_698 : i32
        %get3A = arith.constant 1 : i32
        %get3A_700 = arith.index_cast %get3A : i32 to index
        %get3A_701 = arith.index_cast %add3A_699 : i32 to index
        %get3A_702 = arith.constant 0 : index
        %get3A_703 = tpu.vector_load %arg6[%get3A_700, %get3A_701, %get3A_702] {strides = array<i32>} : memref<2x1024x16xf32, #tpu.memory_space<vmem>>, vector<16xf32>,
        %add3A_704 = arith.constant 0 : i32
        %add3A_705 = vector.broadcast %add3A_704 : i32 to vector<16xi32>
        %add3A_706 = arith.addi %scan3A_693, %add3A_705 : vector<16xi32>
        %scatter3A = arith.constant 1 : i32
        %scatter3A_707 = arith.constant 0 : i32
        %scatter3A_708 = arith.constant 0 : i32
        %scatter3A_709 = tpu.memref_slice %arg7[%scatter3A, %scatter3A_707, %scatter3A_708] : memref<2x128x129xf32, #tpu.memory_space<vmem>> -> memref<1x128x129xf32, #tpu.memory_space<vmem>>
        %scatter3A_710 = tpu.memref_squeeze %scatter3A_709 : memref<1x128x129xf32, #tpu.memory_space<vmem>> -> memref<128x129xf32, #tpu.memory_space<vmem>>
        tpu.vector_store_idx %scatter3A_710[%add3A_542, %add3A_706], %get3A_703 : memref<128x129xf32, #tpu.memory_space<vmem>>[vector<16xi32>, vector<16xi32>], vector<16xf32>,
        %mul3A_711 = arith.constant 4 : i32
        %mul3A_712 = arith.muli %scan3A_692, %mul3A_711 : i32
        %add3A_713 = arith.constant 768 : i32
        %add3A_714 = arith.addi %add3A_713, %mul3A_712 : i32
        %add3A_715 = arith.constant 1 : i32
        %add3A_716 = arith.addi %add3A_714, %add3A_715 : i32
        %get3A_717 = arith.constant 1 : i32
        %get3A_718 = arith.index_cast %get3A_717 : i32 to index
        %get3A_719 = arith.index_cast %add3A_716 : i32 to index
        %get3A_720 = arith.constant 0 : index
        %get3A_721 = tpu.vector_load %arg6[%get3A_718, %get3A_719, %get3A_720] {strides = array<i32>} : memref<2x1024x16xf32, #tpu.memory_space<vmem>>, vector<16xf32>,
        %add3A_722 = arith.constant 1 : i32
        %add3A_723 = vector.broadcast %add3A_722 : i32 to vector<16xi32>
        %add3A_724 = arith.addi %scan3A_693, %add3A_723 : vector<16xi32>
        %scatter3A_725 = arith.constant 1 : i32
        %scatter3A_726 = arith.constant 0 : i32
        %scatter3A_727 = arith.constant 0 : i32
        %scatter3A_728 = tpu.memref_slice %arg7[%scatter3A_725, %scatter3A_726, %scatter3A_727] : memref<2x128x129xf32, #tpu.memory_space<vmem>> -> memref<1x128x129xf32, #tpu.memory_space<vmem>>
        %scatter3A_729 = tpu.memref_squeeze %scatter3A_728 : memref<1x128x129xf32, #tpu.memory_space<vmem>> -> memref<128x129xf32, #tpu.memory_space<vmem>>
        tpu.vector_store_idx %scatter3A_729[%add3A_542, %add3A_724], %get3A_721 : memref<128x129xf32, #tpu.memory_space<vmem>>[vector<16xi32>, vector<16xi32>], vector<16xf32>,
        %mul3A_730 = arith.constant 4 : i32
        %mul3A_731 = arith.muli %scan3A_692, %mul3A_730 : i32
        %add3A_732 = arith.constant 768 : i32
        %add3A_733 = arith.addi %add3A_732, %mul3A_731 : i32
        %add3A_734 = arith.constant 2 : i32
        %add3A_735 = arith.addi %add3A_733, %add3A_734 : i32
        %get3A_736 = arith.constant 1 : i32
        %get3A_737 = arith.index_cast %get3A_736 : i32 to index
        %get3A_738 = arith.index_cast %add3A_735 : i32 to index
        %get3A_739 = arith.constant 0 : index
        %get3A_740 = tpu.vector_load %arg6[%get3A_737, %get3A_738, %get3A_739] {strides = array<i32>} : memref<2x1024x16xf32, #tpu.memory_space<vmem>>, vector<16xf32>,
        %add3A_741 = arith.constant 2 : i32
        %add3A_742 = vector.broadcast %add3A_741 : i32 to vector<16xi32>
        %add3A_743 = arith.addi %scan3A_693, %add3A_742 : vector<16xi32>
        %scatter3A_744 = arith.constant 1 : i32
        %scatter3A_745 = arith.constant 0 : i32
        %scatter3A_746 = arith.constant 0 : i32
        %scatter3A_747 = tpu.memref_slice %arg7[%scatter3A_744, %scatter3A_745, %scatter3A_746] : memref<2x128x129xf32, #tpu.memory_space<vmem>> -> memref<1x128x129xf32, #tpu.memory_space<vmem>>
        %scatter3A_748 = tpu.memref_squeeze %scatter3A_747 : memref<1x128x129xf32, #tpu.memory_space<vmem>> -> memref<128x129xf32, #tpu.memory_space<vmem>>
        tpu.vector_store_idx %scatter3A_748[%add3A_542, %add3A_743], %get3A_740 : memref<128x129xf32, #tpu.memory_space<vmem>>[vector<16xi32>, vector<16xi32>], vector<16xf32>,
        %mul3A_749 = arith.constant 4 : i32
        %mul3A_750 = arith.muli %scan3A_692, %mul3A_749 : i32
        %add3A_751 = arith.constant 768 : i32
        %add3A_752 = arith.addi %add3A_751, %mul3A_750 : i32
        %add3A_753 = arith.constant 3 : i32
        %add3A_754 = arith.addi %add3A_752, %add3A_753 : i32
        %get3A_755 = arith.constant 1 : i32
        %get3A_756 = arith.index_cast %get3A_755 : i32 to index
        %get3A_757 = arith.index_cast %add3A_754 : i32 to index
        %get3A_758 = arith.constant 0 : index
        %get3A_759 = tpu.vector_load %arg6[%get3A_756, %get3A_757, %get3A_758] {strides = array<i32>} : memref<2x1024x16xf32, #tpu.memory_space<vmem>>, vector<16xf32>,
        %add3A_760 = arith.constant 3 : i32
        %add3A_761 = vector.broadcast %add3A_760 : i32 to vector<16xi32>
        %add3A_762 = arith.addi %scan3A_693, %add3A_761 : vector<16xi32>
        %scatter3A_763 = arith.constant 1 : i32
        %scatter3A_764 = arith.constant 0 : i32
        %scatter3A_765 = arith.constant 0 : i32
        %scatter3A_766 = tpu.memref_slice %arg7[%scatter3A_763, %scatter3A_764, %scatter3A_765] : memref<2x128x129xf32, #tpu.memory_space<vmem>> -> memref<1x128x129xf32, #tpu.memory_space<vmem>>
        %scatter3A_767 = tpu.memref_squeeze %scatter3A_766 : memref<1x128x129xf32, #tpu.memory_space<vmem>> -> memref<128x129xf32, #tpu.memory_space<vmem>>
        tpu.vector_store_idx %scatter3A_767[%add3A_542, %add3A_762], %get3A_759 : memref<128x129xf32, #tpu.memory_space<vmem>>[vector<16xi32>, vector<16xi32>], vector<16xf32>,
        %add3A_768 = arith.constant 4 : i32
        %add3A_769 = vector.broadcast %add3A_768 : i32 to vector<16xi32>
        %add3A_770 = arith.addi %scan3A_693, %add3A_769 : vector<16xi32>
        scf.yield %add3A_770 : vector<16xi32>
      }
      %scan3A_550 = arith.constant 32 : i32
      %add3A_551 = arith.constant 56 : i32
      %add3A_552 = vector.broadcast %add3A_551 : i32 to vector<16xi32>
      %add3A_553 = arith.addi %add3A_49, %add3A_552 : vector<16xi32>
      %broadcast_in_dim3A_554 = arith.constant 0 : i32
      %broadcast_in_dim3A_555 = vector.broadcast %broadcast_in_dim3A_554 : i32 to vector<16xi32>
      %scan3A_556 = arith.constant 0 : i32
      %scan3A_557 = arith.constant 32 : i32
      %scan3A_558 = arith.addi %scan3A_556, %scan3A_557 : i32
      %scan3A_559 = arith.constant 1 : i32
      %scan3A_560 = scf.for %scan3A_692 = %scan3A_556 to %scan3A_558 step %scan3A_559 iter_args(%scan3A_693 = %broadcast_in_dim3A_555) -> (vector<16xi32>)  : i32 {
        %mul3A_694 = arith.constant 4 : i32
        %mul3A_695 = arith.muli %scan3A_692, %mul3A_694 : i32
        %add3A_696 = arith.constant 896 : i32
        %add3A_697 = arith.addi %add3A_696, %mul3A_695 : i32
        %add3A_698 = arith.constant 0 : i32
        %add3A_699 = arith.addi %add3A_697, %add3A_698 : i32
        %get3A = arith.constant 1 : i32
        %get3A_700 = arith.index_cast %get3A : i32 to index
        %get3A_701 = arith.index_cast %add3A_699 : i32 to index
        %get3A_702 = arith.constant 0 : index
        %get3A_703 = tpu.vector_load %arg6[%get3A_700, %get3A_701, %get3A_702] {strides = array<i32>} : memref<2x1024x16xf32, #tpu.memory_space<vmem>>, vector<16xf32>,
        %add3A_704 = arith.constant 0 : i32
        %add3A_705 = vector.broadcast %add3A_704 : i32 to vector<16xi32>
        %add3A_706 = arith.addi %scan3A_693, %add3A_705 : vector<16xi32>
        %scatter3A = arith.constant 1 : i32
        %scatter3A_707 = arith.constant 0 : i32
        %scatter3A_708 = arith.constant 0 : i32
        %scatter3A_709 = tpu.memref_slice %arg7[%scatter3A, %scatter3A_707, %scatter3A_708] : memref<2x128x129xf32, #tpu.memory_space<vmem>> -> memref<1x128x129xf32, #tpu.memory_space<vmem>>
        %scatter3A_710 = tpu.memref_squeeze %scatter3A_709 : memref<1x128x129xf32, #tpu.memory_space<vmem>> -> memref<128x129xf32, #tpu.memory_space<vmem>>
        tpu.vector_store_idx %scatter3A_710[%add3A_553, %add3A_706], %get3A_703 : memref<128x129xf32, #tpu.memory_space<vmem>>[vector<16xi32>, vector<16xi32>], vector<16xf32>,
        %mul3A_711 = arith.constant 4 : i32
        %mul3A_712 = arith.muli %scan3A_692, %mul3A_711 : i32
        %add3A_713 = arith.constant 896 : i32
        %add3A_714 = arith.addi %add3A_713, %mul3A_712 : i32
        %add3A_715 = arith.constant 1 : i32
        %add3A_716 = arith.addi %add3A_714, %add3A_715 : i32
        %get3A_717 = arith.constant 1 : i32
        %get3A_718 = arith.index_cast %get3A_717 : i32 to index
        %get3A_719 = arith.index_cast %add3A_716 : i32 to index
        %get3A_720 = arith.constant 0 : index
        %get3A_721 = tpu.vector_load %arg6[%get3A_718, %get3A_719, %get3A_720] {strides = array<i32>} : memref<2x1024x16xf32, #tpu.memory_space<vmem>>, vector<16xf32>,
        %add3A_722 = arith.constant 1 : i32
        %add3A_723 = vector.broadcast %add3A_722 : i32 to vector<16xi32>
        %add3A_724 = arith.addi %scan3A_693, %add3A_723 : vector<16xi32>
        %scatter3A_725 = arith.constant 1 : i32
        %scatter3A_726 = arith.constant 0 : i32
        %scatter3A_727 = arith.constant 0 : i32
        %scatter3A_728 = tpu.memref_slice %arg7[%scatter3A_725, %scatter3A_726, %scatter3A_727] : memref<2x128x129xf32, #tpu.memory_space<vmem>> -> memref<1x128x129xf32, #tpu.memory_space<vmem>>
        %scatter3A_729 = tpu.memref_squeeze %scatter3A_728 : memref<1x128x129xf32, #tpu.memory_space<vmem>> -> memref<128x129xf32, #tpu.memory_space<vmem>>
        tpu.vector_store_idx %scatter3A_729[%add3A_553, %add3A_724], %get3A_721 : memref<128x129xf32, #tpu.memory_space<vmem>>[vector<16xi32>, vector<16xi32>], vector<16xf32>,
        %mul3A_730 = arith.constant 4 : i32
        %mul3A_731 = arith.muli %scan3A_692, %mul3A_730 : i32
        %add3A_732 = arith.constant 896 : i32
        %add3A_733 = arith.addi %add3A_732, %mul3A_731 : i32
        %add3A_734 = arith.constant 2 : i32
        %add3A_735 = arith.addi %add3A_733, %add3A_734 : i32
        %get3A_736 = arith.constant 1 : i32
        %get3A_737 = arith.index_cast %get3A_736 : i32 to index
        %get3A_738 = arith.index_cast %add3A_735 : i32 to index
        %get3A_739 = arith.constant 0 : index
        %get3A_740 = tpu.vector_load %arg6[%get3A_737, %get3A_738, %get3A_739] {strides = array<i32>} : memref<2x1024x16xf32, #tpu.memory_space<vmem>>, vector<16xf32>,
        %add3A_741 = arith.constant 2 : i32
        %add3A_742 = vector.broadcast %add3A_741 : i32 to vector<16xi32>
        %add3A_743 = arith.addi %scan3A_693, %add3A_742 : vector<16xi32>
        %scatter3A_744 = arith.constant 1 : i32
        %scatter3A_745 = arith.constant 0 : i32
        %scatter3A_746 = arith.constant 0 : i32
        %scatter3A_747 = tpu.memref_slice %arg7[%scatter3A_744, %scatter3A_745, %scatter3A_746] : memref<2x128x129xf32, #tpu.memory_space<vmem>> -> memref<1x128x129xf32, #tpu.memory_space<vmem>>
        %scatter3A_748 = tpu.memref_squeeze %scatter3A_747 : memref<1x128x129xf32, #tpu.memory_space<vmem>> -> memref<128x129xf32, #tpu.memory_space<vmem>>
        tpu.vector_store_idx %scatter3A_748[%add3A_553, %add3A_743], %get3A_740 : memref<128x129xf32, #tpu.memory_space<vmem>>[vector<16xi32>, vector<16xi32>], vector<16xf32>,
        %mul3A_749 = arith.constant 4 : i32
        %mul3A_750 = arith.muli %scan3A_692, %mul3A_749 : i32
        %add3A_751 = arith.constant 896 : i32
        %add3A_752 = arith.addi %add3A_751, %mul3A_750 : i32
        %add3A_753 = arith.constant 3 : i32
        %add3A_754 = arith.addi %add3A_752, %add3A_753 : i32
        %get3A_755 = arith.constant 1 : i32
        %get3A_756 = arith.index_cast %get3A_755 : i32 to index
        %get3A_757 = arith.index_cast %add3A_754 : i32 to index
        %get3A_758 = arith.constant 0 : index
        %get3A_759 = tpu.vector_load %arg6[%get3A_756, %get3A_757, %get3A_758] {strides = array<i32>} : memref<2x1024x16xf32, #tpu.memory_space<vmem>>, vector<16xf32>,
        %add3A_760 = arith.constant 3 : i32
        %add3A_761 = vector.broadcast %add3A_760 : i32 to vector<16xi32>
        %add3A_762 = arith.addi %scan3A_693, %add3A_761 : vector<16xi32>
        %scatter3A_763 = arith.constant 1 : i32
        %scatter3A_764 = arith.constant 0 : i32
        %scatter3A_765 = arith.constant 0 : i32
        %scatter3A_766 = tpu.memref_slice %arg7[%scatter3A_763, %scatter3A_764, %scatter3A_765] : memref<2x128x129xf32, #tpu.memory_space<vmem>> -> memref<1x128x129xf32, #tpu.memory_space<vmem>>
        %scatter3A_767 = tpu.memref_squeeze %scatter3A_766 : memref<1x128x129xf32, #tpu.memory_space<vmem>> -> memref<128x129xf32, #tpu.memory_space<vmem>>
        tpu.vector_store_idx %scatter3A_767[%add3A_553, %add3A_762], %get3A_759 : memref<128x129xf32, #tpu.memory_space<vmem>>[vector<16xi32>, vector<16xi32>], vector<16xf32>,
        %add3A_768 = arith.constant 4 : i32
        %add3A_769 = vector.broadcast %add3A_768 : i32 to vector<16xi32>
        %add3A_770 = arith.addi %scan3A_693, %add3A_769 : vector<16xi32>
        scf.yield %add3A_770 : vector<16xi32>
      }
      %scan3A_561 = arith.constant 32 : i32
      %add3A_562 = arith.constant 1 : i32
      %add3A_563 = arith.addi %mul3A_264, %add3A_562 : i32
      %mul3A_564 = arith.constant 1024 : i32
      %mul3A_565 = arith.muli %add3A_563, %mul3A_564 : i32
      %add3A_566 = arith.addi %mul3A_2, %mul3A_565 : i32
      %jit3A_567 = arith.constant 128 : i32
      %div3A_568 = arith.divsi %add3A_566, %jit3A_567 : i32
      %sign3A_569 = arith.constant 0 : i32
      %sign3A_570 = arith.cmpi sgt, %add3A_566, %sign3A_569 : i32
      %sign3A_571 = arith.extui %sign3A_570 : i1 to i32
      %sign3A_572 = arith.constant 0 : i32
      %sign3A_573 = arith.cmpi slt, %add3A_566, %sign3A_572 : i32
      %sign3A_574 = arith.extui %sign3A_573 : i1 to i32
      %sign3A_575 = arith.subi %sign3A_571, %sign3A_574 : i32
      %sign3A_576 = arith.constant 0 : i32
      %sign3A_577 = arith.cmpi sgt, %jit3A_567, %sign3A_576 : i32
      %sign3A_578 = arith.extui %sign3A_577 : i1 to i32
      %sign3A_579 = arith.constant 0 : i32
      %sign3A_580 = arith.cmpi slt, %jit3A_567, %sign3A_579 : i32
      %sign3A_581 = arith.extui %sign3A_580 : i1 to i32
      %sign3A_582 = arith.subi %sign3A_578, %sign3A_581 : i32
      %ne3A_583 = arith.cmpi ne, %sign3A_575, %sign3A_582 : i32
      %rem3A_584 = arith.remsi %add3A_566, %jit3A_567 : i32
      %ne3A_585 = arith.constant 0 : i32
      %ne3A_586 = arith.cmpi ne, %rem3A_584, %ne3A_585 : i32
      %and3A_587 = arith.andi %ne3A_583, %ne3A_586 : i1
      %sub3A_588 = arith.constant 1 : i32
      %sub3A_589 = arith.subi %div3A_568, %sub3A_588 : i32
      %select_n3A_590 = arith.select %and3A_587, %sub3A_589, %div3A_568 : i32
      %mul3A_591 = arith.constant 8 : i32
      %mul3A_592 = arith.muli %select_n3A_590, %mul3A_591 : i32
      %dma_start3A_593 = arith.constant 1 : i32
      %dma_start3A_594 = arith.constant 0 : i32
      %dma_start3A_595 = arith.constant 0 : i32
      %dma_start3A_596 = arith.constant 0 : i32
      %dma_start3A_597 = tpu.memref_slice %arg7[%dma_start3A_593, %dma_start3A_595, %dma_start3A_596] : memref<2x128x129xf32, #tpu.memory_space<vmem>> -> memref<1x64x128xf32, #tpu.memory_space<vmem>>
      %dma_start3A_598 = tpu.memref_squeeze %dma_start3A_597 : memref<1x64x128xf32, #tpu.memory_space<vmem>> -> memref<64x128xf32, #tpu.memory_space<vmem>>
      %dma_start3A_599 = arith.constant 0 : i32
      %dma_start3A_600 = tpu.memref_slice %arg4[%dma_start3A_594, %mul3A_592, %dma_start3A_599] : memref<2x51200x128xf32, #tpu.memory_space<hbm>> -> memref<1x64x128xf32, #tpu.memory_space<hbm>>
      %dma_start3A_601 = tpu.memref_squeeze %dma_start3A_600 : memref<1x64x128xf32, #tpu.memory_space<hbm>> -> memref<64x128xf32, #tpu.memory_space<hbm>>
      %dma_start3A_602 = arith.constant 0 : i32
      %dma_start3A_603 = tpu.memref_slice %arg4[%dma_start3A_594, %mul3A_592, %dma_start3A_602] : memref<2x51200x128xf32, #tpu.memory_space<hbm>> -> memref<1x64x128xf32, #tpu.memory_space<hbm>>
      %dma_start3A_604 = tpu.memref_squeeze %dma_start3A_603 : memref<1x64x128xf32, #tpu.memory_space<hbm>> -> memref<64x128xf32, #tpu.memory_space<hbm>>
      %dma_start3A_605 = arith.constant 0 : i32
      %dma_start3A_606 = arith.constant 0 : i32
      %dma_start3A_607 = tpu.memref_slice %arg7[%dma_start3A_593, %dma_start3A_605, %dma_start3A_606] : memref<2x128x129xf32, #tpu.memory_space<vmem>> -> memref<1x64x128xf32, #tpu.memory_space<vmem>>
      %dma_start3A_608 = tpu.memref_squeeze %dma_start3A_607 : memref<1x64x128xf32, #tpu.memory_space<vmem>> -> memref<64x128xf32, #tpu.memory_space<vmem>>
      tpu.enqueue_dma source(%dma_start3A_608 : memref<64x128xf32, #tpu.memory_space<vmem>>) target(%dma_start3A_604 : memref<64x128xf32, #tpu.memory_space<hbm>>) target_semaphore(%arg11 : memref<!tpu.dma_semaphore, #tpu.memory_space<semaphore_mem>>)
      %mul3A_609 = arith.constant 8 : i32
      %mul3A_610 = arith.muli %select_n3A_590, %mul3A_609 : i32
      %dma_start3A_611 = arith.constant 1 : i32
      %dma_start3A_612 = arith.constant 1 : i32
      %dma_start3A_613 = arith.constant 64 : i32
      %dma_start3A_614 = arith.constant 0 : i32
      %dma_start3A_615 = tpu.memref_slice %arg7[%dma_start3A_611, %dma_start3A_613, %dma_start3A_614] : memref<2x128x129xf32, #tpu.memory_space<vmem>> -> memref<1x64x128xf32, #tpu.memory_space<vmem>>
      %dma_start3A_616 = tpu.memref_squeeze %dma_start3A_615 : memref<1x64x128xf32, #tpu.memory_space<vmem>> -> memref<64x128xf32, #tpu.memory_space<vmem>>
      %dma_start3A_617 = arith.constant 0 : i32
      %dma_start3A_618 = tpu.memref_slice %arg4[%dma_start3A_612, %mul3A_610, %dma_start3A_617] : memref<2x51200x128xf32, #tpu.memory_space<hbm>> -> memref<1x64x128xf32, #tpu.memory_space<hbm>>
      %dma_start3A_619 = tpu.memref_squeeze %dma_start3A_618 : memref<1x64x128xf32, #tpu.memory_space<hbm>> -> memref<64x128xf32, #tpu.memory_space<hbm>>
      %dma_start3A_620 = arith.constant 0 : i32
      %dma_start3A_621 = tpu.memref_slice %arg4[%dma_start3A_612, %mul3A_610, %dma_start3A_620] : memref<2x51200x128xf32, #tpu.memory_space<hbm>> -> memref<1x64x128xf32, #tpu.memory_space<hbm>>
      %dma_start3A_622 = tpu.memref_squeeze %dma_start3A_621 : memref<1x64x128xf32, #tpu.memory_space<hbm>> -> memref<64x128xf32, #tpu.memory_space<hbm>>
      %dma_start3A_623 = arith.constant 64 : i32
      %dma_start3A_624 = arith.constant 0 : i32
      %dma_start3A_625 = tpu.memref_slice %arg7[%dma_start3A_611, %dma_start3A_623, %dma_start3A_624] : memref<2x128x129xf32, #tpu.memory_space<vmem>> -> memref<1x64x128xf32, #tpu.memory_space<vmem>>
      %dma_start3A_626 = tpu.memref_squeeze %dma_start3A_625 : memref<1x64x128xf32, #tpu.memory_space<vmem>> -> memref<64x128xf32, #tpu.memory_space<vmem>>
      tpu.enqueue_dma source(%dma_start3A_626 : memref<64x128xf32, #tpu.memory_space<vmem>>) target(%dma_start3A_622 : memref<64x128xf32, #tpu.memory_space<hbm>>) target_semaphore(%arg11 : memref<!tpu.dma_semaphore, #tpu.memory_space<semaphore_mem>>)
      %dma_wait3A_627 = arith.constant 0 : i32
      %dma_wait3A_628 = arith.constant 0 : i32
      %dma_wait3A_629 = arith.constant 0 : i32
      %dma_wait3A_630 = arith.constant 0 : i32
      %dma_wait3A_631 = tpu.memref_slice %arg7[%dma_wait3A_627, %dma_wait3A_629, %dma_wait3A_630] : memref<2x128x129xf32, #tpu.memory_space<vmem>> -> memref<1x64x128xf32, #tpu.memory_space<vmem>>
      %dma_wait3A_632 = tpu.memref_squeeze %dma_wait3A_631 : memref<1x64x128xf32, #tpu.memory_space<vmem>> -> memref<64x128xf32, #tpu.memory_space<vmem>>
      %dma_wait3A_633 = arith.constant 0 : i32
      %dma_wait3A_634 = tpu.memref_slice %arg4[%dma_wait3A_628, %mul3A_427, %dma_wait3A_633] : memref<2x51200x128xf32, #tpu.memory_space<hbm>> -> memref<1x64x128xf32, #tpu.memory_space<hbm>>
      %dma_wait3A_635 = tpu.memref_squeeze %dma_wait3A_634 : memref<1x64x128xf32, #tpu.memory_space<hbm>> -> memref<64x128xf32, #tpu.memory_space<hbm>>
      %dma_wait3A_636 = arith.constant 0 : i32
      %dma_wait3A_637 = tpu.memref_slice %arg4[%dma_wait3A_628, %mul3A_427, %dma_wait3A_636] : memref<2x51200x128xf32, #tpu.memory_space<hbm>> -> memref<1x64x128xf32, #tpu.memory_space<hbm>>
      %dma_wait3A_638 = tpu.memref_squeeze %dma_wait3A_637 : memref<1x64x128xf32, #tpu.memory_space<hbm>> -> memref<64x128xf32, #tpu.memory_space<hbm>>
      %dma_wait3A_639 = arith.constant 0 : i32
      %dma_wait3A_640 = arith.constant 0 : i32
      %dma_wait3A_641 = tpu.memref_slice %arg7[%dma_wait3A_627, %dma_wait3A_639, %dma_wait3A_640] : memref<2x128x129xf32, #tpu.memory_space<vmem>> -> memref<1x64x128xf32, #tpu.memory_space<vmem>>
      %dma_wait3A_642 = tpu.memref_squeeze %dma_wait3A_641 : memref<1x64x128xf32, #tpu.memory_space<vmem>> -> memref<64x128xf32, #tpu.memory_space<vmem>>
      tpu.wait_dma2 semaphore(%arg10 : memref<!tpu.dma_semaphore, #tpu.memory_space<semaphore_mem>>) src(%dma_wait3A_642 : memref<64x128xf32, #tpu.memory_space<vmem>>) dst(%dma_wait3A_638 : memref<64x128xf32, #tpu.memory_space<hbm>>)
      %dma_wait3A_643 = arith.constant 0 : i32
      %dma_wait3A_644 = arith.constant 1 : i32
      %dma_wait3A_645 = arith.constant 64 : i32
      %dma_wait3A_646 = arith.constant 0 : i32
      %dma_wait3A_647 = tpu.memref_slice %arg7[%dma_wait3A_643, %dma_wait3A_645, %dma_wait3A_646] : memref<2x128x129xf32, #tpu.memory_space<vmem>> -> memref<1x64x128xf32, #tpu.memory_space<vmem>>
      %dma_wait3A_648 = tpu.memref_squeeze %dma_wait3A_647 : memref<1x64x128xf32, #tpu.memory_space<vmem>> -> memref<64x128xf32, #tpu.memory_space<vmem>>
      %dma_wait3A_649 = arith.constant 0 : i32
      %dma_wait3A_650 = tpu.memref_slice %arg4[%dma_wait3A_644, %mul3A_445, %dma_wait3A_649] : memref<2x51200x128xf32, #tpu.memory_space<hbm>> -> memref<1x64x128xf32, #tpu.memory_space<hbm>>
      %dma_wait3A_651 = tpu.memref_squeeze %dma_wait3A_650 : memref<1x64x128xf32, #tpu.memory_space<hbm>> -> memref<64x128xf32, #tpu.memory_space<hbm>>
      %dma_wait3A_652 = arith.constant 0 : i32
      %dma_wait3A_653 = tpu.memref_slice %arg4[%dma_wait3A_644, %mul3A_445, %dma_wait3A_652] : memref<2x51200x128xf32, #tpu.memory_space<hbm>> -> memref<1x64x128xf32, #tpu.memory_space<hbm>>
      %dma_wait3A_654 = tpu.memref_squeeze %dma_wait3A_653 : memref<1x64x128xf32, #tpu.memory_space<hbm>> -> memref<64x128xf32, #tpu.memory_space<hbm>>
      %dma_wait3A_655 = arith.constant 64 : i32
      %dma_wait3A_656 = arith.constant 0 : i32
      %dma_wait3A_657 = tpu.memref_slice %arg7[%dma_wait3A_643, %dma_wait3A_655, %dma_wait3A_656] : memref<2x128x129xf32, #tpu.memory_space<vmem>> -> memref<1x64x128xf32, #tpu.memory_space<vmem>>
      %dma_wait3A_658 = tpu.memref_squeeze %dma_wait3A_657 : memref<1x64x128xf32, #tpu.memory_space<vmem>> -> memref<64x128xf32, #tpu.memory_space<vmem>>
      tpu.wait_dma2 semaphore(%arg10 : memref<!tpu.dma_semaphore, #tpu.memory_space<semaphore_mem>>) src(%dma_wait3A_658 : memref<64x128xf32, #tpu.memory_space<vmem>>) dst(%dma_wait3A_654 : memref<64x128xf32, #tpu.memory_space<hbm>>)
      %dma_wait3A_659 = arith.constant 1 : i32
      %dma_wait3A_660 = arith.constant 0 : i32
      %dma_wait3A_661 = arith.constant 0 : i32
      %dma_wait3A_662 = arith.constant 0 : i32
      %dma_wait3A_663 = tpu.memref_slice %arg7[%dma_wait3A_659, %dma_wait3A_661, %dma_wait3A_662] : memref<2x128x129xf32, #tpu.memory_space<vmem>> -> memref<1x64x128xf32, #tpu.memory_space<vmem>>
      %dma_wait3A_664 = tpu.memref_squeeze %dma_wait3A_663 : memref<1x64x128xf32, #tpu.memory_space<vmem>> -> memref<64x128xf32, #tpu.memory_space<vmem>>
      %dma_wait3A_665 = arith.constant 0 : i32
      %dma_wait3A_666 = tpu.memref_slice %arg4[%dma_wait3A_660, %mul3A_592, %dma_wait3A_665] : memref<2x51200x128xf32, #tpu.memory_space<hbm>> -> memref<1x64x128xf32, #tpu.memory_space<hbm>>
      %dma_wait3A_667 = tpu.memref_squeeze %dma_wait3A_666 : memref<1x64x128xf32, #tpu.memory_space<hbm>> -> memref<64x128xf32, #tpu.memory_space<hbm>>
      %dma_wait3A_668 = arith.constant 0 : i32
      %dma_wait3A_669 = tpu.memref_slice %arg4[%dma_wait3A_660, %mul3A_592, %dma_wait3A_668] : memref<2x51200x128xf32, #tpu.memory_space<hbm>> -> memref<1x64x128xf32, #tpu.memory_space<hbm>>
      %dma_wait3A_670 = tpu.memref_squeeze %dma_wait3A_669 : memref<1x64x128xf32, #tpu.memory_space<hbm>> -> memref<64x128xf32, #tpu.memory_space<hbm>>
      %dma_wait3A_671 = arith.constant 0 : i32
      %dma_wait3A_672 = arith.constant 0 : i32
      %dma_wait3A_673 = tpu.memref_slice %arg7[%dma_wait3A_659, %dma_wait3A_671, %dma_wait3A_672] : memref<2x128x129xf32, #tpu.memory_space<vmem>> -> memref<1x64x128xf32, #tpu.memory_space<vmem>>
      %dma_wait3A_674 = tpu.memref_squeeze %dma_wait3A_673 : memref<1x64x128xf32, #tpu.memory_space<vmem>> -> memref<64x128xf32, #tpu.memory_space<vmem>>
      tpu.wait_dma2 semaphore(%arg11 : memref<!tpu.dma_semaphore, #tpu.memory_space<semaphore_mem>>) src(%dma_wait3A_674 : memref<64x128xf32, #tpu.memory_space<vmem>>) dst(%dma_wait3A_670 : memref<64x128xf32, #tpu.memory_space<hbm>>)
      %dma_wait3A_675 = arith.constant 1 : i32
      %dma_wait3A_676 = arith.constant 1 : i32
      %dma_wait3A_677 = arith.constant 64 : i32
      %dma_wait3A_678 = arith.constant 0 : i32
      %dma_wait3A_679 = tpu.memref_slice %arg7[%dma_wait3A_675, %dma_wait3A_677, %dma_wait3A_678] : memref<2x128x129xf32, #tpu.memory_space<vmem>> -> memref<1x64x128xf32, #tpu.memory_space<vmem>>
      %dma_wait3A_680 = tpu.memref_squeeze %dma_wait3A_679 : memref<1x64x128xf32, #tpu.memory_space<vmem>> -> memref<64x128xf32, #tpu.memory_space<vmem>>
      %dma_wait3A_681 = arith.constant 0 : i32
      %dma_wait3A_682 = tpu.memref_slice %arg4[%dma_wait3A_676, %mul3A_610, %dma_wait3A_681] : memref<2x51200x128xf32, #tpu.memory_space<hbm>> -> memref<1x64x128xf32, #tpu.memory_space<hbm>>
      %dma_wait3A_683 = tpu.memref_squeeze %dma_wait3A_682 : memref<1x64x128xf32, #tpu.memory_space<hbm>> -> memref<64x128xf32, #tpu.memory_space<hbm>>
      %dma_wait3A_684 = arith.constant 0 : i32
      %dma_wait3A_685 = tpu.memref_slice %arg4[%dma_wait3A_676, %mul3A_610, %dma_wait3A_684] : memref<2x51200x128xf32, #tpu.memory_space<hbm>> -> memref<1x64x128xf32, #tpu.memory_space<hbm>>
      %dma_wait3A_686 = tpu.memref_squeeze %dma_wait3A_685 : memref<1x64x128xf32, #tpu.memory_space<hbm>> -> memref<64x128xf32, #tpu.memory_space<hbm>>
      %dma_wait3A_687 = arith.constant 64 : i32
      %dma_wait3A_688 = arith.constant 0 : i32
      %dma_wait3A_689 = tpu.memref_slice %arg7[%dma_wait3A_675, %dma_wait3A_687, %dma_wait3A_688] : memref<2x128x129xf32, #tpu.memory_space<vmem>> -> memref<1x64x128xf32, #tpu.memory_space<vmem>>
      %dma_wait3A_690 = tpu.memref_squeeze %dma_wait3A_689 : memref<1x64x128xf32, #tpu.memory_space<vmem>> -> memref<64x128xf32, #tpu.memory_space<vmem>>
      tpu.wait_dma2 semaphore(%arg11 : memref<!tpu.dma_semaphore, #tpu.memory_space<semaphore_mem>>) src(%dma_wait3A_690 : memref<64x128xf32, #tpu.memory_space<vmem>>) dst(%dma_wait3A_686 : memref<64x128xf32, #tpu.memory_space<hbm>>)
      %scan3A_691 = arith.constant 0 : i32
      scf.yield %scan3A_691 : i32
    }
    %scan3A_55 = arith.constant 12 : i32
    %add3A_56 = arith.constant 24576 : i32
    %add3A_57 = arith.addi %mul3A_2, %add3A_56 : i32
    %run_scoped3A = arith.constant 0 : i32
    "tpu.region"() ({
      %run_scoped3A_261 = tpu.sem_alloc : memref<!tpu.dma_semaphore, #tpu.memory_space<semaphore_mem>>
      %dma_start3A_262 = arith.constant 0 : i32
      %dma_start3A_263 = tpu.memref_slice %arg5[%run_scoped3A, %dma_start3A_262] : memref<2x1024xi32, #tpu.memory_space<vmem>> -> memref<1x1024xi32, #tpu.memory_space<vmem>>
      %dma_start3A_264 = tpu.memref_squeeze %dma_start3A_263 : memref<1x1024xi32, #tpu.memory_space<vmem>> -> memref<1024xi32, #tpu.memory_space<vmem>>
      %dma_start3A_265 = tpu.memref_slice %arg2[%add3A_57] : memref<819200xi32, #tpu.memory_space<hbm>> -> memref<1024xi32, #tpu.memory_space<hbm>>
      %dma_start3A_266 = arith.constant 0 : i32
      %dma_start3A_267 = tpu.memref_slice %arg5[%run_scoped3A, %dma_start3A_266] : memref<2x1024xi32, #tpu.memory_space<vmem>> -> memref<1x1024xi32, #tpu.memory_space<vmem>>
      %dma_start3A_268 = tpu.memref_squeeze %dma_start3A_267 : memref<1x1024xi32, #tpu.memory_space<vmem>> -> memref<1024xi32, #tpu.memory_space<vmem>>
      %dma_start3A_269 = tpu.memref_slice %arg2[%add3A_57] : memref<819200xi32, #tpu.memory_space<hbm>> -> memref<1024xi32, #tpu.memory_space<hbm>>
      tpu.enqueue_dma source(%dma_start3A_269 : memref<1024xi32, #tpu.memory_space<hbm>>) target(%dma_start3A_268 : memref<1024xi32, #tpu.memory_space<vmem>>) target_semaphore(%run_scoped3A_261 : memref<!tpu.dma_semaphore, #tpu.memory_space<semaphore_mem>>)
      %dma_wait3A_270 = arith.constant 0 : i32
      %dma_wait3A_271 = tpu.memref_slice %arg5[%run_scoped3A, %dma_wait3A_270] : memref<2x1024xi32, #tpu.memory_space<vmem>> -> memref<1x1024xi32, #tpu.memory_space<vmem>>
      %dma_wait3A_272 = tpu.memref_squeeze %dma_wait3A_271 : memref<1x1024xi32, #tpu.memory_space<vmem>> -> memref<1024xi32, #tpu.memory_space<vmem>>
      %dma_wait3A_273 = tpu.memref_slice %arg2[%add3A_57] : memref<819200xi32, #tpu.memory_space<hbm>> -> memref<1024xi32, #tpu.memory_space<hbm>>
      %dma_wait3A_274 = arith.constant 0 : i32
      %dma_wait3A_275 = tpu.memref_slice %arg5[%run_scoped3A, %dma_wait3A_274] : memref<2x1024xi32, #tpu.memory_space<vmem>> -> memref<1x1024xi32, #tpu.memory_space<vmem>>
      %dma_wait3A_276 = tpu.memref_squeeze %dma_wait3A_275 : memref<1x1024xi32, #tpu.memory_space<vmem>> -> memref<1024xi32, #tpu.memory_space<vmem>>
      %dma_wait3A_277 = tpu.memref_slice %arg2[%add3A_57] : memref<819200xi32, #tpu.memory_space<hbm>> -> memref<1024xi32, #tpu.memory_space<hbm>>
      tpu.wait_dma2 semaphore(%run_scoped3A_261 : memref<!tpu.dma_semaphore, #tpu.memory_space<semaphore_mem>>) src(%dma_wait3A_277 : memref<1024xi32, #tpu.memory_space<hbm>>) dst(%dma_wait3A_276 : memref<1024xi32, #tpu.memory_space<vmem>>)
      tpu.yield
    }) : () -> ()
    %dma_start3A = arith.constant 0 : i32
    %dma_start3A_58 = arith.constant 0 : i32
    %dma_start3A_59 = arith.constant 0 : i32
    %dma_start3A_60 = arith.constant 0 : i32
    %dma_start3A_61 = tpu.memref_slice %arg6[%dma_start3A_58, %dma_start3A_59, %dma_start3A_60] : memref<2x1024x16xf32, #tpu.memory_space<vmem>> -> memref<1x1024x16xf32, #tpu.memory_space<vmem>>
    %dma_start3A_62 = tpu.memref_squeeze %dma_start3A_61 : memref<1x1024x16xf32, #tpu.memory_space<vmem>> -> memref<1024x16xf32, #tpu.memory_space<vmem>>
    %dma_start3A_63 = arith.constant 0 : i32
    %dma_start3A_64 = tpu.memref_slice %arg5[%dma_start3A, %dma_start3A_63] : memref<2x1024xi32, #tpu.memory_space<vmem>> -> memref<1x1024xi32, #tpu.memory_space<vmem>>
    %dma_start3A_65 = tpu.memref_squeeze %dma_start3A_64 : memref<1x1024xi32, #tpu.memory_space<vmem>> -> memref<1024xi32, #tpu.memory_space<vmem>>
    %dma_start3A_66 = arith.constant 0 : i32
    %dma_start3A_67 = arith.constant 0 : i32
    %dma_start3A_68 = tpu.memref_slice %arg3[%dma_start3A_66, %dma_start3A_67] : memref<1048576x16xf32, #tpu.memory_space<hbm>> -> memref<1048576x16xf32, #tpu.memory_space<hbm>>
    tpu.enqueue_indirect_dma source(%dma_start3A_68 : memref<1048576x16xf32, #tpu.memory_space<hbm>>) target(%dma_start3A_62 : memref<1024x16xf32, #tpu.memory_space<vmem>>) offsets(%dma_start3A_65 : memref<1024xi32, #tpu.memory_space<vmem>>) semaphore(%arg8 : memref<!tpu.dma_semaphore, #tpu.memory_space<semaphore_mem>>)
    %dma_wait3A = arith.constant 0 : i32
    %dma_wait3A_69 = arith.constant 0 : i32
    %dma_wait3A_70 = arith.constant 0 : i32
    %dma_wait3A_71 = arith.constant 0 : i32
    %dma_wait3A_72 = tpu.memref_slice %arg6[%dma_wait3A_69, %dma_wait3A_70, %dma_wait3A_71] : memref<2x1024x16xf32, #tpu.memory_space<vmem>> -> memref<1x1024x16xf32, #tpu.memory_space<vmem>>
    %dma_wait3A_73 = tpu.memref_squeeze %dma_wait3A_72 : memref<1x1024x16xf32, #tpu.memory_space<vmem>> -> memref<1024x16xf32, #tpu.memory_space<vmem>>
    %dma_wait3A_74 = arith.constant 0 : i32
    %dma_wait3A_75 = tpu.memref_slice %arg5[%dma_wait3A, %dma_wait3A_74] : memref<2x1024xi32, #tpu.memory_space<vmem>> -> memref<1x1024xi32, #tpu.memory_space<vmem>>
    %dma_wait3A_76 = tpu.memref_squeeze %dma_wait3A_75 : memref<1x1024xi32, #tpu.memory_space<vmem>> -> memref<1024xi32, #tpu.memory_space<vmem>>
    %dma_wait3A_77 = arith.constant 0 : i32
    %dma_wait3A_78 = arith.constant 0 : i32
    %dma_wait3A_79 = tpu.memref_slice %arg3[%dma_wait3A_77, %dma_wait3A_78] : memref<1048576x16xf32, #tpu.memory_space<hbm>> -> memref<1048576x16xf32, #tpu.memory_space<hbm>>
    tpu.wait_indirect_dma semaphore(%arg8 : memref<!tpu.dma_semaphore, #tpu.memory_space<semaphore_mem>>) src(%dma_wait3A_79 : memref<1048576x16xf32, #tpu.memory_space<hbm>>) dst(%dma_wait3A_73 : memref<1024x16xf32, #tpu.memory_space<vmem>>)
    %add3A_80 = arith.constant 0 : i32
    %add3A_81 = vector.broadcast %add3A_80 : i32 to vector<16xi32>
    %add3A_82 = arith.addi %add3A_49, %add3A_81 : vector<16xi32>
    %broadcast_in_dim3A = arith.constant 0 : i32
    %broadcast_in_dim3A_83 = vector.broadcast %broadcast_in_dim3A : i32 to vector<16xi32>
    %scan3A_84 = arith.constant 0 : i32
    %scan3A_85 = arith.constant 32 : i32
    %scan3A_86 = arith.addi %scan3A_84, %scan3A_85 : i32
    %scan3A_87 = arith.constant 1 : i32
    %scan3A_88 = scf.for %scan3A_261 = %scan3A_84 to %scan3A_86 step %scan3A_87 iter_args(%scan3A_262 = %broadcast_in_dim3A_83) -> (vector<16xi32>)  : i32 {
      %mul3A_263 = arith.constant 4 : i32
      %mul3A_264 = arith.muli %scan3A_261, %mul3A_263 : i32
      %add3A_265 = arith.constant 0 : i32
      %add3A_266 = arith.addi %add3A_265, %mul3A_264 : i32
      %add3A_267 = arith.constant 0 : i32
      %add3A_268 = arith.addi %add3A_266, %add3A_267 : i32
      %get3A = arith.constant 0 : i32
      %get3A_269 = arith.index_cast %get3A : i32 to index
      %get3A_270 = arith.index_cast %add3A_268 : i32 to index
      %get3A_271 = arith.constant 0 : index
      %get3A_272 = tpu.vector_load %arg6[%get3A_269, %get3A_270, %get3A_271] {strides = array<i32>} : memref<2x1024x16xf32, #tpu.memory_space<vmem>>, vector<16xf32>,
      %add3A_273 = arith.constant 0 : i32
      %add3A_274 = vector.broadcast %add3A_273 : i32 to vector<16xi32>
      %add3A_275 = arith.addi %scan3A_262, %add3A_274 : vector<16xi32>
      %scatter3A = arith.constant 0 : i32
      %scatter3A_276 = arith.constant 0 : i32
      %scatter3A_277 = arith.constant 0 : i32
      %scatter3A_278 = tpu.memref_slice %arg7[%scatter3A, %scatter3A_276, %scatter3A_277] : memref<2x128x129xf32, #tpu.memory_space<vmem>> -> memref<1x128x129xf32, #tpu.memory_space<vmem>>
      %scatter3A_279 = tpu.memref_squeeze %scatter3A_278 : memref<1x128x129xf32, #tpu.memory_space<vmem>> -> memref<128x129xf32, #tpu.memory_space<vmem>>
      tpu.vector_store_idx %scatter3A_279[%add3A_82, %add3A_275], %get3A_272 : memref<128x129xf32, #tpu.memory_space<vmem>>[vector<16xi32>, vector<16xi32>], vector<16xf32>,
      %mul3A_280 = arith.constant 4 : i32
      %mul3A_281 = arith.muli %scan3A_261, %mul3A_280 : i32
      %add3A_282 = arith.constant 0 : i32
      %add3A_283 = arith.addi %add3A_282, %mul3A_281 : i32
      %add3A_284 = arith.constant 1 : i32
      %add3A_285 = arith.addi %add3A_283, %add3A_284 : i32
      %get3A_286 = arith.constant 0 : i32
      %get3A_287 = arith.index_cast %get3A_286 : i32 to index
      %get3A_288 = arith.index_cast %add3A_285 : i32 to index
      %get3A_289 = arith.constant 0 : index
      %get3A_290 = tpu.vector_load %arg6[%get3A_287, %get3A_288, %get3A_289] {strides = array<i32>} : memref<2x1024x16xf32, #tpu.memory_space<vmem>>, vector<16xf32>,
      %add3A_291 = arith.constant 1 : i32
      %add3A_292 = vector.broadcast %add3A_291 : i32 to vector<16xi32>
      %add3A_293 = arith.addi %scan3A_262, %add3A_292 : vector<16xi32>
      %scatter3A_294 = arith.constant 0 : i32
      %scatter3A_295 = arith.constant 0 : i32
      %scatter3A_296 = arith.constant 0 : i32
      %scatter3A_297 = tpu.memref_slice %arg7[%scatter3A_294, %scatter3A_295, %scatter3A_296] : memref<2x128x129xf32, #tpu.memory_space<vmem>> -> memref<1x128x129xf32, #tpu.memory_space<vmem>>
      %scatter3A_298 = tpu.memref_squeeze %scatter3A_297 : memref<1x128x129xf32, #tpu.memory_space<vmem>> -> memref<128x129xf32, #tpu.memory_space<vmem>>
      tpu.vector_store_idx %scatter3A_298[%add3A_82, %add3A_293], %get3A_290 : memref<128x129xf32, #tpu.memory_space<vmem>>[vector<16xi32>, vector<16xi32>], vector<16xf32>,
      %mul3A_299 = arith.constant 4 : i32
      %mul3A_300 = arith.muli %scan3A_261, %mul3A_299 : i32
      %add3A_301 = arith.constant 0 : i32
      %add3A_302 = arith.addi %add3A_301, %mul3A_300 : i32
      %add3A_303 = arith.constant 2 : i32
      %add3A_304 = arith.addi %add3A_302, %add3A_303 : i32
      %get3A_305 = arith.constant 0 : i32
      %get3A_306 = arith.index_cast %get3A_305 : i32 to index
      %get3A_307 = arith.index_cast %add3A_304 : i32 to index
      %get3A_308 = arith.constant 0 : index
      %get3A_309 = tpu.vector_load %arg6[%get3A_306, %get3A_307, %get3A_308] {strides = array<i32>} : memref<2x1024x16xf32, #tpu.memory_space<vmem>>, vector<16xf32>,
      %add3A_310 = arith.constant 2 : i32
      %add3A_311 = vector.broadcast %add3A_310 : i32 to vector<16xi32>
      %add3A_312 = arith.addi %scan3A_262, %add3A_311 : vector<16xi32>
      %scatter3A_313 = arith.constant 0 : i32
      %scatter3A_314 = arith.constant 0 : i32
      %scatter3A_315 = arith.constant 0 : i32
      %scatter3A_316 = tpu.memref_slice %arg7[%scatter3A_313, %scatter3A_314, %scatter3A_315] : memref<2x128x129xf32, #tpu.memory_space<vmem>> -> memref<1x128x129xf32, #tpu.memory_space<vmem>>
      %scatter3A_317 = tpu.memref_squeeze %scatter3A_316 : memref<1x128x129xf32, #tpu.memory_space<vmem>> -> memref<128x129xf32, #tpu.memory_space<vmem>>
      tpu.vector_store_idx %scatter3A_317[%add3A_82, %add3A_312], %get3A_309 : memref<128x129xf32, #tpu.memory_space<vmem>>[vector<16xi32>, vector<16xi32>], vector<16xf32>,
      %mul3A_318 = arith.constant 4 : i32
      %mul3A_319 = arith.muli %scan3A_261, %mul3A_318 : i32
      %add3A_320 = arith.constant 0 : i32
      %add3A_321 = arith.addi %add3A_320, %mul3A_319 : i32
      %add3A_322 = arith.constant 3 : i32
      %add3A_323 = arith.addi %add3A_321, %add3A_322 : i32
      %get3A_324 = arith.constant 0 : i32
      %get3A_325 = arith.index_cast %get3A_324 : i32 to index
      %get3A_326 = arith.index_cast %add3A_323 : i32 to index
      %get3A_327 = arith.constant 0 : index
      %get3A_328 = tpu.vector_load %arg6[%get3A_325, %get3A_326, %get3A_327] {strides = array<i32>} : memref<2x1024x16xf32, #tpu.memory_space<vmem>>, vector<16xf32>,
      %add3A_329 = arith.constant 3 : i32
      %add3A_330 = vector.broadcast %add3A_329 : i32 to vector<16xi32>
      %add3A_331 = arith.addi %scan3A_262, %add3A_330 : vector<16xi32>
      %scatter3A_332 = arith.constant 0 : i32
      %scatter3A_333 = arith.constant 0 : i32
      %scatter3A_334 = arith.constant 0 : i32
      %scatter3A_335 = tpu.memref_slice %arg7[%scatter3A_332, %scatter3A_333, %scatter3A_334] : memref<2x128x129xf32, #tpu.memory_space<vmem>> -> memref<1x128x129xf32, #tpu.memory_space<vmem>>
      %scatter3A_336 = tpu.memref_squeeze %scatter3A_335 : memref<1x128x129xf32, #tpu.memory_space<vmem>> -> memref<128x129xf32, #tpu.memory_space<vmem>>
      tpu.vector_store_idx %scatter3A_336[%add3A_82, %add3A_331], %get3A_328 : memref<128x129xf32, #tpu.memory_space<vmem>>[vector<16xi32>, vector<16xi32>], vector<16xf32>,
      %add3A_337 = arith.constant 4 : i32
      %add3A_338 = vector.broadcast %add3A_337 : i32 to vector<16xi32>
      %add3A_339 = arith.addi %scan3A_262, %add3A_338 : vector<16xi32>
      scf.yield %add3A_339 : vector<16xi32>
    }
    %scan3A_89 = arith.constant 32 : i32
    %add3A_90 = arith.constant 8 : i32
    %add3A_91 = vector.broadcast %add3A_90 : i32 to vector<16xi32>
    %add3A_92 = arith.addi %add3A_49, %add3A_91 : vector<16xi32>
    %broadcast_in_dim3A_93 = arith.constant 0 : i32
    %broadcast_in_dim3A_94 = vector.broadcast %broadcast_in_dim3A_93 : i32 to vector<16xi32>
    %scan3A_95 = arith.constant 0 : i32
    %scan3A_96 = arith.constant 32 : i32
    %scan3A_97 = arith.addi %scan3A_95, %scan3A_96 : i32
    %scan3A_98 = arith.constant 1 : i32
    %scan3A_99 = scf.for %scan3A_261 = %scan3A_95 to %scan3A_97 step %scan3A_98 iter_args(%scan3A_262 = %broadcast_in_dim3A_94) -> (vector<16xi32>)  : i32 {
      %mul3A_263 = arith.constant 4 : i32
      %mul3A_264 = arith.muli %scan3A_261, %mul3A_263 : i32
      %add3A_265 = arith.constant 128 : i32
      %add3A_266 = arith.addi %add3A_265, %mul3A_264 : i32
      %add3A_267 = arith.constant 0 : i32
      %add3A_268 = arith.addi %add3A_266, %add3A_267 : i32
      %get3A = arith.constant 0 : i32
      %get3A_269 = arith.index_cast %get3A : i32 to index
      %get3A_270 = arith.index_cast %add3A_268 : i32 to index
      %get3A_271 = arith.constant 0 : index
      %get3A_272 = tpu.vector_load %arg6[%get3A_269, %get3A_270, %get3A_271] {strides = array<i32>} : memref<2x1024x16xf32, #tpu.memory_space<vmem>>, vector<16xf32>,
      %add3A_273 = arith.constant 0 : i32
      %add3A_274 = vector.broadcast %add3A_273 : i32 to vector<16xi32>
      %add3A_275 = arith.addi %scan3A_262, %add3A_274 : vector<16xi32>
      %scatter3A = arith.constant 0 : i32
      %scatter3A_276 = arith.constant 0 : i32
      %scatter3A_277 = arith.constant 0 : i32
      %scatter3A_278 = tpu.memref_slice %arg7[%scatter3A, %scatter3A_276, %scatter3A_277] : memref<2x128x129xf32, #tpu.memory_space<vmem>> -> memref<1x128x129xf32, #tpu.memory_space<vmem>>
      %scatter3A_279 = tpu.memref_squeeze %scatter3A_278 : memref<1x128x129xf32, #tpu.memory_space<vmem>> -> memref<128x129xf32, #tpu.memory_space<vmem>>
      tpu.vector_store_idx %scatter3A_279[%add3A_92, %add3A_275], %get3A_272 : memref<128x129xf32, #tpu.memory_space<vmem>>[vector<16xi32>, vector<16xi32>], vector<16xf32>,
      %mul3A_280 = arith.constant 4 : i32
      %mul3A_281 = arith.muli %scan3A_261, %mul3A_280 : i32
      %add3A_282 = arith.constant 128 : i32
      %add3A_283 = arith.addi %add3A_282, %mul3A_281 : i32
      %add3A_284 = arith.constant 1 : i32
      %add3A_285 = arith.addi %add3A_283, %add3A_284 : i32
      %get3A_286 = arith.constant 0 : i32
      %get3A_287 = arith.index_cast %get3A_286 : i32 to index
      %get3A_288 = arith.index_cast %add3A_285 : i32 to index
      %get3A_289 = arith.constant 0 : index
      %get3A_290 = tpu.vector_load %arg6[%get3A_287, %get3A_288, %get3A_289] {strides = array<i32>} : memref<2x1024x16xf32, #tpu.memory_space<vmem>>, vector<16xf32>,
      %add3A_291 = arith.constant 1 : i32
      %add3A_292 = vector.broadcast %add3A_291 : i32 to vector<16xi32>
      %add3A_293 = arith.addi %scan3A_262, %add3A_292 : vector<16xi32>
      %scatter3A_294 = arith.constant 0 : i32
      %scatter3A_295 = arith.constant 0 : i32
      %scatter3A_296 = arith.constant 0 : i32
      %scatter3A_297 = tpu.memref_slice %arg7[%scatter3A_294, %scatter3A_295, %scatter3A_296] : memref<2x128x129xf32, #tpu.memory_space<vmem>> -> memref<1x128x129xf32, #tpu.memory_space<vmem>>
      %scatter3A_298 = tpu.memref_squeeze %scatter3A_297 : memref<1x128x129xf32, #tpu.memory_space<vmem>> -> memref<128x129xf32, #tpu.memory_space<vmem>>
      tpu.vector_store_idx %scatter3A_298[%add3A_92, %add3A_293], %get3A_290 : memref<128x129xf32, #tpu.memory_space<vmem>>[vector<16xi32>, vector<16xi32>], vector<16xf32>,
      %mul3A_299 = arith.constant 4 : i32
      %mul3A_300 = arith.muli %scan3A_261, %mul3A_299 : i32
      %add3A_301 = arith.constant 128 : i32
      %add3A_302 = arith.addi %add3A_301, %mul3A_300 : i32
      %add3A_303 = arith.constant 2 : i32
      %add3A_304 = arith.addi %add3A_302, %add3A_303 : i32
      %get3A_305 = arith.constant 0 : i32
      %get3A_306 = arith.index_cast %get3A_305 : i32 to index
      %get3A_307 = arith.index_cast %add3A_304 : i32 to index
      %get3A_308 = arith.constant 0 : index
      %get3A_309 = tpu.vector_load %arg6[%get3A_306, %get3A_307, %get3A_308] {strides = array<i32>} : memref<2x1024x16xf32, #tpu.memory_space<vmem>>, vector<16xf32>,
      %add3A_310 = arith.constant 2 : i32
      %add3A_311 = vector.broadcast %add3A_310 : i32 to vector<16xi32>
      %add3A_312 = arith.addi %scan3A_262, %add3A_311 : vector<16xi32>
      %scatter3A_313 = arith.constant 0 : i32
      %scatter3A_314 = arith.constant 0 : i32
      %scatter3A_315 = arith.constant 0 : i32
      %scatter3A_316 = tpu.memref_slice %arg7[%scatter3A_313, %scatter3A_314, %scatter3A_315] : memref<2x128x129xf32, #tpu.memory_space<vmem>> -> memref<1x128x129xf32, #tpu.memory_space<vmem>>
      %scatter3A_317 = tpu.memref_squeeze %scatter3A_316 : memref<1x128x129xf32, #tpu.memory_space<vmem>> -> memref<128x129xf32, #tpu.memory_space<vmem>>
      tpu.vector_store_idx %scatter3A_317[%add3A_92, %add3A_312], %get3A_309 : memref<128x129xf32, #tpu.memory_space<vmem>>[vector<16xi32>, vector<16xi32>], vector<16xf32>,
      %mul3A_318 = arith.constant 4 : i32
      %mul3A_319 = arith.muli %scan3A_261, %mul3A_318 : i32
      %add3A_320 = arith.constant 128 : i32
      %add3A_321 = arith.addi %add3A_320, %mul3A_319 : i32
      %add3A_322 = arith.constant 3 : i32
      %add3A_323 = arith.addi %add3A_321, %add3A_322 : i32
      %get3A_324 = arith.constant 0 : i32
      %get3A_325 = arith.index_cast %get3A_324 : i32 to index
      %get3A_326 = arith.index_cast %add3A_323 : i32 to index
      %get3A_327 = arith.constant 0 : index
      %get3A_328 = tpu.vector_load %arg6[%get3A_325, %get3A_326, %get3A_327] {strides = array<i32>} : memref<2x1024x16xf32, #tpu.memory_space<vmem>>, vector<16xf32>,
      %add3A_329 = arith.constant 3 : i32
      %add3A_330 = vector.broadcast %add3A_329 : i32 to vector<16xi32>
      %add3A_331 = arith.addi %scan3A_262, %add3A_330 : vector<16xi32>
      %scatter3A_332 = arith.constant 0 : i32
      %scatter3A_333 = arith.constant 0 : i32
      %scatter3A_334 = arith.constant 0 : i32
      %scatter3A_335 = tpu.memref_slice %arg7[%scatter3A_332, %scatter3A_333, %scatter3A_334] : memref<2x128x129xf32, #tpu.memory_space<vmem>> -> memref<1x128x129xf32, #tpu.memory_space<vmem>>
      %scatter3A_336 = tpu.memref_squeeze %scatter3A_335 : memref<1x128x129xf32, #tpu.memory_space<vmem>> -> memref<128x129xf32, #tpu.memory_space<vmem>>
      tpu.vector_store_idx %scatter3A_336[%add3A_92, %add3A_331], %get3A_328 : memref<128x129xf32, #tpu.memory_space<vmem>>[vector<16xi32>, vector<16xi32>], vector<16xf32>,
      %add3A_337 = arith.constant 4 : i32
      %add3A_338 = vector.broadcast %add3A_337 : i32 to vector<16xi32>
      %add3A_339 = arith.addi %scan3A_262, %add3A_338 : vector<16xi32>
      scf.yield %add3A_339 : vector<16xi32>
    }
    %scan3A_100 = arith.constant 32 : i32
    %add3A_101 = arith.constant 16 : i32
    %add3A_102 = vector.broadcast %add3A_101 : i32 to vector<16xi32>
    %add3A_103 = arith.addi %add3A_49, %add3A_102 : vector<16xi32>
    %broadcast_in_dim3A_104 = arith.constant 0 : i32
    %broadcast_in_dim3A_105 = vector.broadcast %broadcast_in_dim3A_104 : i32 to vector<16xi32>
    %scan3A_106 = arith.constant 0 : i32
    %scan3A_107 = arith.constant 32 : i32
    %scan3A_108 = arith.addi %scan3A_106, %scan3A_107 : i32
    %scan3A_109 = arith.constant 1 : i32
    %scan3A_110 = scf.for %scan3A_261 = %scan3A_106 to %scan3A_108 step %scan3A_109 iter_args(%scan3A_262 = %broadcast_in_dim3A_105) -> (vector<16xi32>)  : i32 {
      %mul3A_263 = arith.constant 4 : i32
      %mul3A_264 = arith.muli %scan3A_261, %mul3A_263 : i32
      %add3A_265 = arith.constant 256 : i32
      %add3A_266 = arith.addi %add3A_265, %mul3A_264 : i32
      %add3A_267 = arith.constant 0 : i32
      %add3A_268 = arith.addi %add3A_266, %add3A_267 : i32
      %get3A = arith.constant 0 : i32
      %get3A_269 = arith.index_cast %get3A : i32 to index
      %get3A_270 = arith.index_cast %add3A_268 : i32 to index
      %get3A_271 = arith.constant 0 : index
      %get3A_272 = tpu.vector_load %arg6[%get3A_269, %get3A_270, %get3A_271] {strides = array<i32>} : memref<2x1024x16xf32, #tpu.memory_space<vmem>>, vector<16xf32>,
      %add3A_273 = arith.constant 0 : i32
      %add3A_274 = vector.broadcast %add3A_273 : i32 to vector<16xi32>
      %add3A_275 = arith.addi %scan3A_262, %add3A_274 : vector<16xi32>
      %scatter3A = arith.constant 0 : i32
      %scatter3A_276 = arith.constant 0 : i32
      %scatter3A_277 = arith.constant 0 : i32
      %scatter3A_278 = tpu.memref_slice %arg7[%scatter3A, %scatter3A_276, %scatter3A_277] : memref<2x128x129xf32, #tpu.memory_space<vmem>> -> memref<1x128x129xf32, #tpu.memory_space<vmem>>
      %scatter3A_279 = tpu.memref_squeeze %scatter3A_278 : memref<1x128x129xf32, #tpu.memory_space<vmem>> -> memref<128x129xf32, #tpu.memory_space<vmem>>
      tpu.vector_store_idx %scatter3A_279[%add3A_103, %add3A_275], %get3A_272 : memref<128x129xf32, #tpu.memory_space<vmem>>[vector<16xi32>, vector<16xi32>], vector<16xf32>,
      %mul3A_280 = arith.constant 4 : i32
      %mul3A_281 = arith.muli %scan3A_261, %mul3A_280 : i32
      %add3A_282 = arith.constant 256 : i32
      %add3A_283 = arith.addi %add3A_282, %mul3A_281 : i32
      %add3A_284 = arith.constant 1 : i32
      %add3A_285 = arith.addi %add3A_283, %add3A_284 : i32
      %get3A_286 = arith.constant 0 : i32
      %get3A_287 = arith.index_cast %get3A_286 : i32 to index
      %get3A_288 = arith.index_cast %add3A_285 : i32 to index
      %get3A_289 = arith.constant 0 : index
      %get3A_290 = tpu.vector_load %arg6[%get3A_287, %get3A_288, %get3A_289] {strides = array<i32>} : memref<2x1024x16xf32, #tpu.memory_space<vmem>>, vector<16xf32>,
      %add3A_291 = arith.constant 1 : i32
      %add3A_292 = vector.broadcast %add3A_291 : i32 to vector<16xi32>
      %add3A_293 = arith.addi %scan3A_262, %add3A_292 : vector<16xi32>
      %scatter3A_294 = arith.constant 0 : i32
      %scatter3A_295 = arith.constant 0 : i32
      %scatter3A_296 = arith.constant 0 : i32
      %scatter3A_297 = tpu.memref_slice %arg7[%scatter3A_294, %scatter3A_295, %scatter3A_296] : memref<2x128x129xf32, #tpu.memory_space<vmem>> -> memref<1x128x129xf32, #tpu.memory_space<vmem>>
      %scatter3A_298 = tpu.memref_squeeze %scatter3A_297 : memref<1x128x129xf32, #tpu.memory_space<vmem>> -> memref<128x129xf32, #tpu.memory_space<vmem>>
      tpu.vector_store_idx %scatter3A_298[%add3A_103, %add3A_293], %get3A_290 : memref<128x129xf32, #tpu.memory_space<vmem>>[vector<16xi32>, vector<16xi32>], vector<16xf32>,
      %mul3A_299 = arith.constant 4 : i32
      %mul3A_300 = arith.muli %scan3A_261, %mul3A_299 : i32
      %add3A_301 = arith.constant 256 : i32
      %add3A_302 = arith.addi %add3A_301, %mul3A_300 : i32
      %add3A_303 = arith.constant 2 : i32
      %add3A_304 = arith.addi %add3A_302, %add3A_303 : i32
      %get3A_305 = arith.constant 0 : i32
      %get3A_306 = arith.index_cast %get3A_305 : i32 to index
      %get3A_307 = arith.index_cast %add3A_304 : i32 to index
      %get3A_308 = arith.constant 0 : index
      %get3A_309 = tpu.vector_load %arg6[%get3A_306, %get3A_307, %get3A_308] {strides = array<i32>} : memref<2x1024x16xf32, #tpu.memory_space<vmem>>, vector<16xf32>,
      %add3A_310 = arith.constant 2 : i32
      %add3A_311 = vector.broadcast %add3A_310 : i32 to vector<16xi32>
      %add3A_312 = arith.addi %scan3A_262, %add3A_311 : vector<16xi32>
      %scatter3A_313 = arith.constant 0 : i32
      %scatter3A_314 = arith.constant 0 : i32
      %scatter3A_315 = arith.constant 0 : i32
      %scatter3A_316 = tpu.memref_slice %arg7[%scatter3A_313, %scatter3A_314, %scatter3A_315] : memref<2x128x129xf32, #tpu.memory_space<vmem>> -> memref<1x128x129xf32, #tpu.memory_space<vmem>>
      %scatter3A_317 = tpu.memref_squeeze %scatter3A_316 : memref<1x128x129xf32, #tpu.memory_space<vmem>> -> memref<128x129xf32, #tpu.memory_space<vmem>>
      tpu.vector_store_idx %scatter3A_317[%add3A_103, %add3A_312], %get3A_309 : memref<128x129xf32, #tpu.memory_space<vmem>>[vector<16xi32>, vector<16xi32>], vector<16xf32>,
      %mul3A_318 = arith.constant 4 : i32
      %mul3A_319 = arith.muli %scan3A_261, %mul3A_318 : i32
      %add3A_320 = arith.constant 256 : i32
      %add3A_321 = arith.addi %add3A_320, %mul3A_319 : i32
      %add3A_322 = arith.constant 3 : i32
      %add3A_323 = arith.addi %add3A_321, %add3A_322 : i32
      %get3A_324 = arith.constant 0 : i32
      %get3A_325 = arith.index_cast %get3A_324 : i32 to index
      %get3A_326 = arith.index_cast %add3A_323 : i32 to index
      %get3A_327 = arith.constant 0 : index
      %get3A_328 = tpu.vector_load %arg6[%get3A_325, %get3A_326, %get3A_327] {strides = array<i32>} : memref<2x1024x16xf32, #tpu.memory_space<vmem>>, vector<16xf32>,
      %add3A_329 = arith.constant 3 : i32
      %add3A_330 = vector.broadcast %add3A_329 : i32 to vector<16xi32>
      %add3A_331 = arith.addi %scan3A_262, %add3A_330 : vector<16xi32>
      %scatter3A_332 = arith.constant 0 : i32
      %scatter3A_333 = arith.constant 0 : i32
      %scatter3A_334 = arith.constant 0 : i32
      %scatter3A_335 = tpu.memref_slice %arg7[%scatter3A_332, %scatter3A_333, %scatter3A_334] : memref<2x128x129xf32, #tpu.memory_space<vmem>> -> memref<1x128x129xf32, #tpu.memory_space<vmem>>
      %scatter3A_336 = tpu.memref_squeeze %scatter3A_335 : memref<1x128x129xf32, #tpu.memory_space<vmem>> -> memref<128x129xf32, #tpu.memory_space<vmem>>
      tpu.vector_store_idx %scatter3A_336[%add3A_103, %add3A_331], %get3A_328 : memref<128x129xf32, #tpu.memory_space<vmem>>[vector<16xi32>, vector<16xi32>], vector<16xf32>,
      %add3A_337 = arith.constant 4 : i32
      %add3A_338 = vector.broadcast %add3A_337 : i32 to vector<16xi32>
      %add3A_339 = arith.addi %scan3A_262, %add3A_338 : vector<16xi32>
      scf.yield %add3A_339 : vector<16xi32>
    }
    %scan3A_111 = arith.constant 32 : i32
    %add3A_112 = arith.constant 24 : i32
    %add3A_113 = vector.broadcast %add3A_112 : i32 to vector<16xi32>
    %add3A_114 = arith.addi %add3A_49, %add3A_113 : vector<16xi32>
    %broadcast_in_dim3A_115 = arith.constant 0 : i32
    %broadcast_in_dim3A_116 = vector.broadcast %broadcast_in_dim3A_115 : i32 to vector<16xi32>
    %scan3A_117 = arith.constant 0 : i32
    %scan3A_118 = arith.constant 32 : i32
    %scan3A_119 = arith.addi %scan3A_117, %scan3A_118 : i32
    %scan3A_120 = arith.constant 1 : i32
    %scan3A_121 = scf.for %scan3A_261 = %scan3A_117 to %scan3A_119 step %scan3A_120 iter_args(%scan3A_262 = %broadcast_in_dim3A_116) -> (vector<16xi32>)  : i32 {
      %mul3A_263 = arith.constant 4 : i32
      %mul3A_264 = arith.muli %scan3A_261, %mul3A_263 : i32
      %add3A_265 = arith.constant 384 : i32
      %add3A_266 = arith.addi %add3A_265, %mul3A_264 : i32
      %add3A_267 = arith.constant 0 : i32
      %add3A_268 = arith.addi %add3A_266, %add3A_267 : i32
      %get3A = arith.constant 0 : i32
      %get3A_269 = arith.index_cast %get3A : i32 to index
      %get3A_270 = arith.index_cast %add3A_268 : i32 to index
      %get3A_271 = arith.constant 0 : index
      %get3A_272 = tpu.vector_load %arg6[%get3A_269, %get3A_270, %get3A_271] {strides = array<i32>} : memref<2x1024x16xf32, #tpu.memory_space<vmem>>, vector<16xf32>,
      %add3A_273 = arith.constant 0 : i32
      %add3A_274 = vector.broadcast %add3A_273 : i32 to vector<16xi32>
      %add3A_275 = arith.addi %scan3A_262, %add3A_274 : vector<16xi32>
      %scatter3A = arith.constant 0 : i32
      %scatter3A_276 = arith.constant 0 : i32
      %scatter3A_277 = arith.constant 0 : i32
      %scatter3A_278 = tpu.memref_slice %arg7[%scatter3A, %scatter3A_276, %scatter3A_277] : memref<2x128x129xf32, #tpu.memory_space<vmem>> -> memref<1x128x129xf32, #tpu.memory_space<vmem>>
      %scatter3A_279 = tpu.memref_squeeze %scatter3A_278 : memref<1x128x129xf32, #tpu.memory_space<vmem>> -> memref<128x129xf32, #tpu.memory_space<vmem>>
      tpu.vector_store_idx %scatter3A_279[%add3A_114, %add3A_275], %get3A_272 : memref<128x129xf32, #tpu.memory_space<vmem>>[vector<16xi32>, vector<16xi32>], vector<16xf32>,
      %mul3A_280 = arith.constant 4 : i32
      %mul3A_281 = arith.muli %scan3A_261, %mul3A_280 : i32
      %add3A_282 = arith.constant 384 : i32
      %add3A_283 = arith.addi %add3A_282, %mul3A_281 : i32
      %add3A_284 = arith.constant 1 : i32
      %add3A_285 = arith.addi %add3A_283, %add3A_284 : i32
      %get3A_286 = arith.constant 0 : i32
      %get3A_287 = arith.index_cast %get3A_286 : i32 to index
      %get3A_288 = arith.index_cast %add3A_285 : i32 to index
      %get3A_289 = arith.constant 0 : index
      %get3A_290 = tpu.vector_load %arg6[%get3A_287, %get3A_288, %get3A_289] {strides = array<i32>} : memref<2x1024x16xf32, #tpu.memory_space<vmem>>, vector<16xf32>,
      %add3A_291 = arith.constant 1 : i32
      %add3A_292 = vector.broadcast %add3A_291 : i32 to vector<16xi32>
      %add3A_293 = arith.addi %scan3A_262, %add3A_292 : vector<16xi32>
      %scatter3A_294 = arith.constant 0 : i32
      %scatter3A_295 = arith.constant 0 : i32
      %scatter3A_296 = arith.constant 0 : i32
      %scatter3A_297 = tpu.memref_slice %arg7[%scatter3A_294, %scatter3A_295, %scatter3A_296] : memref<2x128x129xf32, #tpu.memory_space<vmem>> -> memref<1x128x129xf32, #tpu.memory_space<vmem>>
      %scatter3A_298 = tpu.memref_squeeze %scatter3A_297 : memref<1x128x129xf32, #tpu.memory_space<vmem>> -> memref<128x129xf32, #tpu.memory_space<vmem>>
      tpu.vector_store_idx %scatter3A_298[%add3A_114, %add3A_293], %get3A_290 : memref<128x129xf32, #tpu.memory_space<vmem>>[vector<16xi32>, vector<16xi32>], vector<16xf32>,
      %mul3A_299 = arith.constant 4 : i32
      %mul3A_300 = arith.muli %scan3A_261, %mul3A_299 : i32
      %add3A_301 = arith.constant 384 : i32
      %add3A_302 = arith.addi %add3A_301, %mul3A_300 : i32
      %add3A_303 = arith.constant 2 : i32
      %add3A_304 = arith.addi %add3A_302, %add3A_303 : i32
      %get3A_305 = arith.constant 0 : i32
      %get3A_306 = arith.index_cast %get3A_305 : i32 to index
      %get3A_307 = arith.index_cast %add3A_304 : i32 to index
      %get3A_308 = arith.constant 0 : index
      %get3A_309 = tpu.vector_load %arg6[%get3A_306, %get3A_307, %get3A_308] {strides = array<i32>} : memref<2x1024x16xf32, #tpu.memory_space<vmem>>, vector<16xf32>,
      %add3A_310 = arith.constant 2 : i32
      %add3A_311 = vector.broadcast %add3A_310 : i32 to vector<16xi32>
      %add3A_312 = arith.addi %scan3A_262, %add3A_311 : vector<16xi32>
      %scatter3A_313 = arith.constant 0 : i32
      %scatter3A_314 = arith.constant 0 : i32
      %scatter3A_315 = arith.constant 0 : i32
      %scatter3A_316 = tpu.memref_slice %arg7[%scatter3A_313, %scatter3A_314, %scatter3A_315] : memref<2x128x129xf32, #tpu.memory_space<vmem>> -> memref<1x128x129xf32, #tpu.memory_space<vmem>>
      %scatter3A_317 = tpu.memref_squeeze %scatter3A_316 : memref<1x128x129xf32, #tpu.memory_space<vmem>> -> memref<128x129xf32, #tpu.memory_space<vmem>>
      tpu.vector_store_idx %scatter3A_317[%add3A_114, %add3A_312], %get3A_309 : memref<128x129xf32, #tpu.memory_space<vmem>>[vector<16xi32>, vector<16xi32>], vector<16xf32>,
      %mul3A_318 = arith.constant 4 : i32
      %mul3A_319 = arith.muli %scan3A_261, %mul3A_318 : i32
      %add3A_320 = arith.constant 384 : i32
      %add3A_321 = arith.addi %add3A_320, %mul3A_319 : i32
      %add3A_322 = arith.constant 3 : i32
      %add3A_323 = arith.addi %add3A_321, %add3A_322 : i32
      %get3A_324 = arith.constant 0 : i32
      %get3A_325 = arith.index_cast %get3A_324 : i32 to index
      %get3A_326 = arith.index_cast %add3A_323 : i32 to index
      %get3A_327 = arith.constant 0 : index
      %get3A_328 = tpu.vector_load %arg6[%get3A_325, %get3A_326, %get3A_327] {strides = array<i32>} : memref<2x1024x16xf32, #tpu.memory_space<vmem>>, vector<16xf32>,
      %add3A_329 = arith.constant 3 : i32
      %add3A_330 = vector.broadcast %add3A_329 : i32 to vector<16xi32>
      %add3A_331 = arith.addi %scan3A_262, %add3A_330 : vector<16xi32>
      %scatter3A_332 = arith.constant 0 : i32
      %scatter3A_333 = arith.constant 0 : i32
      %scatter3A_334 = arith.constant 0 : i32
      %scatter3A_335 = tpu.memref_slice %arg7[%scatter3A_332, %scatter3A_333, %scatter3A_334] : memref<2x128x129xf32, #tpu.memory_space<vmem>> -> memref<1x128x129xf32, #tpu.memory_space<vmem>>
      %scatter3A_336 = tpu.memref_squeeze %scatter3A_335 : memref<1x128x129xf32, #tpu.memory_space<vmem>> -> memref<128x129xf32, #tpu.memory_space<vmem>>
      tpu.vector_store_idx %scatter3A_336[%add3A_114, %add3A_331], %get3A_328 : memref<128x129xf32, #tpu.memory_space<vmem>>[vector<16xi32>, vector<16xi32>], vector<16xf32>,
      %add3A_337 = arith.constant 4 : i32
      %add3A_338 = vector.broadcast %add3A_337 : i32 to vector<16xi32>
      %add3A_339 = arith.addi %scan3A_262, %add3A_338 : vector<16xi32>
      scf.yield %add3A_339 : vector<16xi32>
    }
    %scan3A_122 = arith.constant 32 : i32
    %add3A_123 = arith.constant 32 : i32
    %add3A_124 = vector.broadcast %add3A_123 : i32 to vector<16xi32>
    %add3A_125 = arith.addi %add3A_49, %add3A_124 : vector<16xi32>
    %broadcast_in_dim3A_126 = arith.constant 0 : i32
    %broadcast_in_dim3A_127 = vector.broadcast %broadcast_in_dim3A_126 : i32 to vector<16xi32>
    %scan3A_128 = arith.constant 0 : i32
    %scan3A_129 = arith.constant 32 : i32
    %scan3A_130 = arith.addi %scan3A_128, %scan3A_129 : i32
    %scan3A_131 = arith.constant 1 : i32
    %scan3A_132 = scf.for %scan3A_261 = %scan3A_128 to %scan3A_130 step %scan3A_131 iter_args(%scan3A_262 = %broadcast_in_dim3A_127) -> (vector<16xi32>)  : i32 {
      %mul3A_263 = arith.constant 4 : i32
      %mul3A_264 = arith.muli %scan3A_261, %mul3A_263 : i32
      %add3A_265 = arith.constant 512 : i32
      %add3A_266 = arith.addi %add3A_265, %mul3A_264 : i32
      %add3A_267 = arith.constant 0 : i32
      %add3A_268 = arith.addi %add3A_266, %add3A_267 : i32
      %get3A = arith.constant 0 : i32
      %get3A_269 = arith.index_cast %get3A : i32 to index
      %get3A_270 = arith.index_cast %add3A_268 : i32 to index
      %get3A_271 = arith.constant 0 : index
      %get3A_272 = tpu.vector_load %arg6[%get3A_269, %get3A_270, %get3A_271] {strides = array<i32>} : memref<2x1024x16xf32, #tpu.memory_space<vmem>>, vector<16xf32>,
      %add3A_273 = arith.constant 0 : i32
      %add3A_274 = vector.broadcast %add3A_273 : i32 to vector<16xi32>
      %add3A_275 = arith.addi %scan3A_262, %add3A_274 : vector<16xi32>
      %scatter3A = arith.constant 0 : i32
      %scatter3A_276 = arith.constant 0 : i32
      %scatter3A_277 = arith.constant 0 : i32
      %scatter3A_278 = tpu.memref_slice %arg7[%scatter3A, %scatter3A_276, %scatter3A_277] : memref<2x128x129xf32, #tpu.memory_space<vmem>> -> memref<1x128x129xf32, #tpu.memory_space<vmem>>
      %scatter3A_279 = tpu.memref_squeeze %scatter3A_278 : memref<1x128x129xf32, #tpu.memory_space<vmem>> -> memref<128x129xf32, #tpu.memory_space<vmem>>
      tpu.vector_store_idx %scatter3A_279[%add3A_125, %add3A_275], %get3A_272 : memref<128x129xf32, #tpu.memory_space<vmem>>[vector<16xi32>, vector<16xi32>], vector<16xf32>,
      %mul3A_280 = arith.constant 4 : i32
      %mul3A_281 = arith.muli %scan3A_261, %mul3A_280 : i32
      %add3A_282 = arith.constant 512 : i32
      %add3A_283 = arith.addi %add3A_282, %mul3A_281 : i32
      %add3A_284 = arith.constant 1 : i32
      %add3A_285 = arith.addi %add3A_283, %add3A_284 : i32
      %get3A_286 = arith.constant 0 : i32
      %get3A_287 = arith.index_cast %get3A_286 : i32 to index
      %get3A_288 = arith.index_cast %add3A_285 : i32 to index
      %get3A_289 = arith.constant 0 : index
      %get3A_290 = tpu.vector_load %arg6[%get3A_287, %get3A_288, %get3A_289] {strides = array<i32>} : memref<2x1024x16xf32, #tpu.memory_space<vmem>>, vector<16xf32>,
      %add3A_291 = arith.constant 1 : i32
      %add3A_292 = vector.broadcast %add3A_291 : i32 to vector<16xi32>
      %add3A_293 = arith.addi %scan3A_262, %add3A_292 : vector<16xi32>
      %scatter3A_294 = arith.constant 0 : i32
      %scatter3A_295 = arith.constant 0 : i32
      %scatter3A_296 = arith.constant 0 : i32
      %scatter3A_297 = tpu.memref_slice %arg7[%scatter3A_294, %scatter3A_295, %scatter3A_296] : memref<2x128x129xf32, #tpu.memory_space<vmem>> -> memref<1x128x129xf32, #tpu.memory_space<vmem>>
      %scatter3A_298 = tpu.memref_squeeze %scatter3A_297 : memref<1x128x129xf32, #tpu.memory_space<vmem>> -> memref<128x129xf32, #tpu.memory_space<vmem>>
      tpu.vector_store_idx %scatter3A_298[%add3A_125, %add3A_293], %get3A_290 : memref<128x129xf32, #tpu.memory_space<vmem>>[vector<16xi32>, vector<16xi32>], vector<16xf32>,
      %mul3A_299 = arith.constant 4 : i32
      %mul3A_300 = arith.muli %scan3A_261, %mul3A_299 : i32
      %add3A_301 = arith.constant 512 : i32
      %add3A_302 = arith.addi %add3A_301, %mul3A_300 : i32
      %add3A_303 = arith.constant 2 : i32
      %add3A_304 = arith.addi %add3A_302, %add3A_303 : i32
      %get3A_305 = arith.constant 0 : i32
      %get3A_306 = arith.index_cast %get3A_305 : i32 to index
      %get3A_307 = arith.index_cast %add3A_304 : i32 to index
      %get3A_308 = arith.constant 0 : index
      %get3A_309 = tpu.vector_load %arg6[%get3A_306, %get3A_307, %get3A_308] {strides = array<i32>} : memref<2x1024x16xf32, #tpu.memory_space<vmem>>, vector<16xf32>,
      %add3A_310 = arith.constant 2 : i32
      %add3A_311 = vector.broadcast %add3A_310 : i32 to vector<16xi32>
      %add3A_312 = arith.addi %scan3A_262, %add3A_311 : vector<16xi32>
      %scatter3A_313 = arith.constant 0 : i32
      %scatter3A_314 = arith.constant 0 : i32
      %scatter3A_315 = arith.constant 0 : i32
      %scatter3A_316 = tpu.memref_slice %arg7[%scatter3A_313, %scatter3A_314, %scatter3A_315] : memref<2x128x129xf32, #tpu.memory_space<vmem>> -> memref<1x128x129xf32, #tpu.memory_space<vmem>>
      %scatter3A_317 = tpu.memref_squeeze %scatter3A_316 : memref<1x128x129xf32, #tpu.memory_space<vmem>> -> memref<128x129xf32, #tpu.memory_space<vmem>>
      tpu.vector_store_idx %scatter3A_317[%add3A_125, %add3A_312], %get3A_309 : memref<128x129xf32, #tpu.memory_space<vmem>>[vector<16xi32>, vector<16xi32>], vector<16xf32>,
      %mul3A_318 = arith.constant 4 : i32
      %mul3A_319 = arith.muli %scan3A_261, %mul3A_318 : i32
      %add3A_320 = arith.constant 512 : i32
      %add3A_321 = arith.addi %add3A_320, %mul3A_319 : i32
      %add3A_322 = arith.constant 3 : i32
      %add3A_323 = arith.addi %add3A_321, %add3A_322 : i32
      %get3A_324 = arith.constant 0 : i32
      %get3A_325 = arith.index_cast %get3A_324 : i32 to index
      %get3A_326 = arith.index_cast %add3A_323 : i32 to index
      %get3A_327 = arith.constant 0 : index
      %get3A_328 = tpu.vector_load %arg6[%get3A_325, %get3A_326, %get3A_327] {strides = array<i32>} : memref<2x1024x16xf32, #tpu.memory_space<vmem>>, vector<16xf32>,
      %add3A_329 = arith.constant 3 : i32
      %add3A_330 = vector.broadcast %add3A_329 : i32 to vector<16xi32>
      %add3A_331 = arith.addi %scan3A_262, %add3A_330 : vector<16xi32>
      %scatter3A_332 = arith.constant 0 : i32
      %scatter3A_333 = arith.constant 0 : i32
      %scatter3A_334 = arith.constant 0 : i32
      %scatter3A_335 = tpu.memref_slice %arg7[%scatter3A_332, %scatter3A_333, %scatter3A_334] : memref<2x128x129xf32, #tpu.memory_space<vmem>> -> memref<1x128x129xf32, #tpu.memory_space<vmem>>
      %scatter3A_336 = tpu.memref_squeeze %scatter3A_335 : memref<1x128x129xf32, #tpu.memory_space<vmem>> -> memref<128x129xf32, #tpu.memory_space<vmem>>
      tpu.vector_store_idx %scatter3A_336[%add3A_125, %add3A_331], %get3A_328 : memref<128x129xf32, #tpu.memory_space<vmem>>[vector<16xi32>, vector<16xi32>], vector<16xf32>,
      %add3A_337 = arith.constant 4 : i32
      %add3A_338 = vector.broadcast %add3A_337 : i32 to vector<16xi32>
      %add3A_339 = arith.addi %scan3A_262, %add3A_338 : vector<16xi32>
      scf.yield %add3A_339 : vector<16xi32>
    }
    %scan3A_133 = arith.constant 32 : i32
    %add3A_134 = arith.constant 40 : i32
    %add3A_135 = vector.broadcast %add3A_134 : i32 to vector<16xi32>
    %add3A_136 = arith.addi %add3A_49, %add3A_135 : vector<16xi32>
    %broadcast_in_dim3A_137 = arith.constant 0 : i32
    %broadcast_in_dim3A_138 = vector.broadcast %broadcast_in_dim3A_137 : i32 to vector<16xi32>
    %scan3A_139 = arith.constant 0 : i32
    %scan3A_140 = arith.constant 32 : i32
    %scan3A_141 = arith.addi %scan3A_139, %scan3A_140 : i32
    %scan3A_142 = arith.constant 1 : i32
    %scan3A_143 = scf.for %scan3A_261 = %scan3A_139 to %scan3A_141 step %scan3A_142 iter_args(%scan3A_262 = %broadcast_in_dim3A_138) -> (vector<16xi32>)  : i32 {
      %mul3A_263 = arith.constant 4 : i32
      %mul3A_264 = arith.muli %scan3A_261, %mul3A_263 : i32
      %add3A_265 = arith.constant 640 : i32
      %add3A_266 = arith.addi %add3A_265, %mul3A_264 : i32
      %add3A_267 = arith.constant 0 : i32
      %add3A_268 = arith.addi %add3A_266, %add3A_267 : i32
      %get3A = arith.constant 0 : i32
      %get3A_269 = arith.index_cast %get3A : i32 to index
      %get3A_270 = arith.index_cast %add3A_268 : i32 to index
      %get3A_271 = arith.constant 0 : index
      %get3A_272 = tpu.vector_load %arg6[%get3A_269, %get3A_270, %get3A_271] {strides = array<i32>} : memref<2x1024x16xf32, #tpu.memory_space<vmem>>, vector<16xf32>,
      %add3A_273 = arith.constant 0 : i32
      %add3A_274 = vector.broadcast %add3A_273 : i32 to vector<16xi32>
      %add3A_275 = arith.addi %scan3A_262, %add3A_274 : vector<16xi32>
      %scatter3A = arith.constant 0 : i32
      %scatter3A_276 = arith.constant 0 : i32
      %scatter3A_277 = arith.constant 0 : i32
      %scatter3A_278 = tpu.memref_slice %arg7[%scatter3A, %scatter3A_276, %scatter3A_277] : memref<2x128x129xf32, #tpu.memory_space<vmem>> -> memref<1x128x129xf32, #tpu.memory_space<vmem>>
      %scatter3A_279 = tpu.memref_squeeze %scatter3A_278 : memref<1x128x129xf32, #tpu.memory_space<vmem>> -> memref<128x129xf32, #tpu.memory_space<vmem>>
      tpu.vector_store_idx %scatter3A_279[%add3A_136, %add3A_275], %get3A_272 : memref<128x129xf32, #tpu.memory_space<vmem>>[vector<16xi32>, vector<16xi32>], vector<16xf32>,
      %mul3A_280 = arith.constant 4 : i32
      %mul3A_281 = arith.muli %scan3A_261, %mul3A_280 : i32
      %add3A_282 = arith.constant 640 : i32
      %add3A_283 = arith.addi %add3A_282, %mul3A_281 : i32
      %add3A_284 = arith.constant 1 : i32
      %add3A_285 = arith.addi %add3A_283, %add3A_284 : i32
      %get3A_286 = arith.constant 0 : i32
      %get3A_287 = arith.index_cast %get3A_286 : i32 to index
      %get3A_288 = arith.index_cast %add3A_285 : i32 to index
      %get3A_289 = arith.constant 0 : index
      %get3A_290 = tpu.vector_load %arg6[%get3A_287, %get3A_288, %get3A_289] {strides = array<i32>} : memref<2x1024x16xf32, #tpu.memory_space<vmem>>, vector<16xf32>,
      %add3A_291 = arith.constant 1 : i32
      %add3A_292 = vector.broadcast %add3A_291 : i32 to vector<16xi32>
      %add3A_293 = arith.addi %scan3A_262, %add3A_292 : vector<16xi32>
      %scatter3A_294 = arith.constant 0 : i32
      %scatter3A_295 = arith.constant 0 : i32
      %scatter3A_296 = arith.constant 0 : i32
      %scatter3A_297 = tpu.memref_slice %arg7[%scatter3A_294, %scatter3A_295, %scatter3A_296] : memref<2x128x129xf32, #tpu.memory_space<vmem>> -> memref<1x128x129xf32, #tpu.memory_space<vmem>>
      %scatter3A_298 = tpu.memref_squeeze %scatter3A_297 : memref<1x128x129xf32, #tpu.memory_space<vmem>> -> memref<128x129xf32, #tpu.memory_space<vmem>>
      tpu.vector_store_idx %scatter3A_298[%add3A_136, %add3A_293], %get3A_290 : memref<128x129xf32, #tpu.memory_space<vmem>>[vector<16xi32>, vector<16xi32>], vector<16xf32>,
      %mul3A_299 = arith.constant 4 : i32
      %mul3A_300 = arith.muli %scan3A_261, %mul3A_299 : i32
      %add3A_301 = arith.constant 640 : i32
      %add3A_302 = arith.addi %add3A_301, %mul3A_300 : i32
      %add3A_303 = arith.constant 2 : i32
      %add3A_304 = arith.addi %add3A_302, %add3A_303 : i32
      %get3A_305 = arith.constant 0 : i32
      %get3A_306 = arith.index_cast %get3A_305 : i32 to index
      %get3A_307 = arith.index_cast %add3A_304 : i32 to index
      %get3A_308 = arith.constant 0 : index
      %get3A_309 = tpu.vector_load %arg6[%get3A_306, %get3A_307, %get3A_308] {strides = array<i32>} : memref<2x1024x16xf32, #tpu.memory_space<vmem>>, vector<16xf32>,
      %add3A_310 = arith.constant 2 : i32
      %add3A_311 = vector.broadcast %add3A_310 : i32 to vector<16xi32>
      %add3A_312 = arith.addi %scan3A_262, %add3A_311 : vector<16xi32>
      %scatter3A_313 = arith.constant 0 : i32
      %scatter3A_314 = arith.constant 0 : i32
      %scatter3A_315 = arith.constant 0 : i32
      %scatter3A_316 = tpu.memref_slice %arg7[%scatter3A_313, %scatter3A_314, %scatter3A_315] : memref<2x128x129xf32, #tpu.memory_space<vmem>> -> memref<1x128x129xf32, #tpu.memory_space<vmem>>
      %scatter3A_317 = tpu.memref_squeeze %scatter3A_316 : memref<1x128x129xf32, #tpu.memory_space<vmem>> -> memref<128x129xf32, #tpu.memory_space<vmem>>
      tpu.vector_store_idx %scatter3A_317[%add3A_136, %add3A_312], %get3A_309 : memref<128x129xf32, #tpu.memory_space<vmem>>[vector<16xi32>, vector<16xi32>], vector<16xf32>,
      %mul3A_318 = arith.constant 4 : i32
      %mul3A_319 = arith.muli %scan3A_261, %mul3A_318 : i32
      %add3A_320 = arith.constant 640 : i32
      %add3A_321 = arith.addi %add3A_320, %mul3A_319 : i32
      %add3A_322 = arith.constant 3 : i32
      %add3A_323 = arith.addi %add3A_321, %add3A_322 : i32
      %get3A_324 = arith.constant 0 : i32
      %get3A_325 = arith.index_cast %get3A_324 : i32 to index
      %get3A_326 = arith.index_cast %add3A_323 : i32 to index
      %get3A_327 = arith.constant 0 : index
      %get3A_328 = tpu.vector_load %arg6[%get3A_325, %get3A_326, %get3A_327] {strides = array<i32>} : memref<2x1024x16xf32, #tpu.memory_space<vmem>>, vector<16xf32>,
      %add3A_329 = arith.constant 3 : i32
      %add3A_330 = vector.broadcast %add3A_329 : i32 to vector<16xi32>
      %add3A_331 = arith.addi %scan3A_262, %add3A_330 : vector<16xi32>
      %scatter3A_332 = arith.constant 0 : i32
      %scatter3A_333 = arith.constant 0 : i32
      %scatter3A_334 = arith.constant 0 : i32
      %scatter3A_335 = tpu.memref_slice %arg7[%scatter3A_332, %scatter3A_333, %scatter3A_334] : memref<2x128x129xf32, #tpu.memory_space<vmem>> -> memref<1x128x129xf32, #tpu.memory_space<vmem>>
      %scatter3A_336 = tpu.memref_squeeze %scatter3A_335 : memref<1x128x129xf32, #tpu.memory_space<vmem>> -> memref<128x129xf32, #tpu.memory_space<vmem>>
      tpu.vector_store_idx %scatter3A_336[%add3A_136, %add3A_331], %get3A_328 : memref<128x129xf32, #tpu.memory_space<vmem>>[vector<16xi32>, vector<16xi32>], vector<16xf32>,
      %add3A_337 = arith.constant 4 : i32
      %add3A_338 = vector.broadcast %add3A_337 : i32 to vector<16xi32>
      %add3A_339 = arith.addi %scan3A_262, %add3A_338 : vector<16xi32>
      scf.yield %add3A_339 : vector<16xi32>
    }
    %scan3A_144 = arith.constant 32 : i32
    %add3A_145 = arith.constant 48 : i32
    %add3A_146 = vector.broadcast %add3A_145 : i32 to vector<16xi32>
    %add3A_147 = arith.addi %add3A_49, %add3A_146 : vector<16xi32>
    %broadcast_in_dim3A_148 = arith.constant 0 : i32
    %broadcast_in_dim3A_149 = vector.broadcast %broadcast_in_dim3A_148 : i32 to vector<16xi32>
    %scan3A_150 = arith.constant 0 : i32
    %scan3A_151 = arith.constant 32 : i32
    %scan3A_152 = arith.addi %scan3A_150, %scan3A_151 : i32
    %scan3A_153 = arith.constant 1 : i32
    %scan3A_154 = scf.for %scan3A_261 = %scan3A_150 to %scan3A_152 step %scan3A_153 iter_args(%scan3A_262 = %broadcast_in_dim3A_149) -> (vector<16xi32>)  : i32 {
      %mul3A_263 = arith.constant 4 : i32
      %mul3A_264 = arith.muli %scan3A_261, %mul3A_263 : i32
      %add3A_265 = arith.constant 768 : i32
      %add3A_266 = arith.addi %add3A_265, %mul3A_264 : i32
      %add3A_267 = arith.constant 0 : i32
      %add3A_268 = arith.addi %add3A_266, %add3A_267 : i32
      %get3A = arith.constant 0 : i32
      %get3A_269 = arith.index_cast %get3A : i32 to index
      %get3A_270 = arith.index_cast %add3A_268 : i32 to index
      %get3A_271 = arith.constant 0 : index
      %get3A_272 = tpu.vector_load %arg6[%get3A_269, %get3A_270, %get3A_271] {strides = array<i32>} : memref<2x1024x16xf32, #tpu.memory_space<vmem>>, vector<16xf32>,
      %add3A_273 = arith.constant 0 : i32
      %add3A_274 = vector.broadcast %add3A_273 : i32 to vector<16xi32>
      %add3A_275 = arith.addi %scan3A_262, %add3A_274 : vector<16xi32>
      %scatter3A = arith.constant 0 : i32
      %scatter3A_276 = arith.constant 0 : i32
      %scatter3A_277 = arith.constant 0 : i32
      %scatter3A_278 = tpu.memref_slice %arg7[%scatter3A, %scatter3A_276, %scatter3A_277] : memref<2x128x129xf32, #tpu.memory_space<vmem>> -> memref<1x128x129xf32, #tpu.memory_space<vmem>>
      %scatter3A_279 = tpu.memref_squeeze %scatter3A_278 : memref<1x128x129xf32, #tpu.memory_space<vmem>> -> memref<128x129xf32, #tpu.memory_space<vmem>>
      tpu.vector_store_idx %scatter3A_279[%add3A_147, %add3A_275], %get3A_272 : memref<128x129xf32, #tpu.memory_space<vmem>>[vector<16xi32>, vector<16xi32>], vector<16xf32>,
      %mul3A_280 = arith.constant 4 : i32
      %mul3A_281 = arith.muli %scan3A_261, %mul3A_280 : i32
      %add3A_282 = arith.constant 768 : i32
      %add3A_283 = arith.addi %add3A_282, %mul3A_281 : i32
      %add3A_284 = arith.constant 1 : i32
      %add3A_285 = arith.addi %add3A_283, %add3A_284 : i32
      %get3A_286 = arith.constant 0 : i32
      %get3A_287 = arith.index_cast %get3A_286 : i32 to index
      %get3A_288 = arith.index_cast %add3A_285 : i32 to index
      %get3A_289 = arith.constant 0 : index
      %get3A_290 = tpu.vector_load %arg6[%get3A_287, %get3A_288, %get3A_289] {strides = array<i32>} : memref<2x1024x16xf32, #tpu.memory_space<vmem>>, vector<16xf32>,
      %add3A_291 = arith.constant 1 : i32
      %add3A_292 = vector.broadcast %add3A_291 : i32 to vector<16xi32>
      %add3A_293 = arith.addi %scan3A_262, %add3A_292 : vector<16xi32>
      %scatter3A_294 = arith.constant 0 : i32
      %scatter3A_295 = arith.constant 0 : i32
      %scatter3A_296 = arith.constant 0 : i32
      %scatter3A_297 = tpu.memref_slice %arg7[%scatter3A_294, %scatter3A_295, %scatter3A_296] : memref<2x128x129xf32, #tpu.memory_space<vmem>> -> memref<1x128x129xf32, #tpu.memory_space<vmem>>
      %scatter3A_298 = tpu.memref_squeeze %scatter3A_297 : memref<1x128x129xf32, #tpu.memory_space<vmem>> -> memref<128x129xf32, #tpu.memory_space<vmem>>
      tpu.vector_store_idx %scatter3A_298[%add3A_147, %add3A_293], %get3A_290 : memref<128x129xf32, #tpu.memory_space<vmem>>[vector<16xi32>, vector<16xi32>], vector<16xf32>,
      %mul3A_299 = arith.constant 4 : i32
      %mul3A_300 = arith.muli %scan3A_261, %mul3A_299 : i32
      %add3A_301 = arith.constant 768 : i32
      %add3A_302 = arith.addi %add3A_301, %mul3A_300 : i32
      %add3A_303 = arith.constant 2 : i32
      %add3A_304 = arith.addi %add3A_302, %add3A_303 : i32
      %get3A_305 = arith.constant 0 : i32
      %get3A_306 = arith.index_cast %get3A_305 : i32 to index
      %get3A_307 = arith.index_cast %add3A_304 : i32 to index
      %get3A_308 = arith.constant 0 : index
      %get3A_309 = tpu.vector_load %arg6[%get3A_306, %get3A_307, %get3A_308] {strides = array<i32>} : memref<2x1024x16xf32, #tpu.memory_space<vmem>>, vector<16xf32>,
      %add3A_310 = arith.constant 2 : i32
      %add3A_311 = vector.broadcast %add3A_310 : i32 to vector<16xi32>
      %add3A_312 = arith.addi %scan3A_262, %add3A_311 : vector<16xi32>
      %scatter3A_313 = arith.constant 0 : i32
      %scatter3A_314 = arith.constant 0 : i32
      %scatter3A_315 = arith.constant 0 : i32
      %scatter3A_316 = tpu.memref_slice %arg7[%scatter3A_313, %scatter3A_314, %scatter3A_315] : memref<2x128x129xf32, #tpu.memory_space<vmem>> -> memref<1x128x129xf32, #tpu.memory_space<vmem>>
      %scatter3A_317 = tpu.memref_squeeze %scatter3A_316 : memref<1x128x129xf32, #tpu.memory_space<vmem>> -> memref<128x129xf32, #tpu.memory_space<vmem>>
      tpu.vector_store_idx %scatter3A_317[%add3A_147, %add3A_312], %get3A_309 : memref<128x129xf32, #tpu.memory_space<vmem>>[vector<16xi32>, vector<16xi32>], vector<16xf32>,
      %mul3A_318 = arith.constant 4 : i32
      %mul3A_319 = arith.muli %scan3A_261, %mul3A_318 : i32
      %add3A_320 = arith.constant 768 : i32
      %add3A_321 = arith.addi %add3A_320, %mul3A_319 : i32
      %add3A_322 = arith.constant 3 : i32
      %add3A_323 = arith.addi %add3A_321, %add3A_322 : i32
      %get3A_324 = arith.constant 0 : i32
      %get3A_325 = arith.index_cast %get3A_324 : i32 to index
      %get3A_326 = arith.index_cast %add3A_323 : i32 to index
      %get3A_327 = arith.constant 0 : index
      %get3A_328 = tpu.vector_load %arg6[%get3A_325, %get3A_326, %get3A_327] {strides = array<i32>} : memref<2x1024x16xf32, #tpu.memory_space<vmem>>, vector<16xf32>,
      %add3A_329 = arith.constant 3 : i32
      %add3A_330 = vector.broadcast %add3A_329 : i32 to vector<16xi32>
      %add3A_331 = arith.addi %scan3A_262, %add3A_330 : vector<16xi32>
      %scatter3A_332 = arith.constant 0 : i32
      %scatter3A_333 = arith.constant 0 : i32
      %scatter3A_334 = arith.constant 0 : i32
      %scatter3A_335 = tpu.memref_slice %arg7[%scatter3A_332, %scatter3A_333, %scatter3A_334] : memref<2x128x129xf32, #tpu.memory_space<vmem>> -> memref<1x128x129xf32, #tpu.memory_space<vmem>>
      %scatter3A_336 = tpu.memref_squeeze %scatter3A_335 : memref<1x128x129xf32, #tpu.memory_space<vmem>> -> memref<128x129xf32, #tpu.memory_space<vmem>>
      tpu.vector_store_idx %scatter3A_336[%add3A_147, %add3A_331], %get3A_328 : memref<128x129xf32, #tpu.memory_space<vmem>>[vector<16xi32>, vector<16xi32>], vector<16xf32>,
      %add3A_337 = arith.constant 4 : i32
      %add3A_338 = vector.broadcast %add3A_337 : i32 to vector<16xi32>
      %add3A_339 = arith.addi %scan3A_262, %add3A_338 : vector<16xi32>
      scf.yield %add3A_339 : vector<16xi32>
    }
    %scan3A_155 = arith.constant 32 : i32
    %add3A_156 = arith.constant 56 : i32
    %add3A_157 = vector.broadcast %add3A_156 : i32 to vector<16xi32>
    %add3A_158 = arith.addi %add3A_49, %add3A_157 : vector<16xi32>
    %broadcast_in_dim3A_159 = arith.constant 0 : i32
    %broadcast_in_dim3A_160 = vector.broadcast %broadcast_in_dim3A_159 : i32 to vector<16xi32>
    %scan3A_161 = arith.constant 0 : i32
    %scan3A_162 = arith.constant 32 : i32
    %scan3A_163 = arith.addi %scan3A_161, %scan3A_162 : i32
    %scan3A_164 = arith.constant 1 : i32
    %scan3A_165 = scf.for %scan3A_261 = %scan3A_161 to %scan3A_163 step %scan3A_164 iter_args(%scan3A_262 = %broadcast_in_dim3A_160) -> (vector<16xi32>)  : i32 {
      %mul3A_263 = arith.constant 4 : i32
      %mul3A_264 = arith.muli %scan3A_261, %mul3A_263 : i32
      %add3A_265 = arith.constant 896 : i32
      %add3A_266 = arith.addi %add3A_265, %mul3A_264 : i32
      %add3A_267 = arith.constant 0 : i32
      %add3A_268 = arith.addi %add3A_266, %add3A_267 : i32
      %get3A = arith.constant 0 : i32
      %get3A_269 = arith.index_cast %get3A : i32 to index
      %get3A_270 = arith.index_cast %add3A_268 : i32 to index
      %get3A_271 = arith.constant 0 : index
      %get3A_272 = tpu.vector_load %arg6[%get3A_269, %get3A_270, %get3A_271] {strides = array<i32>} : memref<2x1024x16xf32, #tpu.memory_space<vmem>>, vector<16xf32>,
      %add3A_273 = arith.constant 0 : i32
      %add3A_274 = vector.broadcast %add3A_273 : i32 to vector<16xi32>
      %add3A_275 = arith.addi %scan3A_262, %add3A_274 : vector<16xi32>
      %scatter3A = arith.constant 0 : i32
      %scatter3A_276 = arith.constant 0 : i32
      %scatter3A_277 = arith.constant 0 : i32
      %scatter3A_278 = tpu.memref_slice %arg7[%scatter3A, %scatter3A_276, %scatter3A_277] : memref<2x128x129xf32, #tpu.memory_space<vmem>> -> memref<1x128x129xf32, #tpu.memory_space<vmem>>
      %scatter3A_279 = tpu.memref_squeeze %scatter3A_278 : memref<1x128x129xf32, #tpu.memory_space<vmem>> -> memref<128x129xf32, #tpu.memory_space<vmem>>
      tpu.vector_store_idx %scatter3A_279[%add3A_158, %add3A_275], %get3A_272 : memref<128x129xf32, #tpu.memory_space<vmem>>[vector<16xi32>, vector<16xi32>], vector<16xf32>,
      %mul3A_280 = arith.constant 4 : i32
      %mul3A_281 = arith.muli %scan3A_261, %mul3A_280 : i32
      %add3A_282 = arith.constant 896 : i32
      %add3A_283 = arith.addi %add3A_282, %mul3A_281 : i32
      %add3A_284 = arith.constant 1 : i32
      %add3A_285 = arith.addi %add3A_283, %add3A_284 : i32
      %get3A_286 = arith.constant 0 : i32
      %get3A_287 = arith.index_cast %get3A_286 : i32 to index
      %get3A_288 = arith.index_cast %add3A_285 : i32 to index
      %get3A_289 = arith.constant 0 : index
      %get3A_290 = tpu.vector_load %arg6[%get3A_287, %get3A_288, %get3A_289] {strides = array<i32>} : memref<2x1024x16xf32, #tpu.memory_space<vmem>>, vector<16xf32>,
      %add3A_291 = arith.constant 1 : i32
      %add3A_292 = vector.broadcast %add3A_291 : i32 to vector<16xi32>
      %add3A_293 = arith.addi %scan3A_262, %add3A_292 : vector<16xi32>
      %scatter3A_294 = arith.constant 0 : i32
      %scatter3A_295 = arith.constant 0 : i32
      %scatter3A_296 = arith.constant 0 : i32
      %scatter3A_297 = tpu.memref_slice %arg7[%scatter3A_294, %scatter3A_295, %scatter3A_296] : memref<2x128x129xf32, #tpu.memory_space<vmem>> -> memref<1x128x129xf32, #tpu.memory_space<vmem>>
      %scatter3A_298 = tpu.memref_squeeze %scatter3A_297 : memref<1x128x129xf32, #tpu.memory_space<vmem>> -> memref<128x129xf32, #tpu.memory_space<vmem>>
      tpu.vector_store_idx %scatter3A_298[%add3A_158, %add3A_293], %get3A_290 : memref<128x129xf32, #tpu.memory_space<vmem>>[vector<16xi32>, vector<16xi32>], vector<16xf32>,
      %mul3A_299 = arith.constant 4 : i32
      %mul3A_300 = arith.muli %scan3A_261, %mul3A_299 : i32
      %add3A_301 = arith.constant 896 : i32
      %add3A_302 = arith.addi %add3A_301, %mul3A_300 : i32
      %add3A_303 = arith.constant 2 : i32
      %add3A_304 = arith.addi %add3A_302, %add3A_303 : i32
      %get3A_305 = arith.constant 0 : i32
      %get3A_306 = arith.index_cast %get3A_305 : i32 to index
      %get3A_307 = arith.index_cast %add3A_304 : i32 to index
      %get3A_308 = arith.constant 0 : index
      %get3A_309 = tpu.vector_load %arg6[%get3A_306, %get3A_307, %get3A_308] {strides = array<i32>} : memref<2x1024x16xf32, #tpu.memory_space<vmem>>, vector<16xf32>,
      %add3A_310 = arith.constant 2 : i32
      %add3A_311 = vector.broadcast %add3A_310 : i32 to vector<16xi32>
      %add3A_312 = arith.addi %scan3A_262, %add3A_311 : vector<16xi32>
      %scatter3A_313 = arith.constant 0 : i32
      %scatter3A_314 = arith.constant 0 : i32
      %scatter3A_315 = arith.constant 0 : i32
      %scatter3A_316 = tpu.memref_slice %arg7[%scatter3A_313, %scatter3A_314, %scatter3A_315] : memref<2x128x129xf32, #tpu.memory_space<vmem>> -> memref<1x128x129xf32, #tpu.memory_space<vmem>>
      %scatter3A_317 = tpu.memref_squeeze %scatter3A_316 : memref<1x128x129xf32, #tpu.memory_space<vmem>> -> memref<128x129xf32, #tpu.memory_space<vmem>>
      tpu.vector_store_idx %scatter3A_317[%add3A_158, %add3A_312], %get3A_309 : memref<128x129xf32, #tpu.memory_space<vmem>>[vector<16xi32>, vector<16xi32>], vector<16xf32>,
      %mul3A_318 = arith.constant 4 : i32
      %mul3A_319 = arith.muli %scan3A_261, %mul3A_318 : i32
      %add3A_320 = arith.constant 896 : i32
      %add3A_321 = arith.addi %add3A_320, %mul3A_319 : i32
      %add3A_322 = arith.constant 3 : i32
      %add3A_323 = arith.addi %add3A_321, %add3A_322 : i32
      %get3A_324 = arith.constant 0 : i32
      %get3A_325 = arith.index_cast %get3A_324 : i32 to index
      %get3A_326 = arith.index_cast %add3A_323 : i32 to index
      %get3A_327 = arith.constant 0 : index
      %get3A_328 = tpu.vector_load %arg6[%get3A_325, %get3A_326, %get3A_327] {strides = array<i32>} : memref<2x1024x16xf32, #tpu.memory_space<vmem>>, vector<16xf32>,
      %add3A_329 = arith.constant 3 : i32
      %add3A_330 = vector.broadcast %add3A_329 : i32 to vector<16xi32>
      %add3A_331 = arith.addi %scan3A_262, %add3A_330 : vector<16xi32>
      %scatter3A_332 = arith.constant 0 : i32
      %scatter3A_333 = arith.constant 0 : i32
      %scatter3A_334 = arith.constant 0 : i32
      %scatter3A_335 = tpu.memref_slice %arg7[%scatter3A_332, %scatter3A_333, %scatter3A_334] : memref<2x128x129xf32, #tpu.memory_space<vmem>> -> memref<1x128x129xf32, #tpu.memory_space<vmem>>
      %scatter3A_336 = tpu.memref_squeeze %scatter3A_335 : memref<1x128x129xf32, #tpu.memory_space<vmem>> -> memref<128x129xf32, #tpu.memory_space<vmem>>
      tpu.vector_store_idx %scatter3A_336[%add3A_158, %add3A_331], %get3A_328 : memref<128x129xf32, #tpu.memory_space<vmem>>[vector<16xi32>, vector<16xi32>], vector<16xf32>,
      %add3A_337 = arith.constant 4 : i32
      %add3A_338 = vector.broadcast %add3A_337 : i32 to vector<16xi32>
      %add3A_339 = arith.addi %scan3A_262, %add3A_338 : vector<16xi32>
      scf.yield %add3A_339 : vector<16xi32>
    }
    %scan3A_166 = arith.constant 32 : i32
    %add3A_167 = arith.constant 24576 : i32
    %add3A_168 = arith.addi %mul3A_2, %add3A_167 : i32
    %jit3A_169 = arith.constant 128 : i32
    %div3A_170 = arith.divsi %add3A_168, %jit3A_169 : i32
    %sign3A_171 = arith.constant 0 : i32
    %sign3A_172 = arith.cmpi sgt, %add3A_168, %sign3A_171 : i32
    %sign3A_173 = arith.extui %sign3A_172 : i1 to i32
    %sign3A_174 = arith.constant 0 : i32
    %sign3A_175 = arith.cmpi slt, %add3A_168, %sign3A_174 : i32
    %sign3A_176 = arith.extui %sign3A_175 : i1 to i32
    %sign3A_177 = arith.subi %sign3A_173, %sign3A_176 : i32
    %sign3A_178 = arith.constant 0 : i32
    %sign3A_179 = arith.cmpi sgt, %jit3A_169, %sign3A_178 : i32
    %sign3A_180 = arith.extui %sign3A_179 : i1 to i32
    %sign3A_181 = arith.constant 0 : i32
    %sign3A_182 = arith.cmpi slt, %jit3A_169, %sign3A_181 : i32
    %sign3A_183 = arith.extui %sign3A_182 : i1 to i32
    %sign3A_184 = arith.subi %sign3A_180, %sign3A_183 : i32
    %ne3A_185 = arith.cmpi ne, %sign3A_177, %sign3A_184 : i32
    %rem3A_186 = arith.remsi %add3A_168, %jit3A_169 : i32
    %ne3A_187 = arith.constant 0 : i32
    %ne3A_188 = arith.cmpi ne, %rem3A_186, %ne3A_187 : i32
    %and3A_189 = arith.andi %ne3A_185, %ne3A_188 : i1
    %sub3A_190 = arith.constant 1 : i32
    %sub3A_191 = arith.subi %div3A_170, %sub3A_190 : i32
    %select_n3A_192 = arith.select %and3A_189, %sub3A_191, %div3A_170 : i32
    %mul3A_193 = arith.constant 8 : i32
    %mul3A_194 = arith.muli %select_n3A_192, %mul3A_193 : i32
    %dma_start3A_195 = arith.constant 0 : i32
    %dma_start3A_196 = arith.constant 0 : i32
    %dma_start3A_197 = arith.constant 0 : i32
    %dma_start3A_198 = arith.constant 0 : i32
    %dma_start3A_199 = tpu.memref_slice %arg7[%dma_start3A_195, %dma_start3A_197, %dma_start3A_198] : memref<2x128x129xf32, #tpu.memory_space<vmem>> -> memref<1x64x128xf32, #tpu.memory_space<vmem>>
    %dma_start3A_200 = tpu.memref_squeeze %dma_start3A_199 : memref<1x64x128xf32, #tpu.memory_space<vmem>> -> memref<64x128xf32, #tpu.memory_space<vmem>>
    %dma_start3A_201 = arith.constant 0 : i32
    %dma_start3A_202 = tpu.memref_slice %arg4[%dma_start3A_196, %mul3A_194, %dma_start3A_201] : memref<2x51200x128xf32, #tpu.memory_space<hbm>> -> memref<1x64x128xf32, #tpu.memory_space<hbm>>
    %dma_start3A_203 = tpu.memref_squeeze %dma_start3A_202 : memref<1x64x128xf32, #tpu.memory_space<hbm>> -> memref<64x128xf32, #tpu.memory_space<hbm>>
    %dma_start3A_204 = arith.constant 0 : i32
    %dma_start3A_205 = tpu.memref_slice %arg4[%dma_start3A_196, %mul3A_194, %dma_start3A_204] : memref<2x51200x128xf32, #tpu.memory_space<hbm>> -> memref<1x64x128xf32, #tpu.memory_space<hbm>>
    %dma_start3A_206 = tpu.memref_squeeze %dma_start3A_205 : memref<1x64x128xf32, #tpu.memory_space<hbm>> -> memref<64x128xf32, #tpu.memory_space<hbm>>
    %dma_start3A_207 = arith.constant 0 : i32
    %dma_start3A_208 = arith.constant 0 : i32
    %dma_start3A_209 = tpu.memref_slice %arg7[%dma_start3A_195, %dma_start3A_207, %dma_start3A_208] : memref<2x128x129xf32, #tpu.memory_space<vmem>> -> memref<1x64x128xf32, #tpu.memory_space<vmem>>
    %dma_start3A_210 = tpu.memref_squeeze %dma_start3A_209 : memref<1x64x128xf32, #tpu.memory_space<vmem>> -> memref<64x128xf32, #tpu.memory_space<vmem>>
    tpu.enqueue_dma source(%dma_start3A_210 : memref<64x128xf32, #tpu.memory_space<vmem>>) target(%dma_start3A_206 : memref<64x128xf32, #tpu.memory_space<hbm>>) target_semaphore(%arg10 : memref<!tpu.dma_semaphore, #tpu.memory_space<semaphore_mem>>)
    %mul3A_211 = arith.constant 8 : i32
    %mul3A_212 = arith.muli %select_n3A_192, %mul3A_211 : i32
    %dma_start3A_213 = arith.constant 0 : i32
    %dma_start3A_214 = arith.constant 1 : i32
    %dma_start3A_215 = arith.constant 64 : i32
    %dma_start3A_216 = arith.constant 0 : i32
    %dma_start3A_217 = tpu.memref_slice %arg7[%dma_start3A_213, %dma_start3A_215, %dma_start3A_216] : memref<2x128x129xf32, #tpu.memory_space<vmem>> -> memref<1x64x128xf32, #tpu.memory_space<vmem>>
    %dma_start3A_218 = tpu.memref_squeeze %dma_start3A_217 : memref<1x64x128xf32, #tpu.memory_space<vmem>> -> memref<64x128xf32, #tpu.memory_space<vmem>>
    %dma_start3A_219 = arith.constant 0 : i32
    %dma_start3A_220 = tpu.memref_slice %arg4[%dma_start3A_214, %mul3A_212, %dma_start3A_219] : memref<2x51200x128xf32, #tpu.memory_space<hbm>> -> memref<1x64x128xf32, #tpu.memory_space<hbm>>
    %dma_start3A_221 = tpu.memref_squeeze %dma_start3A_220 : memref<1x64x128xf32, #tpu.memory_space<hbm>> -> memref<64x128xf32, #tpu.memory_space<hbm>>
    %dma_start3A_222 = arith.constant 0 : i32
    %dma_start3A_223 = tpu.memref_slice %arg4[%dma_start3A_214, %mul3A_212, %dma_start3A_222] : memref<2x51200x128xf32, #tpu.memory_space<hbm>> -> memref<1x64x128xf32, #tpu.memory_space<hbm>>
    %dma_start3A_224 = tpu.memref_squeeze %dma_start3A_223 : memref<1x64x128xf32, #tpu.memory_space<hbm>> -> memref<64x128xf32, #tpu.memory_space<hbm>>
    %dma_start3A_225 = arith.constant 64 : i32
    %dma_start3A_226 = arith.constant 0 : i32
    %dma_start3A_227 = tpu.memref_slice %arg7[%dma_start3A_213, %dma_start3A_225, %dma_start3A_226] : memref<2x128x129xf32, #tpu.memory_space<vmem>> -> memref<1x64x128xf32, #tpu.memory_space<vmem>>
    %dma_start3A_228 = tpu.memref_squeeze %dma_start3A_227 : memref<1x64x128xf32, #tpu.memory_space<vmem>> -> memref<64x128xf32, #tpu.memory_space<vmem>>
    tpu.enqueue_dma source(%dma_start3A_228 : memref<64x128xf32, #tpu.memory_space<vmem>>) target(%dma_start3A_224 : memref<64x128xf32, #tpu.memory_space<hbm>>) target_semaphore(%arg10 : memref<!tpu.dma_semaphore, #tpu.memory_space<semaphore_mem>>)
    %dma_wait3A_229 = arith.constant 0 : i32
    %dma_wait3A_230 = arith.constant 0 : i32
    %dma_wait3A_231 = arith.constant 0 : i32
    %dma_wait3A_232 = arith.constant 0 : i32
    %dma_wait3A_233 = tpu.memref_slice %arg7[%dma_wait3A_229, %dma_wait3A_231, %dma_wait3A_232] : memref<2x128x129xf32, #tpu.memory_space<vmem>> -> memref<1x64x128xf32, #tpu.memory_space<vmem>>
    %dma_wait3A_234 = tpu.memref_squeeze %dma_wait3A_233 : memref<1x64x128xf32, #tpu.memory_space<vmem>> -> memref<64x128xf32, #tpu.memory_space<vmem>>
    %dma_wait3A_235 = arith.constant 0 : i32
    %dma_wait3A_236 = tpu.memref_slice %arg4[%dma_wait3A_230, %mul3A_194, %dma_wait3A_235] : memref<2x51200x128xf32, #tpu.memory_space<hbm>> -> memref<1x64x128xf32, #tpu.memory_space<hbm>>
    %dma_wait3A_237 = tpu.memref_squeeze %dma_wait3A_236 : memref<1x64x128xf32, #tpu.memory_space<hbm>> -> memref<64x128xf32, #tpu.memory_space<hbm>>
    %dma_wait3A_238 = arith.constant 0 : i32
    %dma_wait3A_239 = tpu.memref_slice %arg4[%dma_wait3A_230, %mul3A_194, %dma_wait3A_238] : memref<2x51200x128xf32, #tpu.memory_space<hbm>> -> memref<1x64x128xf32, #tpu.memory_space<hbm>>
    %dma_wait3A_240 = tpu.memref_squeeze %dma_wait3A_239 : memref<1x64x128xf32, #tpu.memory_space<hbm>> -> memref<64x128xf32, #tpu.memory_space<hbm>>
    %dma_wait3A_241 = arith.constant 0 : i32
    %dma_wait3A_242 = arith.constant 0 : i32
    %dma_wait3A_243 = tpu.memref_slice %arg7[%dma_wait3A_229, %dma_wait3A_241, %dma_wait3A_242] : memref<2x128x129xf32, #tpu.memory_space<vmem>> -> memref<1x64x128xf32, #tpu.memory_space<vmem>>
    %dma_wait3A_244 = tpu.memref_squeeze %dma_wait3A_243 : memref<1x64x128xf32, #tpu.memory_space<vmem>> -> memref<64x128xf32, #tpu.memory_space<vmem>>
    tpu.wait_dma2 semaphore(%arg10 : memref<!tpu.dma_semaphore, #tpu.memory_space<semaphore_mem>>) src(%dma_wait3A_244 : memref<64x128xf32, #tpu.memory_space<vmem>>) dst(%dma_wait3A_240 : memref<64x128xf32, #tpu.memory_space<hbm>>)
    %dma_wait3A_245 = arith.constant 0 : i32
    %dma_wait3A_246 = arith.constant 1 : i32
    %dma_wait3A_247 = arith.constant 64 : i32
    %dma_wait3A_248 = arith.constant 0 : i32
    %dma_wait3A_249 = tpu.memref_slice %arg7[%dma_wait3A_245, %dma_wait3A_247, %dma_wait3A_248] : memref<2x128x129xf32, #tpu.memory_space<vmem>> -> memref<1x64x128xf32, #tpu.memory_space<vmem>>
    %dma_wait3A_250 = tpu.memref_squeeze %dma_wait3A_249 : memref<1x64x128xf32, #tpu.memory_space<vmem>> -> memref<64x128xf32, #tpu.memory_space<vmem>>
    %dma_wait3A_251 = arith.constant 0 : i32
    %dma_wait3A_252 = tpu.memref_slice %arg4[%dma_wait3A_246, %mul3A_212, %dma_wait3A_251] : memref<2x51200x128xf32, #tpu.memory_space<hbm>> -> memref<1x64x128xf32, #tpu.memory_space<hbm>>
    %dma_wait3A_253 = tpu.memref_squeeze %dma_wait3A_252 : memref<1x64x128xf32, #tpu.memory_space<hbm>> -> memref<64x128xf32, #tpu.memory_space<hbm>>
    %dma_wait3A_254 = arith.constant 0 : i32
    %dma_wait3A_255 = tpu.memref_slice %arg4[%dma_wait3A_246, %mul3A_212, %dma_wait3A_254] : memref<2x51200x128xf32, #tpu.memory_space<hbm>> -> memref<1x64x128xf32, #tpu.memory_space<hbm>>
    %dma_wait3A_256 = tpu.memref_squeeze %dma_wait3A_255 : memref<1x64x128xf32, #tpu.memory_space<hbm>> -> memref<64x128xf32, #tpu.memory_space<hbm>>
    %dma_wait3A_257 = arith.constant 64 : i32
    %dma_wait3A_258 = arith.constant 0 : i32
    %dma_wait3A_259 = tpu.memref_slice %arg7[%dma_wait3A_245, %dma_wait3A_257, %dma_wait3A_258] : memref<2x128x129xf32, #tpu.memory_space<vmem>> -> memref<1x64x128xf32, #tpu.memory_space<vmem>>
    %dma_wait3A_260 = tpu.memref_squeeze %dma_wait3A_259 : memref<1x64x128xf32, #tpu.memory_space<vmem>> -> memref<64x128xf32, #tpu.memory_space<vmem>>
    tpu.wait_dma2 semaphore(%arg10 : memref<!tpu.dma_semaphore, #tpu.memory_space<semaphore_mem>>) src(%dma_wait3A_260 : memref<64x128xf32, #tpu.memory_space<vmem>>) dst(%dma_wait3A_256 : memref<64x128xf32, #tpu.memory_space<hbm>>)
    return
  }
}

module attributes {stable_mosaic.version = 14 : i64} {
  func.func @body(%arg0: i32, %arg1: memref<16x131072xf32, #tpu.memory_space<vmem>>, %arg2: memref<16384x128xf32, #tpu.memory_space<vmem>>) attributes {dimension_semantics = [#tpu.dimension_semantics<arbitrary>], iteration_bounds = array<i64: 8>, scalar_prefetch = 0 : i64, scratch_operands = 0 : i64, tpu.core_type = #tpu.core_type<tc>, window_params = [{transform_indices = @transform_0, window_bounds = array<i64: 16, 131072>}, {transform_indices = @transform_1, window_bounds = array<i64: 16384, 128>}]} {
    %get3A = arith.constant 0 : index
    %get3A_0 = arith.constant 0 : index
    %get3A_1 = vector.load %arg1[%get3A, %get3A_0] : memref<16x131072xf32, #tpu.memory_space<vmem>>, vector<16x131072xf32>
    %slice3A = vector.extract_strided_slice %get3A_1 {offsets = [0, 0], sizes = [16, 16384], strides = [1, 1]} : vector<16x131072xf32> to vector<16x16384xf32>
    %slice3A_2 = vector.extract_strided_slice %get3A_1 {offsets = [0, 16384], sizes = [16, 16384], strides = [1, 1]} : vector<16x131072xf32> to vector<16x16384xf32>
    %slice3A_3 = vector.extract_strided_slice %get3A_1 {offsets = [0, 32768], sizes = [16, 16384], strides = [1, 1]} : vector<16x131072xf32> to vector<16x16384xf32>
    %slice3A_4 = vector.extract_strided_slice %get3A_1 {offsets = [0, 49152], sizes = [16, 16384], strides = [1, 1]} : vector<16x131072xf32> to vector<16x16384xf32>
    %slice3A_5 = vector.extract_strided_slice %get3A_1 {offsets = [0, 65536], sizes = [16, 16384], strides = [1, 1]} : vector<16x131072xf32> to vector<16x16384xf32>
    %slice3A_6 = vector.extract_strided_slice %get3A_1 {offsets = [0, 81920], sizes = [16, 16384], strides = [1, 1]} : vector<16x131072xf32> to vector<16x16384xf32>
    %slice3A_7 = vector.extract_strided_slice %get3A_1 {offsets = [0, 98304], sizes = [16, 16384], strides = [1, 1]} : vector<16x131072xf32> to vector<16x16384xf32>
    %slice3A_8 = vector.extract_strided_slice %get3A_1 {offsets = [0, 114688], sizes = [16, 16384], strides = [1, 1]} : vector<16x131072xf32> to vector<16x16384xf32>
    %concatenate3A = tpu.concatenate %slice3A, %slice3A_2, %slice3A_3, %slice3A_4, %slice3A_5, %slice3A_6, %slice3A_7, %slice3A_8 in 0 : vector<16x16384xf32>, vector<16x16384xf32>, vector<16x16384xf32>, vector<16x16384xf32>, vector<16x16384xf32>, vector<16x16384xf32>, vector<16x16384xf32>, vector<16x16384xf32> -> vector<128x16384xf32>
    %transpose3A = tpu.transpose %concatenate3A, [1, 0] : vector<128x16384xf32> -> vector<16384x128xf32>
    %swap3A = arith.constant 0 : index
    %swap3A_9 = arith.constant 0 : index
    %swap3A_10 = vector.load %arg2[%swap3A, %swap3A_9] : memref<16384x128xf32, #tpu.memory_space<vmem>>, vector<16384x128xf32>
    tpu.vector_store %arg2[%swap3A, %swap3A_9], %transpose3A {strides = array<i32>} : memref<16384x128xf32, #tpu.memory_space<vmem>>, vector<16384x128xf32>,
    return
  }
  func.func @transform_0(%arg0: i32) -> (i32, i32) {
    %c0_i32 = arith.constant 0 : i32
    %c0_i32_0 = arith.constant 0 : i32
    return %c0_i32, %arg0 : i32, i32
  }
  func.func @transform_1(%arg0: i32) -> (i32, i32) {
    %c0_i32 = arith.constant 0 : i32
    %c0_i32_0 = arith.constant 0 : i32
    return %arg0, %c0_i32 : i32, i32
  }
}

module attributes {stable_mosaic.version = 14 : i64} {
  func.func @body(%arg0: i32, %arg1: memref<102400xi32, #tpu.memory_space<vmem>>, %arg2: memref<102400xi32, #tpu.memory_space<vmem>>) attributes {dimension_semantics = [#tpu.dimension_semantics<arbitrary>], iteration_bounds = array<i64: 8>, scalar_prefetch = 0 : i64, scratch_operands = 0 : i64, tpu.core_type = #tpu.core_type<tc>, window_params = [{transform_indices = @transform_0, window_bounds = array<i64: 102400>}, {transform_indices = @transform_1, window_bounds = array<i64: 102400>}]} {
    %get3A = arith.constant 0 : index
    %get3A_0 = vector.load %arg1[%get3A] : memref<102400xi32, #tpu.memory_space<vmem>>, vector<102400xi32>
    %and3A = arith.constant -131072 : i32
    %and3A_1 = vector.broadcast %and3A : i32 to vector<102400xi32>
    %and3A_2 = arith.andi %get3A_0, %and3A_1 : vector<102400xi32>
    %and3A_3 = arith.constant 16383 : i32
    %and3A_4 = vector.broadcast %and3A_3 : i32 to vector<102400xi32>
    %and3A_5 = arith.andi %get3A_0, %and3A_4 : vector<102400xi32>
    %shift_left3A = arith.constant 3 : i32
    %shift_left3A_6 = vector.broadcast %shift_left3A : i32 to vector<102400xi32>
    %shift_left3A_7 = arith.shli %and3A_5, %shift_left3A_6 : vector<102400xi32>
    %or3A = arith.ori %and3A_2, %shift_left3A_7 : vector<102400xi32>
    %shift_right_arithmetic3A = arith.constant 14 : i32
    %shift_right_arithmetic3A_8 = vector.broadcast %shift_right_arithmetic3A : i32 to vector<102400xi32>
    %shift_right_arithmetic3A_9 = arith.shrsi %get3A_0, %shift_right_arithmetic3A_8 : vector<102400xi32>
    %and3A_10 = arith.constant 7 : i32
    %and3A_11 = vector.broadcast %and3A_10 : i32 to vector<102400xi32>
    %and3A_12 = arith.andi %shift_right_arithmetic3A_9, %and3A_11 : vector<102400xi32>
    %or3A_13 = arith.ori %or3A, %and3A_12 : vector<102400xi32>
    %swap3A = arith.constant 0 : index
    %swap3A_14 = vector.load %arg2[%swap3A] : memref<102400xi32, #tpu.memory_space<vmem>>, vector<102400xi32>
    tpu.vector_store %arg2[%swap3A], %or3A_13 {strides = array<i32>} : memref<102400xi32, #tpu.memory_space<vmem>>, vector<102400xi32>,
    return
  }
  func.func @transform_0(%arg0: i32) -> i32 {
    %c0_i32 = arith.constant 0 : i32
    return %arg0 : i32
  }
  func.func @transform_1(%arg0: i32) -> i32 {
    %c0_i32 = arith.constant 0 : i32
    return %arg0 : i32
  }
}

</mosaic_0001>

<sc_bundles>
// kernel: kernel.5.cloned.1.call-start
scs
__scs_entry_jumppad:
0x0: {  	(pc) =	sbr.rel $0x88, $3  }
0x1: {  	(tag) =	ssettag $0x0;
	lr =	simm.s32 $0x1  }
0x2: {  	[smem:$0x3F9F] =	sst lr;
	_ =	strace $0xD0000000  }
0x3: {  	_ = 	snop  }
0x4: {  	_ = 	snop  }
0x5: {  	_ = 	snop  }
0x6: {  	_ = 	snop  }
0x7: {  	_ = 	snop  }
__scs_overlays_trampoline_lowered:
0x8: {  	[smem:$0x3FAE] =	sst s0  }
0x9: {  	[smem:$0x3FAF] =	sst s1  }
0xa: {  	[smem:$0x3FB0] =	sst s2  }
0xb: {  	[smem:$0x3FB1] =	sst s3  }
0xc: {  	[smem:$0x3FB2] =	sst s4  }
0xd: {  	[smem:$0x3FB3] =	sst s5  }
0xe: {  	[smem:$0x3FB4] =	sst s6  }
0xf: {  	[smem:$0x3FB5] =	sst s7  }
0x10: {  	[smem:$0x3FB6] =	sst s8  }
0x11: {  	[smem:$0x3FB7] =	sst s9;
	s0 =	simm.s32 @!p0 $0x0  }
0x12: {  	s1 =	sld [smem:$0x3F9D];
	s0 =	simm.s32 @p0 $0x1  }
0x13: {  	[smem:$0x3FB8] =	sst s0;
	s0 =	simm.s32 @!p1 $0x0  }
0x14: {  	s2 =	sld [smem:$0x3F9C];
	s0 =	simm.s32 @p1 $0x1  }
0x15: {  	[smem:$0x3FB9] =	sst s0;
	s0 =	simm.s32 @!p2 $0x0  }
0x16: {  	s3 =	sld [smem:$0x3FDB];
	s0 =	simm.s32 @p2 $0x1  }
0x17: {  	s4 =	simm.s32 $0x1BF5;
	[smem:$0x3FBB] =	sst s0  }
0x18: {  	s0 =	sld [smem:$0x3F9E];
	_ =	swait.ge [sflag:s4], $0x0  }
0x19: {  	s7 =	sld [smem:$0x3F9F]  }
0x1a: {  	s8 =	sadd.s32 $0xFFFFE003, lr  }
0x1b: {  	s9 =	sadd.s32 $0xFFFFFEF7, lr;
	s5 =	simm.s32 $0xFFFFFFFF;
	p2 =	slt.u32 s8, $0xFFFFF086  }
0x1c: {  	p1 =	slt.u32 s9, $0xF7A;
	s5 =	simm.s32 @!p2 $0x0  }
0x1d: {  	s5 =	simm.s32 @p1 $0x1;
	p0 =	seq.s32 s7, s2  }
0x1e: {  	s7 =	smul.u32 @!p0 $0xF7A, s2;
	p2 =	seq.s32 @!p0 s5, $0x0  }
0x1f: {  	s9 =	smul.u32 $0xF7A, s1;
	s8 =	simm.s32 @!p0 $0x1BF5;
	p2 =	por !p2, p0  }
0x20: {  	[sflag:s8] =	ssyncset.s32 @!p0 $0xFFFFF086;
	s6 =	sadd.s32 @!p0 s3, s7;
	s7 =	simm.s32 @!p0 $0x108  }
0x21: {  	s3 =	sadd.s32 s3, s9;
	s6 =	sadd.s32 @!p0 $0x88, s6;
	s7 =	simm.s32 @p2 $0x1082  }
0x22: {  	[simem:s7], [sflag:s8] =	dma.local @!p0 [hbm:s6], $0xF7A  }
0x23: {  	s9 =	sor.u32 $0xD0000000, s2;
	s6 =	simm.s32 $0x108;
	_ =	swait.ge @!p0 [sflag:s8], $0x0  }
0x24: {  	s3 =	sadd.s32 $0x88, s3;
	s6 =	simm.s32 @!p1 $0x1082;
	[sflag:s4] =	ssyncset.s32 $0xFFFFF086  }
0x25: {  	[simem:s6], [sflag:s4] =	dma.local [hbm:s3], $0xF7A  }
0x26: {  	[smem:$0x3F9F] =	sst s1;
	(tag) =	ssettag s2;
	_ =	strace s9  }
0x27: {  	s1 =	sld [smem:$0x3FAF]  }
0x28: {  	s2 =	sld [smem:$0x3FB0]  }
0x29: {  	s4 =	sld [smem:$0x3FB2]  }
0x2a: {  	p0 =	seq.s32 s5, $0x0;
	s5 =	sld [smem:$0x3FB3]  }
0x2b: {  	s6 =	sld [smem:$0x3FB4]  }
0x2c: {  	s7 =	sld [smem:$0x3FB5]  }
0x2d: {  	s3 =	simm.s32 $0x108;
	s8 =	sld [smem:$0x3FB6]  }
0x2e: {  	s3 =	simm.s32 @!p0 $0x1082;
	s9 =	sld [smem:$0x3FB7]  }
0x2f: {  	lr =	sadd.s32 s0, s3;
	s0 =	sld [smem:$0x3FAE]  }
0x30: {  	s3 =	sld [smem:$0x3FB1]  }
0x31: {  	[smem:$0x3FBA] =	sst s10  }
0x32: {  	s10 =	sld [smem:$0x3FB8];
	_ =	sdelay $0x3  }
0x33: {  	p0 =	seq.s32 s10, $0x1;
	s10 =	sld [smem:$0x3FBA];
	_ =	sdelay $0x3  }
0x34: {  	[smem:$0x3FBA] =	sst s10  }
0x35: {  	s10 =	sld [smem:$0x3FB9];
	_ =	sdelay $0x3  }
0x36: {  	p1 =	seq.s32 s10, $0x1;
	s10 =	sld [smem:$0x3FBA];
	_ =	sdelay $0x3  }
0x37: {  	[smem:$0x3FBA] =	sst s10  }
0x38: {  	s10 =	sld [smem:$0x3FBB]  }
0x39: {  	_ = 	snop;
	(pc) =	sbr.ind lr, $3  }
0x3a: {  	_ = 	snop  }
0x3b: {  	_ = 	snop  }
0x3c: {  	p2 =	seq.s32 s10, $0x1;
	s10 =	sld [smem:$0x3FBA]  }
0x3d: {  	_ =	shalt  }
0x3e: {  	_ =	shalt  }
0x3f: {  	_ =	shalt  }
0x40: {  	_ =	shalt  }
0x41: {  	_ =	shalt  }
0x42: {  	_ =	shalt  }
0x43: {  	_ =	shalt  }
0x44: {  	_ =	shalt  }
0x45: {  	_ =	shalt  }
0x46: {  	_ =	shalt  }
0x47: {  	_ =	shalt  }
0x48: {  	_ =	shalt  }
0x49: {  	_ =	shalt  }
0x4a: {  	_ =	shalt  }
0x4b: {  	_ =	shalt  }
0x4c: {  	_ =	shalt  }
0x4d: {  	_ =	shalt  }
0x4e: {  	_ =	shalt  }
0x4f: {  	_ =	shalt  }
0x50: {  	_ =	shalt  }
0x51: {  	_ =	shalt  }
0x52: {  	_ =	shalt  }
0x53: {  	_ =	shalt  }
0x54: {  	_ =	shalt  }
0x55: {  	_ =	shalt  }
0x56: {  	_ =	shalt  }
0x57: {  	_ =	shalt  }
0x58: {  	_ =	shalt  }
0x59: {  	_ =	shalt  }
0x5a: {  	_ =	shalt  }
0x5b: {  	_ =	shalt  }
0x5c: {  	_ =	shalt  }
0x5d: {  	_ =	shalt  }
0x5e: {  	_ =	shalt  }
0x5f: {  	_ =	shalt  }
0x60: {  	_ =	shalt  }
0x61: {  	_ =	shalt  }
0x62: {  	_ =	shalt  }
0x63: {  	_ =	shalt  }
0x64: {  	_ =	shalt  }
0x65: {  	_ =	shalt  }
0x66: {  	_ =	shalt  }
0x67: {  	_ =	shalt  }
0x68: {  	_ =	shalt  }
0x69: {  	_ =	shalt  }
0x6a: {  	_ =	shalt  }
0x6b: {  	_ =	shalt  }
0x6c: {  	_ =	shalt  }
0x6d: {  	_ =	shalt  }
0x6e: {  	_ =	shalt  }
0x6f: {  	_ =	shalt  }
0x70: {  	_ =	shalt  }
0x71: {  	_ =	shalt  }
0x72: {  	_ =	shalt  }
0x73: {  	_ =	shalt  }
0x74: {  	_ =	shalt  }
0x75: {  	_ =	shalt  }
0x76: {  	_ =	shalt  }
0x77: {  	_ =	shalt  }
0x78: {  	_ =	shalt  }
0x79: {  	_ =	shalt  }
0x7a: {  	_ =	shalt  }
0x7b: {  	_ =	shalt  }
0x7c: {  	_ =	shalt  }
0x7d: {  	_ =	shalt  }
0x7e: {  	_ =	shalt  }
0x7f: {  	_ =	shalt  }
0x80: {  	_ =	shalt  }
0x81: {  	_ =	shalt  }
0x82: {  	_ =	shalt  }
0x83: {  	_ =	shalt  }
0x84: {  	_ =	shalt  }
0x85: {  	_ =	shalt  }
0x86: {  	_ =	shalt  }
0x87: {  	_ =	shalt  }
.Lfunc_end0:
.L_simem_size_0:
called_computation_lowered:
.L_overlay_start_0:
0x88: {  	s2 =	sld [smem:$0x3FD9]  }
0x89: {  	s3 =	sld [smem:$0x3FFE];
	_ =	sdelay $0x1  }
0x8a: {  	s1 =	srdreg.scid  }
0x8b: {  	s0 =	sand.u32 $0x1, s1  }
0x8c: {  	s17 =	sshll.u32 s0, $0xA;
	s2 =	sadd.s32 s3, s2  }
0x8d: {  	s2 =	sadd.s32 s2, s17  }
0x8e: {  	[smem:$0x3FC6] =	sst s2  }
0x8f: {  	_ = 	snop  }
0x90: {  	s2 =	sld [smem:$0x3FD0];
	(tm) =	ssettm $0x1  }
0x91: {  	s18 =	sld [smem:$0x3FFB];
	_ =	sdelay $0x3  }
0x92: {  	_ =	strace s18  }
0x93: {  	s3 =	sld [smem:$0x3FFC];
	_ =	sdelay $0x3  }
0x94: {  	_ =	strace s3  }
0x95: {  	s3 =	sld [smem:$0x3FFD];
	_ =	sdelay $0x3  }
0x96: {  	_ =	strace s3  }
0x97: {  	_ =	strace $0x8FFFFFFF  }
0x98: {  	s19 =	sld [smem:$0x3FDB];
	_ =	sdelay $0x1  }
0x99: {  	s4 =	simm.s32 $_scs_section_size  }
0x9a: {  	s5 =	simm.s32 $_size__tile_overlayer_lowered;
	s6 =	simm.s32 $_tile_overlayer_lowered  }
0x9b: {  	s22 =	simm.s32 $0x1BFF;
	s21 =	sshll.u32 s6, $0x1;
	s3 =	sadd.s32 s4, s19  }
0x9c: {  	s7 =	simm.s32 $0x0;
	s20 =	sshll.u32 s5, $0x1;
	s5 =	sadd.s32 s21, s3  }
0x9d: {  	[timem:s7], [sflag:s22] =	dma.local [hbm:s5], s20  }
0x9e: {  	_ =	swait.ge [sflag:s22], s20  }
0x9f: {  	s4 =	ssub.s32 $0x0, s20;
	[sflag:s22] =	ssyncset.done $0x0  }
0xa0: {  	[sflag:s22] =	ssyncadd.s32 s4;
	_ =	sdelay $0x1  }
0xa1: {  	s23 =	simm.s32 $0x1B8B  }
0xa2: {  	_ =	swait.ge [sflag:s23], $0x1  }
0xa3: {  	[sflag:s23] =	ssyncset.done $0x0  }
0xa4: {  	s25 =	simm.s32 $0x1B8E;
	s24 =	sld [smem:$0x3FFE];
	[sflag:s23] =	ssyncadd.s32 $0xFFFFFFFF  }
0xa5: {  	s26 =	simm.s32 $execute0_lowered;
	[smem:$0x3FD2] =	sst s25  }
0xa6: {  	s5 =	sshll.u32 s26, $0x1;
	_ =	strace $0x80000046;
	[dreg:$0x1] =	wrdreg $0xFFFFFFFF  }
0xa7: {  	s28 =	simm.s32 $_size_execute0_lowered;
	s3 =	sadd.s32 s3, s5;
	[dreg:$0x0] =	wrdreg $0x0  }
0xa8: {  	s5 =	sshll.u32 s28, $0x1;
	[dreg:$0x2] =	wrdreg s3  }
0xa9: {  	[dreg:$0x3] =	wrdreg s5  }
0xaa: {  	[dreg:$0x4] =	wrdreg $0xC0  }
0xab: {  	_ =	task [dreg:s7], $0x5FFFF  }
0xac: {  	[dreg:$0x1] =	wrdreg $0xFFFFFFFF  }
0xad: {  	[dreg:$0x0] =	wrdreg $0x60  }
0xae: {  	[dreg:$0x2] =	wrdreg s24  }
0xaf: {  	[dreg:$0x3] =	wrdreg s2  }
0xb0: {  	[dreg:$0x4] =	wrdreg $0x9  }
0xb1: {  	_ =	task.clear_ibuf [dreg:s7], $0x5FFFF;
	_ =	strace $0x90000046  }
0xb2: {  	s29 =	simm.s32 $0x9;
	_ =	strace $0x80000048  }
0xb3: {  	_ =	swait.ge [sflag:s29], $0x1  }
0xb4: {  	[sflag:s29] =	ssyncadd.s32 $0xFFFFFFFF  }
0xb5: {  	_ =	strace $0x90000048  }
0xb6: {  	_ =	sfence  }
0xb7: {  	s30 =	sld [smem:$0x0];
	_ =	sdelay $0x2  }
0xb8: {  	s31 =	sshll.u32 s1, $0xD;
	s1 =	sshrl.u32 s1, $0x2  }
0xb9: {  	s3 =	sand.u32 $0x4000, s31;
	s1 =	sadd.s32 s1, s30  }
0xba: {  	s0 =	sor.u32 s3, s0;
	s1 =	sshll.u32 s1, $0x11  }
0xbb: {  	s0 =	sor.u32 s1, s0  }
0xbc: {  	s0 =	sadd.s32 $0x8F2B, s0  }
0xbd: {  	[sflag:s0] =	ssyncadd.remote.s32 $0x1  }
0xbe: {  	_ =	sfence.sel $0xFFFF  }
0xbf: {  	[dreg:$0x0] =	wrdreg $0xFFFFFFFF;
	(pc) =	sbr.abs _section_cstart, $3  }
0xc0: {  	[dreg:$0x1] =	wrdreg $0xFFFFFFFF  }
0xc1: {  	_ =	task.clear_ibuf [dreg:s7], $0x2FFFF;
	_ =	strace $0x9FFFFFFF  }
0xc2: {  	(tm) =	ssettm $0x7FFFFFFF  }
0xc3: {  	_ =	shalt  }
tec
execute0_lowered:
.L_overlay_start_1:
0x0: {  	(tag) =	ssettag $0x1  }
0x1: {  	v0 =	vimm.s32 $0x25B8;
	vm14 =	vcmask $0x300  }
0x2: {  	v1 =	vimm.s32 $0x29F8;
	vm13 =	vcmask $0x704;
	vm12 =	vcmask $0xB08  }
0x3: {  	vm11 =	vcmask $0xF0C;
	vm10 =	vcmask $0x1310;
	vm9 =	vcmask $0x1714  }
0x4: {  	vm8 =	vcmask $0x1B18;
	vm7 =	vcmask $0x1F1C;
	vm6 =	vcmask $0x2320  }
0x5: {  	vm5 =	vcmask $0x2724;
	vm4 =	vcmask $0x2B28;
	vm3 =	vcmask $0x2F2C  }
0x6: {  	vm2 =	vcmask $0x3330;
	vm1 =	vcmask $0x3734;
	vm0 =	vcmask $0x3B38  }
0x7: {  	v2 =	vimm.s32 $0x2E38;
	v3 =	vimm.s32 $0x3278;
	v4 =	vimm.s32 $0x36B8  }
0x8: {  	v5 =	vimm.s32 $0x3AF8;
	v6 =	vimm.s32 $0x3F38;
	v7 =	vimm.s32 $0x4378  }
0x9: {  	v0 =	vsel vm14, $0x0, v0;
	v1 =	vsel vm14, $0x440, v1;
	v2 =	vsel vm14, $0x880, v2  }
0xa: {  	v3 =	vsel vm14, $0xCC0, v3;
	v4 =	vsel vm14, $0x1100, v4;
	v5 =	vsel vm14, $0x1540, v5  }
0xb: {  	v6 =	vsel vm14, $0x1980, v6;
	v7 =	vsel vm14, $0x1DC0, v7;
	v0 =	vsel vm13, $0x88, v0  }
0xc: {  	v1 =	vsel vm13, $0x4C8, v1;
	v2 =	vsel vm13, $0x908, v2;
	v3 =	vsel vm13, $0xD48, v3  }
0xd: {  	v4 =	vsel vm13, $0x1188, v4;
	v5 =	vsel vm13, $0x15C8, v5;
	v6 =	vsel vm13, $0x1A08, v6  }
0xe: {  	v7 =	vsel vm13, $0x1E48, v7;
	v0 =	vsel vm12, $0x110, v0;
	v1 =	vsel vm12, $0x550, v1  }
0xf: {  	v2 =	vsel vm12, $0x990, v2;
	v3 =	vsel vm12, $0xDD0, v3;
	v4 =	vsel vm12, $0x1210, v4  }
0x10: {  	v5 =	vsel vm12, $0x1650, v5;
	v6 =	vsel vm12, $0x1A90, v6;
	v7 =	vsel vm12, $0x1ED0, v7  }
0x11: {  	v0 =	vsel vm11, $0x198, v0;
	v1 =	vsel vm11, $0x5D8, v1;
	v2 =	vsel vm11, $0xA18, v2  }
0x12: {  	v3 =	vsel vm11, $0xE58, v3;
	v4 =	vsel vm11, $0x1298, v4;
	v5 =	vsel vm11, $0x16D8, v5  }
0x13: {  	v6 =	vsel vm11, $0x1B18, v6;
	v7 =	vsel vm11, $0x1F58, v7;
	v0 =	vsel vm10, $0x220, v0  }
0x14: {  	v1 =	vsel vm10, $0x660, v1;
	v2 =	vsel vm10, $0xAA0, v2;
	v3 =	vsel vm10, $0xEE0, v3  }
0x15: {  	v4 =	vsel vm10, $0x1320, v4;
	v5 =	vsel vm10, $0x1760, v5;
	v6 =	vsel vm10, $0x1BA0, v6  }
0x16: {  	v7 =	vsel vm10, $0x1FE0, v7;
	v0 =	vsel vm9, $0x2A8, v0;
	v1 =	vsel vm9, $0x6E8, v1  }
0x17: {  	v2 =	vsel vm9, $0xB28, v2;
	v3 =	vsel vm9, $0xF68, v3;
	v4 =	vsel vm9, $0x13A8, v4  }
0x18: {  	v5 =	vsel vm9, $0x17E8, v5;
	v6 =	vsel vm9, $0x1C28, v6;
	v7 =	vsel vm9, $0x2068, v7  }
0x19: {  	v0 =	vsel vm8, $0x330, v0;
	v1 =	vsel vm8, $0x770, v1;
	v2 =	vsel vm8, $0xBB0, v2  }
0x1a: {  	v3 =	vsel vm8, $0xFF0, v3;
	v4 =	vsel vm8, $0x1430, v4;
	v5 =	vsel vm8, $0x1870, v5  }
0x1b: {  	v6 =	vsel vm8, $0x1CB0, v6;
	v7 =	vsel vm8, $0x20F0, v7;
	v0 =	vsel vm7, $0x3B8, v0  }
0x1c: {  	v1 =	vsel vm7, $0x7F8, v1;
	v2 =	vsel vm7, $0xC38, v2;
	v3 =	vsel vm7, $0x1078, v3  }
0x1d: {  	v4 =	vsel vm7, $0x14B8, v4;
	v5 =	vsel vm7, $0x18F8, v5;
	v6 =	vsel vm7, $0x1D38, v6  }
0x1e: {  	v7 =	vsel vm7, $0x2178, v7;
	v0 =	vsel vm6, $0x2200, v0;
	v1 =	vsel vm6, $0x2640, v1  }
0x1f: {  	v2 =	vsel vm6, $0x2A80, v2;
	v3 =	vsel vm6, $0x2EC0, v3;
	v4 =	vsel vm6, $0x3300, v4  }
0x20: {  	v5 =	vsel vm6, $0x3740, v5;
	v6 =	vsel vm6, $0x3B80, v6;
	v7 =	vsel vm6, $0x3FC0, v7  }
0x21: {  	v0 =	vsel vm5, $0x2288, v0;
	v1 =	vsel vm5, $0x26C8, v1;
	v2 =	vsel vm5, $0x2B08, v2  }
0x22: {  	v3 =	vsel vm5, $0x2F48, v3;
	v4 =	vsel vm5, $0x3388, v4;
	v5 =	vsel vm5, $0x37C8, v5  }
0x23: {  	v6 =	vsel vm5, $0x3C08, v6;
	v7 =	vsel vm5, $0x4048, v7;
	v0 =	vsel vm4, $0x2310, v0  }
0x24: {  	s6 =	rddreg [dreg:$0x0];
	v1 =	vsel vm4, $0x2750, v1;
	v2 =	vsel vm4, $0x2B90, v2;
	v3 =	vsel vm4, $0x2FD0, v3  }
0x25: {  	s1 =	srdreg.scid;
	s0 =	stileid.u32;
	v4 =	vsel vm4, $0x3410, v4;
	v5 =	vsel vm4, $0x3850, v5;
	v6 =	vsel vm4, $0x3C90, v6  }
0x26: {  	s2 =	rddreg [dreg:$0x1];
	s3 =	simm.s32 $0x0;
	s12 =	simm.s32 $0x5;
	v7 =	vsel vm4, $0x40D0, v7;
	v0 =	vsel vm3, $0x2398, v0;
	v1 =	vsel vm3, $0x27D8, v1  }
0x27: {  	s13 =	simm.s32 $0x400;
	s14 =	simm.s32 $0x800;
	s15 =	simm.s32 $0x4800;
	v2 =	vsel vm3, $0x2C18, v2;
	v3 =	vsel vm3, $0x3058, v3;
	v4 =	vsel vm3, $0x3498, v4  }
0x28: {  	s16 =	simm.s32 $0x1;
	s17 =	simm.s32 $0x8800;
	s18 =	simm.s32 $0x2;
	v5 =	vsel vm3, $0x38D8, v5;
	v6 =	vsel vm3, $0x3D18, v6;
	v7 =	vsel vm3, $0x4158, v7  }
0x29: {  	s19 =	simm.s32 $0xCC00;
	s20 =	simm.s32 $0x3;
	s21 =	simm.s32 $0x4;
	v0 =	vsel vm2, $0x2420, v0;
	v1 =	vsel vm2, $0x2860, v1;
	v2 =	vsel vm2, $0x2CA0, v2  }
0x2a: {  	s7 =	sand.u32 $0x1, s1;
	s4 =	sshll.u32 s0, $0x1;
	s1 =	rddreg [dreg:$0x2];
	v3 =	vsel vm2, $0x30E0, v3;
	v4 =	vsel vm2, $0x3520, v4;
	v5 =	vsel vm2, $0x3960, v5  }
0x2b: {  	s22 =	simm.s32 $0x0;
	[smem:$0x7FF] =	sst s3;
	s4 =	sor.u32 s7, s4;
	v6 =	vsel vm2, $0x3DA0, v6;
	v7 =	vsel vm2, $0x41E0, v7;
	v0 =	vsel vm1, $0x24A8, v0  }
0x2c: {  	s5 =	sadd.s32 $0x800, s6;
	s7 =	ssub.s32 $0x2, s7;
	s4 =	smul.u32 $0x6400, s4;
	v1 =	vsel vm1, $0x28E8, v1;
	v2 =	vsel vm1, $0x2D28, v2;
	v3 =	vsel vm1, $0x3168, v3  }
0x2d: {  	s6 =	sadd.s32 $0x19800, s6;
	_ =	strace $0x80000047;
	s9 =	sshrl.u32 s7, $0x1;
	v4 =	vsel vm1, $0x35A8, v4;
	v5 =	vsel vm1, $0x39E8, v5;
	v6 =	vsel vm1, $0x3E28, v6  }
0x2e: {  	s11 =	ssub.s32 s7, s9;
	s8 =	sadd.s32 $0x6000, s4;
	s31 =	sadd.s32 s4, s2;
	v7 =	vsel vm1, $0x4268, v7;
	v0 =	vsel vm0, $0x2530, v0;
	v1 =	vsel vm0, $0x2970, v1  }
0x2f: {  	s10 =	sshrl.u32 s8, $0x3;
	s8 =	sadd.s32 s2, s8;
	s9 =	sadd.s32 $0xCE000, s31;
	v2 =	vsel vm0, $0x2DB0, v2;
	v3 =	vsel vm0, $0x31F0, v3;
	v4 =	vsel vm0, $0x3630, v4  }
0x30: {  	s7 =	sadd.s32 s5, s10;
	s10 =	smax.u32 s11, $0x1;
	s11 =	sadd.s32 $0xC8000, s2;
	v5 =	vsel vm0, $0x3A70, v5;
	v6 =	vsel vm0, $0x3EB0, v6;
	v7 =	vsel vm0, $0x42F0, v7  }
.LBB2_1:
0x31: {  	s23 =	simm.s32 $0x0  }
.LBB2_2:
0x32: {  	s24 =	sshll.u32 s23, $0xB  }
0x33: {  	s25 =	sadd.s32 s4, s24  }
0x34: {  	s24 =	sshrl.u32 s25, $0x3  }
0x35: {  	s26 =	simm.s32 $0x0;
	s24 =	sadd.s32 s5, s24  }
0x36: {  	[tilespmem:s26], [sflag:$0x5] =	stream.linear.gather [hbm4b:s24+s26], $0x400, $0x38;
	[tilespmem:$0x11000] =	vst v63  }
0x37: {  	_ =	swait.ge [sflag:s12], $0x400  }
0x38: {  	s24 =	sadd.s32 $0x400, s25;
	[sflag:s12] =	ssyncset.done $0x0  }
0x39: {  	s28 =	sshrl.u32 s24, $0x3;
	[sflag:s12] =	ssyncadd.s32 $0xFFFFFC00  }
0x3a: {  	[tilespmem:s14], [sflag:$0x1] =	stream.indirect.gather [hbm4b:s6+s13], $0x10, s26, s13, $0xb8;
	[tilespmem:$0x11000] =	vst v63  }
0x3b: {  	s28 =	sadd.s32 s5, s28  }
0x3c: {  	[tilespmem:s13], [sflag:$0x5] =	stream.linear.gather [hbm4b:s28+s26], $0x400, $0x38;
	[tilespmem:$0x11000] =	vst v63  }
0x3d: {  	_ =	swait.ge [sflag:s12], $0x400  }
0x3e: {  	[sflag:s12] =	ssyncset.done $0x0  }
0x3f: {  	[sflag:s12] =	ssyncadd.s32 $0xFFFFFC00  }
0x40: {  	[tilespmem:s15], [sflag:$0x2] =	stream.indirect.gather [hbm4b:s6+s13], $0x10, s13, s13, $0xb8;
	[tilespmem:$0x11000] =	vst v63  }
0x41: {  	_ =	swait.ge [sflag:s16], $0x4000  }
0x42: {  	v8 =	vimm.s32 $0x0;
	[sflag:s16] =	ssyncset.done $0x0  }
0x43: {  	v9 =	vimm.s32 $0x0;
	v10 =	vand.u32 $0xFFFFFFFC, v8;
	s26 =	simm.s32 $0x0;
	s28 =	simm.s32 $0x100;
	[sflag:s16] =	ssyncadd.s32 $0xFFFFC000  }
.LBB2_3:
0x44: {  	p0 =	sne.s32 s28, $0x1F00;
	v11 =	vld [tilespmem:s26+$0x800];
	v10 =	vadd.s32 v0, v10;
	_ =	sdelay $0x4  }
0x45: {  	[tilespmem:v10+s17+$0x0] =	vst.idx.msk $0xffff, v11  }
0x46: {  	v12 =	vor.u32 $0x1, v10;
	v11 =	vld [tilespmem:s26+$0x810];
	_ =	sdelay $0x4  }
0x47: {  	[tilespmem:v12+s17+$0x0] =	vst.idx.msk $0xffff, v11  }
0x48: {  	v12 =	vor.u32 $0x2, v10;
	v11 =	vld [tilespmem:s26+$0x820];
	_ =	sdelay $0x4  }
0x49: {  	[tilespmem:v12+s17+$0x0] =	vst.idx.msk $0xffff, v11  }
0x4a: {  	v12 =	vor.u32 $0x3, v10;
	v11 =	vld [tilespmem:s26+$0x830]  }
.Ltmp0:
0x4b: {  	(pc) =	sbr.rel @p0 .LBB2_3-.Ltmp0, $3  }
0x4c: {  	_ =	sdelay $0x1  }
0x4d: {  	v9 =	vadd.s32 $0x4, v9  }
0x4e: {  	v10 =	vand.u32 $0xFFFFFFFC, v9;
	s26 =	sshra.s32 s28, $0x2;
	s28 =	sadd.s32 $0x100, s28;
	[tilespmem:v12+s17+$0x0] =	vst.idx.msk $0xffff, v11  }
0x4f: {  	v9 =	vld [tilespmem:s26+$0x800];
	v10 =	vadd.s32 v0, v10;
	_ =	sdelay $0x4  }
0x50: {  	[tilespmem:v10+s17+$0x0] =	vst.idx.msk $0xffff, v9  }
0x51: {  	v11 =	vor.u32 $0x1, v10;
	v9 =	vld [tilespmem:s26+$0x810];
	_ =	sdelay $0x4  }
0x52: {  	[tilespmem:v11+s17+$0x0] =	vst.idx.msk $0xffff, v9  }
0x53: {  	v11 =	vor.u32 $0x2, v10;
	v9 =	vld [tilespmem:s26+$0x820];
	_ =	sdelay $0x4  }
0x54: {  	[tilespmem:v11+s17+$0x0] =	vst.idx.msk $0xffff, v9  }
0x55: {  	v10 =	vor.u32 $0x3, v10;
	v9 =	vld [tilespmem:s26+$0x830];
	_ =	sdelay $0x4  }
0x56: {  	s28 =	simm.s32 $0x100;
	s26 =	simm.s32 $0x0;
	[tilespmem:v10+s17+$0x0] =	vst.idx.msk $0xffff, v9;
	v9 =	vand.u32 $0xFFFFFFFC, v8  }
.LBB2_5:
0x57: {  	p0 =	sne.s32 s28, $0x1F00;
	v10 =	vld [tilespmem:s26+$0x1000];
	v9 =	vadd.s32 v1, v9;
	_ =	sdelay $0x4  }
0x58: {  	[tilespmem:v9+s17+$0x0] =	vst.idx.msk $0xffff, v10  }
0x59: {  	v11 =	vor.u32 $0x1, v9;
	v10 =	vld [tilespmem:s26+$0x1010];
	_ =	sdelay $0x4  }
0x5a: {  	[tilespmem:v11+s17+$0x0] =	vst.idx.msk $0xffff, v10  }
0x5b: {  	v11 =	vor.u32 $0x2, v9;
	v10 =	vld [tilespmem:s26+$0x1020];
	_ =	sdelay $0x4  }
0x5c: {  	[tilespmem:v11+s17+$0x0] =	vst.idx.msk $0xffff, v10  }
0x5d: {  	v11 =	vor.u32 $0x3, v9;
	v10 =	vld [tilespmem:s26+$0x1030]  }
.Ltmp1:
0x5e: {  	(pc) =	sbr.rel @p0 .LBB2_5-.Ltmp1, $3  }
0x5f: {  	_ =	sdelay $0x1  }
0x60: {  	v8 =	vadd.s32 $0x4, v8  }
0x61: {  	v9 =	vand.u32 $0xFFFFFFFC, v8;
	s26 =	sshra.s32 s28, $0x2;
	s28 =	sadd.s32 $0x100, s28;
	[tilespmem:v11+s17+$0x0] =	vst.idx.msk $0xffff, v10  }
0x62: {  	v8 =	vld [tilespmem:s26+$0x1000];
	v9 =	vadd.s32 v1, v9;
	_ =	sdelay $0x4  }
0x63: {  	[tilespmem:v9+s17+$0x0] =	vst.idx.msk $0xffff, v8  }
0x64: {  	v10 =	vor.u32 $0x1, v9;
	v8 =	vld [tilespmem:s26+$0x1010];
	_ =	sdelay $0x4  }
0x65: {  	[tilespmem:v10+s17+$0x0] =	vst.idx.msk $0xffff, v8  }
0x66: {  	v10 =	vor.u32 $0x2, v9;
	v8 =	vld [tilespmem:s26+$0x1020];
	_ =	sdelay $0x4  }
0x67: {  	[tilespmem:v10+s17+$0x0] =	vst.idx.msk $0xffff, v8  }
0x68: {  	v9 =	vor.u32 $0x3, v9;
	v10 =	vld [tilespmem:s26+$0x1030];
	_ =	sdelay $0x3  }
0x69: {  	v8 =	vimm.s32 $0x0  }
0x6a: {  	s28 =	simm.s32 $0x100;
	s26 =	simm.s32 $0x0;
	[tilespmem:v9+s17+$0x0] =	vst.idx.msk $0xffff, v10;
	v10 =	vand.u32 $0xFFFFFFFC, v8;
	v9 =	vimm.s32 $0x0  }
.LBB2_7:
0x6b: {  	p0 =	sne.s32 s28, $0x1F00;
	v11 =	vld [tilespmem:s26+$0x1800];
	v10 =	vadd.s32 v2, v10;
	_ =	sdelay $0x4  }
0x6c: {  	[tilespmem:v10+s17+$0x0] =	vst.idx.msk $0xffff, v11  }
0x6d: {  	v12 =	vor.u32 $0x1, v10;
	v11 =	vld [tilespmem:s26+$0x1810];
	_ =	sdelay $0x4  }
0x6e: {  	[tilespmem:v12+s17+$0x0] =	vst.idx.msk $0xffff, v11  }
0x6f: {  	v12 =	vor.u32 $0x2, v10;
	v11 =	vld [tilespmem:s26+$0x1820];
	_ =	sdelay $0x4  }
0x70: {  	[tilespmem:v12+s17+$0x0] =	vst.idx.msk $0xffff, v11  }
0x71: {  	v12 =	vor.u32 $0x3, v10;
	v11 =	vld [tilespmem:s26+$0x1830]  }
.Ltmp2:
0x72: {  	(pc) =	sbr.rel @p0 .LBB2_7-.Ltmp2, $3  }
0x73: {  	_ =	sdelay $0x1  }
0x74: {  	v9 =	vadd.s32 $0x4, v9  }
0x75: {  	v10 =	vand.u32 $0xFFFFFFFC, v9;
	s26 =	sshra.s32 s28, $0x2;
	s28 =	sadd.s32 $0x100, s28;
	[tilespmem:v12+s17+$0x0] =	vst.idx.msk $0xffff, v11  }
0x76: {  	v9 =	vld [tilespmem:s26+$0x1800];
	v10 =	vadd.s32 v2, v10;
	_ =	sdelay $0x4  }
0x77: {  	[tilespmem:v10+s17+$0x0] =	vst.idx.msk $0xffff, v9  }
0x78: {  	v11 =	vor.u32 $0x1, v10;
	v9 =	vld [tilespmem:s26+$0x1810];
	_ =	sdelay $0x4  }
0x79: {  	[tilespmem:v11+s17+$0x0] =	vst.idx.msk $0xffff, v9  }
0x7a: {  	v11 =	vor.u32 $0x2, v10;
	v9 =	vld [tilespmem:s26+$0x1820];
	_ =	sdelay $0x4  }
0x7b: {  	[tilespmem:v11+s17+$0x0] =	vst.idx.msk $0xffff, v9  }
0x7c: {  	v10 =	vor.u32 $0x3, v10;
	v9 =	vld [tilespmem:s26+$0x1830];
	_ =	sdelay $0x4  }
0x7d: {  	s28 =	simm.s32 $0x100;
	s26 =	simm.s32 $0x0;
	[tilespmem:v10+s17+$0x0] =	vst.idx.msk $0xffff, v9;
	v9 =	vand.u32 $0xFFFFFFFC, v8  }
.LBB2_9:
0x7e: {  	p0 =	sne.s32 s28, $0x1F00;
	v10 =	vld [tilespmem:s26+$0x2000];
	v9 =	vadd.s32 v3, v9;
	_ =	sdelay $0x4  }
0x7f: {  	[tilespmem:v9+s17+$0x0] =	vst.idx.msk $0xffff, v10  }
0x80: {  	v11 =	vor.u32 $0x1, v9;
	v10 =	vld [tilespmem:s26+$0x2010];
	_ =	sdelay $0x4  }
0x81: {  	[tilespmem:v11+s17+$0x0] =	vst.idx.msk $0xffff, v10  }
0x82: {  	v11 =	vor.u32 $0x2, v9;
	v10 =	vld [tilespmem:s26+$0x2020];
	_ =	sdelay $0x4  }
0x83: {  	[tilespmem:v11+s17+$0x0] =	vst.idx.msk $0xffff, v10  }
0x84: {  	v11 =	vor.u32 $0x3, v9;
	v10 =	vld [tilespmem:s26+$0x2030]  }
.Ltmp3:
0x85: {  	(pc) =	sbr.rel @p0 .LBB2_9-.Ltmp3, $3  }
0x86: {  	_ =	sdelay $0x1  }
0x87: {  	v8 =	vadd.s32 $0x4, v8  }
0x88: {  	v9 =	vand.u32 $0xFFFFFFFC, v8;
	s26 =	sshra.s32 s28, $0x2;
	s28 =	sadd.s32 $0x100, s28;
	[tilespmem:v11+s17+$0x0] =	vst.idx.msk $0xffff, v10  }
0x89: {  	v8 =	vld [tilespmem:s26+$0x2000];
	v9 =	vadd.s32 v3, v9;
	_ =	sdelay $0x4  }
0x8a: {  	[tilespmem:v9+s17+$0x0] =	vst.idx.msk $0xffff, v8  }
0x8b: {  	v10 =	vor.u32 $0x1, v9;
	v8 =	vld [tilespmem:s26+$0x2010];
	_ =	sdelay $0x4  }
0x8c: {  	[tilespmem:v10+s17+$0x0] =	vst.idx.msk $0xffff, v8  }
0x8d: {  	v10 =	vor.u32 $0x2, v9;
	v8 =	vld [tilespmem:s26+$0x2020];
	_ =	sdelay $0x4  }
0x8e: {  	[tilespmem:v10+s17+$0x0] =	vst.idx.msk $0xffff, v8  }
0x8f: {  	v9 =	vor.u32 $0x3, v9;
	v10 =	vld [tilespmem:s26+$0x2030];
	_ =	sdelay $0x3  }
0x90: {  	v8 =	vimm.s32 $0x0  }
0x91: {  	s28 =	simm.s32 $0x100;
	s26 =	simm.s32 $0x0;
	[tilespmem:v9+s17+$0x0] =	vst.idx.msk $0xffff, v10;
	v10 =	vand.u32 $0xFFFFFFFC, v8;
	v9 =	vimm.s32 $0x0  }
.LBB2_11:
0x92: {  	p0 =	sne.s32 s28, $0x1F00;
	v11 =	vld [tilespmem:s26+$0x2800];
	v10 =	vadd.s32 v4, v10;
	_ =	sdelay $0x4  }
0x93: {  	[tilespmem:v10+s17+$0x0] =	vst.idx.msk $0xffff, v11  }
0x94: {  	v12 =	vor.u32 $0x1, v10;
	v11 =	vld [tilespmem:s26+$0x2810];
	_ =	sdelay $0x4  }
0x95: {  	[tilespmem:v12+s17+$0x0] =	vst.idx.msk $0xffff, v11  }
0x96: {  	v12 =	vor.u32 $0x2, v10;
	v11 =	vld [tilespmem:s26+$0x2820];
	_ =	sdelay $0x4  }
0x97: {  	[tilespmem:v12+s17+$0x0] =	vst.idx.msk $0xffff, v11  }
0x98: {  	v12 =	vor.u32 $0x3, v10;
	v11 =	vld [tilespmem:s26+$0x2830]  }
.Ltmp4:
0x99: {  	(pc) =	sbr.rel @p0 .LBB2_11-.Ltmp4, $3  }
0x9a: {  	_ =	sdelay $0x1  }
0x9b: {  	v9 =	vadd.s32 $0x4, v9  }
0x9c: {  	v10 =	vand.u32 $0xFFFFFFFC, v9;
	s26 =	sshra.s32 s28, $0x2;
	s28 =	sadd.s32 $0x100, s28;
	[tilespmem:v12+s17+$0x0] =	vst.idx.msk $0xffff, v11  }
0x9d: {  	v9 =	vld [tilespmem:s26+$0x2800];
	v10 =	vadd.s32 v4, v10;
	_ =	sdelay $0x4  }
0x9e: {  	[tilespmem:v10+s17+$0x0] =	vst.idx.msk $0xffff, v9  }
0x9f: {  	v11 =	vor.u32 $0x1, v10;
	v9 =	vld [tilespmem:s26+$0x2810];
	_ =	sdelay $0x4  }
0xa0: {  	[tilespmem:v11+s17+$0x0] =	vst.idx.msk $0xffff, v9  }
0xa1: {  	v11 =	vor.u32 $0x2, v10;
	v9 =	vld [tilespmem:s26+$0x2820];
	_ =	sdelay $0x4  }
0xa2: {  	[tilespmem:v11+s17+$0x0] =	vst.idx.msk $0xffff, v9  }
0xa3: {  	v10 =	vor.u32 $0x3, v10;
	v9 =	vld [tilespmem:s26+$0x2830];
	_ =	sdelay $0x4  }
0xa4: {  	s28 =	simm.s32 $0x100;
	s26 =	simm.s32 $0x0;
	[tilespmem:v10+s17+$0x0] =	vst.idx.msk $0xffff, v9;
	v9 =	vand.u32 $0xFFFFFFFC, v8  }
.LBB2_13:
0xa5: {  	p0 =	sne.s32 s28, $0x1F00;
	v10 =	vld [tilespmem:s26+$0x3000];
	v9 =	vadd.s32 v5, v9;
	_ =	sdelay $0x4  }
0xa6: {  	[tilespmem:v9+s17+$0x0] =	vst.idx.msk $0xffff, v10  }
0xa7: {  	v11 =	vor.u32 $0x1, v9;
	v10 =	vld [tilespmem:s26+$0x3010];
	_ =	sdelay $0x4  }
0xa8: {  	[tilespmem:v11+s17+$0x0] =	vst.idx.msk $0xffff, v10  }
0xa9: {  	v11 =	vor.u32 $0x2, v9;
	v10 =	vld [tilespmem:s26+$0x3020];
	_ =	sdelay $0x4  }
0xaa: {  	[tilespmem:v11+s17+$0x0] =	vst.idx.msk $0xffff, v10  }
0xab: {  	v11 =	vor.u32 $0x3, v9;
	v10 =	vld [tilespmem:s26+$0x3030]  }
.Ltmp5:
0xac: {  	(pc) =	sbr.rel @p0 .LBB2_13-.Ltmp5, $3  }
0xad: {  	_ =	sdelay $0x1  }
0xae: {  	v8 =	vadd.s32 $0x4, v8  }
0xaf: {  	v9 =	vand.u32 $0xFFFFFFFC, v8;
	s26 =	sshra.s32 s28, $0x2;
	s28 =	sadd.s32 $0x100, s28;
	[tilespmem:v11+s17+$0x0] =	vst.idx.msk $0xffff, v10  }
0xb0: {  	v8 =	vld [tilespmem:s26+$0x3000];
	v9 =	vadd.s32 v5, v9;
	_ =	sdelay $0x4  }
0xb1: {  	[tilespmem:v9+s17+$0x0] =	vst.idx.msk $0xffff, v8  }
0xb2: {  	v10 =	vor.u32 $0x1, v9;
	v8 =	vld [tilespmem:s26+$0x3010];
	_ =	sdelay $0x4  }
0xb3: {  	[tilespmem:v10+s17+$0x0] =	vst.idx.msk $0xffff, v8  }
0xb4: {  	v10 =	vor.u32 $0x2, v9;
	v8 =	vld [tilespmem:s26+$0x3020];
	_ =	sdelay $0x4  }
0xb5: {  	[tilespmem:v10+s17+$0x0] =	vst.idx.msk $0xffff, v8  }
0xb6: {  	v9 =	vor.u32 $0x3, v9;
	v10 =	vld [tilespmem:s26+$0x3030];
	_ =	sdelay $0x3  }
0xb7: {  	v8 =	vimm.s32 $0x0  }
0xb8: {  	s28 =	simm.s32 $0x100;
	s26 =	simm.s32 $0x0;
	[tilespmem:v9+s17+$0x0] =	vst.idx.msk $0xffff, v10;
	v10 =	vand.u32 $0xFFFFFFFC, v8;
	v9 =	vimm.s32 $0x0  }
.LBB2_15:
0xb9: {  	p0 =	sne.s32 s28, $0x1F00;
	v11 =	vld [tilespmem:s26+$0x3800];
	v10 =	vadd.s32 v6, v10;
	_ =	sdelay $0x4  }
0xba: {  	[tilespmem:v10+s17+$0x0] =	vst.idx.msk $0xffff, v11  }
0xbb: {  	v12 =	vor.u32 $0x1, v10;
	v11 =	vld [tilespmem:s26+$0x3810];
	_ =	sdelay $0x4  }
0xbc: {  	[tilespmem:v12+s17+$0x0] =	vst.idx.msk $0xffff, v11  }
0xbd: {  	v12 =	vor.u32 $0x2, v10;
	v11 =	vld [tilespmem:s26+$0x3820];
	_ =	sdelay $0x4  }
0xbe: {  	[tilespmem:v12+s17+$0x0] =	vst.idx.msk $0xffff, v11  }
0xbf: {  	v12 =	vor.u32 $0x3, v10;
	v11 =	vld [tilespmem:s26+$0x3830]  }
.Ltmp6:
0xc0: {  	(pc) =	sbr.rel @p0 .LBB2_15-.Ltmp6, $3  }
0xc1: {  	_ =	sdelay $0x1  }
0xc2: {  	v9 =	vadd.s32 $0x4, v9  }
0xc3: {  	v10 =	vand.u32 $0xFFFFFFFC, v9;
	s26 =	sshra.s32 s28, $0x2;
	s28 =	sadd.s32 $0x100, s28;
	[tilespmem:v12+s17+$0x0] =	vst.idx.msk $0xffff, v11  }
0xc4: {  	v9 =	vld [tilespmem:s26+$0x3800];
	v10 =	vadd.s32 v6, v10;
	_ =	sdelay $0x4  }
0xc5: {  	[tilespmem:v10+s17+$0x0] =	vst.idx.msk $0xffff, v9  }
0xc6: {  	v11 =	vor.u32 $0x1, v10;
	v9 =	vld [tilespmem:s26+$0x3810];
	_ =	sdelay $0x4  }
0xc7: {  	[tilespmem:v11+s17+$0x0] =	vst.idx.msk $0xffff, v9  }
0xc8: {  	v11 =	vor.u32 $0x2, v10;
	v9 =	vld [tilespmem:s26+$0x3820];
	_ =	sdelay $0x4  }
0xc9: {  	[tilespmem:v11+s17+$0x0] =	vst.idx.msk $0xffff, v9  }
0xca: {  	v10 =	vor.u32 $0x3, v10;
	v9 =	vld [tilespmem:s26+$0x3830];
	_ =	sdelay $0x4  }
0xcb: {  	s28 =	simm.s32 $0x100;
	s26 =	simm.s32 $0x0;
	[tilespmem:v10+s17+$0x0] =	vst.idx.msk $0xffff, v9;
	v9 =	vand.u32 $0xFFFFFFFC, v8  }
.LBB2_17:
0xcc: {  	p0 =	sne.s32 s28, $0x1F00;
	v10 =	vld [tilespmem:s26+$0x4000];
	v9 =	vadd.s32 v7, v9;
	_ =	sdelay $0x4  }
0xcd: {  	[tilespmem:v9+s17+$0x0] =	vst.idx.msk $0xffff, v10  }
0xce: {  	v11 =	vor.u32 $0x1, v9;
	v10 =	vld [tilespmem:s26+$0x4010];
	_ =	sdelay $0x4  }
0xcf: {  	[tilespmem:v11+s17+$0x0] =	vst.idx.msk $0xffff, v10  }
0xd0: {  	v11 =	vor.u32 $0x2, v9;
	v10 =	vld [tilespmem:s26+$0x4020];
	_ =	sdelay $0x4  }
0xd1: {  	[tilespmem:v11+s17+$0x0] =	vst.idx.msk $0xffff, v10  }
0xd2: {  	v11 =	vor.u32 $0x3, v9;
	v10 =	vld [tilespmem:s26+$0x4030]  }
.Ltmp7:
0xd3: {  	(pc) =	sbr.rel @p0 .LBB2_17-.Ltmp7, $3  }
0xd4: {  	_ =	sdelay $0x1  }
0xd5: {  	v8 =	vadd.s32 $0x4, v8  }
0xd6: {  	v9 =	vand.u32 $0xFFFFFFFC, v8;
	s26 =	sshra.s32 s28, $0x2;
	s28 =	sadd.s32 $0x100, s28;
	[tilespmem:v11+s17+$0x0] =	vst.idx.msk $0xffff, v10  }
0xd7: {  	v8 =	vld [tilespmem:s26+$0x4000];
	v9 =	vadd.s32 v7, v9;
	_ =	sdelay $0x4  }
0xd8: {  	[tilespmem:v9+s17+$0x0] =	vst.idx.msk $0xffff, v8  }
0xd9: {  	v10 =	vor.u32 $0x1, v9;
	v8 =	vld [tilespmem:s26+$0x4010];
	_ =	sdelay $0x4  }
0xda: {  	[tilespmem:v10+s17+$0x0] =	vst.idx.msk $0xffff, v8  }
0xdb: {  	v63 =	vor.u32 $0x2, v9;
	v8 =	vld [tilespmem:s26+$0x4020];
	_ =	sdelay $0x4  }
0xdc: {  	[tilespmem:v63+s17+$0x0] =	vst.idx.msk $0xffff, v8  }
0xdd: {  	v9 =	vor.u32 $0x3, v9;
	v8 =	vld [tilespmem:s26+$0x4030];
	_ =	sdelay $0x3  }
0xde: {  	s28 =	simm.s32 $0x8800;
	s26 =	sadd.s32 s2, s25  }
0xdf: {  	s29 =	simm.s32 $0x10;
	s30 =	simm.s32 $0x8888;
	s31 =	sadd.s32 $0x0, s26;
	[tilespmem:v9+s17+$0x0] =	vst.idx.msk $0xffff, v8  }
.LBB2_19:
0xe0: {  	[hbm4b:s31+s3] =	stream.linear.scatter [tilespmem:s28], [sflag:$0x3], $0x80, $0x38;
	[tilespmem:$0x11000] =	vst v63  }
0xe1: {  	s31 =	smov.u32 s29;
	s28 =	smov.u32 s30;
	p0 =	sne.s32 s29, $0x3F0  }
.Ltmp8:
0xe2: {  	s29 =	sadd.s32 $0x10, s29;
	(pc) =	sbr.rel @p0 .LBB2_19-.Ltmp8, $2  }
0xe3: {  	_ =	sdelay $0x2  }
0xe4: {  	s30 =	sadd.s32 $0x88, s30;
	s31 =	sadd.s32 s31, s26  }
0xe5: {  	[hbm4b:s31+s3] =	stream.linear.scatter [tilespmem:s28], [sflag:$0x3], $0x80, $0x38;
	[tilespmem:$0x11000] =	vst v63  }
0xe6: {  	s25 =	sadd.s32 s11, s25;
	s26 =	simm.s32 $0xAA00  }
0xe7: {  	s28 =	simm.s32 $0x10;
	s29 =	simm.s32 $0xAA88;
	s30 =	sadd.s32 $0x0, s25  }
.LBB2_21:
0xe8: {  	[hbm4b:s30+s3] =	stream.linear.scatter [tilespmem:s26], [sflag:$0x3], $0x80, $0x38;
	[tilespmem:$0x11000] =	vst v63  }
0xe9: {  	s30 =	smov.u32 s28;
	s26 =	smov.u32 s29;
	p0 =	sne.s32 s28, $0x3F0  }
.Ltmp9:
0xea: {  	s28 =	sadd.s32 $0x10, s28;
	(pc) =	sbr.rel @p0 .LBB2_21-.Ltmp9, $2  }
0xeb: {  	_ =	sdelay $0x2  }
0xec: {  	s29 =	sadd.s32 $0x88, s29;
	s30 =	sadd.s32 s30, s25  }
0xed: {  	[hbm4b:s30+s3] =	stream.linear.scatter [tilespmem:s26], [sflag:$0x3], $0x80, $0x38;
	[tilespmem:$0x11000] =	vst v63  }
0xee: {  	_ =	swait.ge [sflag:s18], $0x4000  }
0xef: {  	v8 =	vimm.s32 $0x0;
	[sflag:s18] =	ssyncset.done $0x0  }
0xf0: {  	s25 =	simm.s32 $0x0;
	s26 =	simm.s32 $0x100;
	v9 =	vimm.s32 $0x0;
	v10 =	vand.u32 $0xFFFFFFFC, v8;
	[sflag:s18] =	ssyncadd.s32 $0xFFFFC000  }
.LBB2_23:
0xf1: {  	p0 =	sne.s32 s26, $0x1F00;
	v11 =	vld [tilespmem:s25+$0x4800];
	v10 =	vadd.s32 v0, v10;
	_ =	sdelay $0x4  }
0xf2: {  	[tilespmem:v10+s19+$0x0] =	vst.idx.msk $0xffff, v11  }
0xf3: {  	v12 =	vor.u32 $0x1, v10;
	v11 =	vld [tilespmem:s25+$0x4810];
	_ =	sdelay $0x4  }
0xf4: {  	[tilespmem:v12+s19+$0x0] =	vst.idx.msk $0xffff, v11  }
0xf5: {  	v12 =	vor.u32 $0x2, v10;
	v11 =	vld [tilespmem:s25+$0x4820];
	_ =	sdelay $0x4  }
0xf6: {  	[tilespmem:v12+s19+$0x0] =	vst.idx.msk $0xffff, v11  }
0xf7: {  	v12 =	vor.u32 $0x3, v10;
	v11 =	vld [tilespmem:s25+$0x4830]  }
.Ltmp10:
0xf8: {  	(pc) =	sbr.rel @p0 .LBB2_23-.Ltmp10, $3  }
0xf9: {  	_ =	sdelay $0x1  }
0xfa: {  	v9 =	vadd.s32 $0x4, v9  }
0xfb: {  	v10 =	vand.u32 $0xFFFFFFFC, v9;
	s25 =	sshra.s32 s26, $0x2;
	s26 =	sadd.s32 $0x100, s26;
	[tilespmem:v12+s19+$0x0] =	vst.idx.msk $0xffff, v11  }
0xfc: {  	v9 =	vld [tilespmem:s25+$0x4800];
	v10 =	vadd.s32 v0, v10;
	_ =	sdelay $0x4  }
0xfd: {  	[tilespmem:v10+s19+$0x0] =	vst.idx.msk $0xffff, v9  }
0xfe: {  	v11 =	vor.u32 $0x1, v10;
	v9 =	vld [tilespmem:s25+$0x4810];
	_ =	sdelay $0x4  }
0xff: {  	[tilespmem:v11+s19+$0x0] =	vst.idx.msk $0xffff, v9  }
0x100: {  	v11 =	vor.u32 $0x2, v10;
	v9 =	vld [tilespmem:s25+$0x4820];
	_ =	sdelay $0x4  }
0x101: {  	[tilespmem:v11+s19+$0x0] =	vst.idx.msk $0xffff, v9  }
0x102: {  	v10 =	vor.u32 $0x3, v10;
	v9 =	vld [tilespmem:s25+$0x4830];
	_ =	sdelay $0x4  }
0x103: {  	s26 =	simm.s32 $0x100;
	s25 =	simm.s32 $0x0;
	[tilespmem:v10+s19+$0x0] =	vst.idx.msk $0xffff, v9;
	v9 =	vand.u32 $0xFFFFFFFC, v8  }
.LBB2_25:
0x104: {  	p0 =	sne.s32 s26, $0x1F00;
	v10 =	vld [tilespmem:s25+$0x5000];
	v9 =	vadd.s32 v1, v9;
	_ =	sdelay $0x4  }
0x105: {  	[tilespmem:v9+s19+$0x0] =	vst.idx.msk $0xffff, v10  }
0x106: {  	v11 =	vor.u32 $0x1, v9;
	v10 =	vld [tilespmem:s25+$0x5010];
	_ =	sdelay $0x4  }
0x107: {  	[tilespmem:v11+s19+$0x0] =	vst.idx.msk $0xffff, v10  }
0x108: {  	v11 =	vor.u32 $0x2, v9;
	v10 =	vld [tilespmem:s25+$0x5020];
	_ =	sdelay $0x4  }
0x109: {  	[tilespmem:v11+s19+$0x0] =	vst.idx.msk $0xffff, v10  }
0x10a: {  	v11 =	vor.u32 $0x3, v9;
	v10 =	vld [tilespmem:s25+$0x5030]  }
.Ltmp11:
0x10b: {  	(pc) =	sbr.rel @p0 .LBB2_25-.Ltmp11, $3  }
0x10c: {  	_ =	sdelay $0x1  }
0x10d: {  	v8 =	vadd.s32 $0x4, v8  }
0x10e: {  	v9 =	vand.u32 $0xFFFFFFFC, v8;
	s25 =	sshra.s32 s26, $0x2;
	s26 =	sadd.s32 $0x100, s26;
	[tilespmem:v11+s19+$0x0] =	vst.idx.msk $0xffff, v10  }
0x10f: {  	v8 =	vld [tilespmem:s25+$0x5000];
	v9 =	vadd.s32 v1, v9;
	_ =	sdelay $0x4  }
0x110: {  	[tilespmem:v9+s19+$0x0] =	vst.idx.msk $0xffff, v8  }
0x111: {  	v10 =	vor.u32 $0x1, v9;
	v8 =	vld [tilespmem:s25+$0x5010];
	_ =	sdelay $0x4  }
0x112: {  	[tilespmem:v10+s19+$0x0] =	vst.idx.msk $0xffff, v8  }
0x113: {  	v10 =	vor.u32 $0x2, v9;
	v8 =	vld [tilespmem:s25+$0x5020];
	_ =	sdelay $0x4  }
0x114: {  	[tilespmem:v10+s19+$0x0] =	vst.idx.msk $0xffff, v8  }
0x115: {  	v9 =	vor.u32 $0x3, v9;
	v10 =	vld [tilespmem:s25+$0x5030];
	_ =	sdelay $0x3  }
0x116: {  	v8 =	vimm.s32 $0x0  }
0x117: {  	s26 =	simm.s32 $0x100;
	s25 =	simm.s32 $0x0;
	[tilespmem:v9+s19+$0x0] =	vst.idx.msk $0xffff, v10;
	v10 =	vand.u32 $0xFFFFFFFC, v8;
	v9 =	vimm.s32 $0x0  }
.LBB2_27:
0x118: {  	p0 =	sne.s32 s26, $0x1F00;
	v11 =	vld [tilespmem:s25+$0x5800];
	v10 =	vadd.s32 v2, v10;
	_ =	sdelay $0x4  }
0x119: {  	[tilespmem:v10+s19+$0x0] =	vst.idx.msk $0xffff, v11  }
0x11a: {  	v12 =	vor.u32 $0x1, v10;
	v11 =	vld [tilespmem:s25+$0x5810];
	_ =	sdelay $0x4  }
0x11b: {  	[tilespmem:v12+s19+$0x0] =	vst.idx.msk $0xffff, v11  }
0x11c: {  	v12 =	vor.u32 $0x2, v10;
	v11 =	vld [tilespmem:s25+$0x5820];
	_ =	sdelay $0x4  }
0x11d: {  	[tilespmem:v12+s19+$0x0] =	vst.idx.msk $0xffff, v11  }
0x11e: {  	v12 =	vor.u32 $0x3, v10;
	v11 =	vld [tilespmem:s25+$0x5830]  }
.Ltmp12:
0x11f: {  	(pc) =	sbr.rel @p0 .LBB2_27-.Ltmp12, $3  }
0x120: {  	_ =	sdelay $0x1  }
0x121: {  	v9 =	vadd.s32 $0x4, v9  }
0x122: {  	v10 =	vand.u32 $0xFFFFFFFC, v9;
	s25 =	sshra.s32 s26, $0x2;
	s26 =	sadd.s32 $0x100, s26;
	[tilespmem:v12+s19+$0x0] =	vst.idx.msk $0xffff, v11  }
0x123: {  	v9 =	vld [tilespmem:s25+$0x5800];
	v10 =	vadd.s32 v2, v10;
	_ =	sdelay $0x4  }
0x124: {  	[tilespmem:v10+s19+$0x0] =	vst.idx.msk $0xffff, v9  }
0x125: {  	v11 =	vor.u32 $0x1, v10;
	v9 =	vld [tilespmem:s25+$0x5810];
	_ =	sdelay $0x4  }
0x126: {  	[tilespmem:v11+s19+$0x0] =	vst.idx.msk $0xffff, v9  }
0x127: {  	v11 =	vor.u32 $0x2, v10;
	v9 =	vld [tilespmem:s25+$0x5820];
	_ =	sdelay $0x4  }
0x128: {  	[tilespmem:v11+s19+$0x0] =	vst.idx.msk $0xffff, v9  }
0x129: {  	v10 =	vor.u32 $0x3, v10;
	v9 =	vld [tilespmem:s25+$0x5830];
	_ =	sdelay $0x4  }
0x12a: {  	s26 =	simm.s32 $0x100;
	s25 =	simm.s32 $0x0;
	[tilespmem:v10+s19+$0x0] =	vst.idx.msk $0xffff, v9;
	v9 =	vand.u32 $0xFFFFFFFC, v8  }
.LBB2_29:
0x12b: {  	p0 =	sne.s32 s26, $0x1F00;
	v10 =	vld [tilespmem:s25+$0x6000];
	v9 =	vadd.s32 v3, v9;
	_ =	sdelay $0x4  }
0x12c: {  	[tilespmem:v9+s19+$0x0] =	vst.idx.msk $0xffff, v10  }
0x12d: {  	v11 =	vor.u32 $0x1, v9;
	v10 =	vld [tilespmem:s25+$0x6010];
	_ =	sdelay $0x4  }
0x12e: {  	[tilespmem:v11+s19+$0x0] =	vst.idx.msk $0xffff, v10  }
0x12f: {  	v11 =	vor.u32 $0x2, v9;
	v10 =	vld [tilespmem:s25+$0x6020];
	_ =	sdelay $0x4  }
0x130: {  	[tilespmem:v11+s19+$0x0] =	vst.idx.msk $0xffff, v10  }
0x131: {  	v11 =	vor.u32 $0x3, v9;
	v10 =	vld [tilespmem:s25+$0x6030]  }
.Ltmp13:
0x132: {  	(pc) =	sbr.rel @p0 .LBB2_29-.Ltmp13, $3  }
0x133: {  	_ =	sdelay $0x1  }
0x134: {  	v8 =	vadd.s32 $0x4, v8  }
0x135: {  	v9 =	vand.u32 $0xFFFFFFFC, v8;
	s25 =	sshra.s32 s26, $0x2;
	s26 =	sadd.s32 $0x100, s26;
	[tilespmem:v11+s19+$0x0] =	vst.idx.msk $0xffff, v10  }
0x136: {  	v8 =	vld [tilespmem:s25+$0x6000];
	v9 =	vadd.s32 v3, v9;
	_ =	sdelay $0x4  }
0x137: {  	[tilespmem:v9+s19+$0x0] =	vst.idx.msk $0xffff, v8  }
0x138: {  	v10 =	vor.u32 $0x1, v9;
	v8 =	vld [tilespmem:s25+$0x6010];
	_ =	sdelay $0x4  }
0x139: {  	[tilespmem:v10+s19+$0x0] =	vst.idx.msk $0xffff, v8  }
0x13a: {  	v10 =	vor.u32 $0x2, v9;
	v8 =	vld [tilespmem:s25+$0x6020];
	_ =	sdelay $0x4  }
0x13b: {  	[tilespmem:v10+s19+$0x0] =	vst.idx.msk $0xffff, v8  }
0x13c: {  	v9 =	vor.u32 $0x3, v9;
	v10 =	vld [tilespmem:s25+$0x6030];
	_ =	sdelay $0x3  }
0x13d: {  	v8 =	vimm.s32 $0x0  }
0x13e: {  	s26 =	simm.s32 $0x100;
	s25 =	simm.s32 $0x0;
	[tilespmem:v9+s19+$0x0] =	vst.idx.msk $0xffff, v10;
	v10 =	vand.u32 $0xFFFFFFFC, v8;
	v9 =	vimm.s32 $0x0  }
.LBB2_31:
0x13f: {  	p0 =	sne.s32 s26, $0x1F00;
	v11 =	vld [tilespmem:s25+$0x6800];
	v10 =	vadd.s32 v4, v10;
	_ =	sdelay $0x4  }
0x140: {  	[tilespmem:v10+s19+$0x0] =	vst.idx.msk $0xffff, v11  }
0x141: {  	v12 =	vor.u32 $0x1, v10;
	v11 =	vld [tilespmem:s25+$0x6810];
	_ =	sdelay $0x4  }
0x142: {  	[tilespmem:v12+s19+$0x0] =	vst.idx.msk $0xffff, v11  }
0x143: {  	v12 =	vor.u32 $0x2, v10;
	v11 =	vld [tilespmem:s25+$0x6820];
	_ =	sdelay $0x4  }
0x144: {  	[tilespmem:v12+s19+$0x0] =	vst.idx.msk $0xffff, v11  }
0x145: {  	v12 =	vor.u32 $0x3, v10;
	v11 =	vld [tilespmem:s25+$0x6830]  }
.Ltmp14:
0x146: {  	(pc) =	sbr.rel @p0 .LBB2_31-.Ltmp14, $3  }
0x147: {  	_ =	sdelay $0x1  }
0x148: {  	v9 =	vadd.s32 $0x4, v9  }
0x149: {  	v10 =	vand.u32 $0xFFFFFFFC, v9;
	s25 =	sshra.s32 s26, $0x2;
	s26 =	sadd.s32 $0x100, s26;
	[tilespmem:v12+s19+$0x0] =	vst.idx.msk $0xffff, v11  }
0x14a: {  	v9 =	vld [tilespmem:s25+$0x6800];
	v10 =	vadd.s32 v4, v10;
	_ =	sdelay $0x4  }
0x14b: {  	[tilespmem:v10+s19+$0x0] =	vst.idx.msk $0xffff, v9  }
0x14c: {  	v11 =	vor.u32 $0x1, v10;
	v9 =	vld [tilespmem:s25+$0x6810];
	_ =	sdelay $0x4  }
0x14d: {  	[tilespmem:v11+s19+$0x0] =	vst.idx.msk $0xffff, v9  }
0x14e: {  	v11 =	vor.u32 $0x2, v10;
	v9 =	vld [tilespmem:s25+$0x6820];
	_ =	sdelay $0x4  }
0x14f: {  	[tilespmem:v11+s19+$0x0] =	vst.idx.msk $0xffff, v9  }
0x150: {  	v10 =	vor.u32 $0x3, v10;
	v9 =	vld [tilespmem:s25+$0x6830];
	_ =	sdelay $0x4  }
0x151: {  	s26 =	simm.s32 $0x100;
	s25 =	simm.s32 $0x0;
	[tilespmem:v10+s19+$0x0] =	vst.idx.msk $0xffff, v9;
	v9 =	vand.u32 $0xFFFFFFFC, v8  }
.LBB2_33:
0x152: {  	p0 =	sne.s32 s26, $0x1F00;
	v10 =	vld [tilespmem:s25+$0x7000];
	v9 =	vadd.s32 v5, v9;
	_ =	sdelay $0x4  }
0x153: {  	[tilespmem:v9+s19+$0x0] =	vst.idx.msk $0xffff, v10  }
0x154: {  	v11 =	vor.u32 $0x1, v9;
	v10 =	vld [tilespmem:s25+$0x7010];
	_ =	sdelay $0x4  }
0x155: {  	[tilespmem:v11+s19+$0x0] =	vst.idx.msk $0xffff, v10  }
0x156: {  	v11 =	vor.u32 $0x2, v9;
	v10 =	vld [tilespmem:s25+$0x7020];
	_ =	sdelay $0x4  }
0x157: {  	[tilespmem:v11+s19+$0x0] =	vst.idx.msk $0xffff, v10  }
0x158: {  	v11 =	vor.u32 $0x3, v9;
	v10 =	vld [tilespmem:s25+$0x7030]  }
.Ltmp15:
0x159: {  	(pc) =	sbr.rel @p0 .LBB2_33-.Ltmp15, $3  }
0x15a: {  	_ =	sdelay $0x1  }
0x15b: {  	v8 =	vadd.s32 $0x4, v8  }
0x15c: {  	v9 =	vand.u32 $0xFFFFFFFC, v8;
	s25 =	sshra.s32 s26, $0x2;
	s26 =	sadd.s32 $0x100, s26;
	[tilespmem:v11+s19+$0x0] =	vst.idx.msk $0xffff, v10  }
0x15d: {  	v8 =	vld [tilespmem:s25+$0x7000];
	v9 =	vadd.s32 v5, v9;
	_ =	sdelay $0x4  }
0x15e: {  	[tilespmem:v9+s19+$0x0] =	vst.idx.msk $0xffff, v8  }
0x15f: {  	v10 =	vor.u32 $0x1, v9;
	v8 =	vld [tilespmem:s25+$0x7010];
	_ =	sdelay $0x4  }
0x160: {  	[tilespmem:v10+s19+$0x0] =	vst.idx.msk $0xffff, v8  }
0x161: {  	v10 =	vor.u32 $0x2, v9;
	v8 =	vld [tilespmem:s25+$0x7020];
	_ =	sdelay $0x4  }
0x162: {  	[tilespmem:v10+s19+$0x0] =	vst.idx.msk $0xffff, v8  }
0x163: {  	v9 =	vor.u32 $0x3, v9;
	v10 =	vld [tilespmem:s25+$0x7030];
	_ =	sdelay $0x3  }
0x164: {  	v8 =	vimm.s32 $0x0  }
0x165: {  	s26 =	simm.s32 $0x100;
	s25 =	simm.s32 $0x0;
	[tilespmem:v9+s19+$0x0] =	vst.idx.msk $0xffff, v10;
	v10 =	vand.u32 $0xFFFFFFFC, v8;
	v9 =	vimm.s32 $0x0  }
.LBB2_35:
0x166: {  	p0 =	sne.s32 s26, $0x1F00;
	v11 =	vld [tilespmem:s25+$0x7800];
	v10 =	vadd.s32 v6, v10;
	_ =	sdelay $0x4  }
0x167: {  	[tilespmem:v10+s19+$0x0] =	vst.idx.msk $0xffff, v11  }
0x168: {  	v12 =	vor.u32 $0x1, v10;
	v11 =	vld [tilespmem:s25+$0x7810];
	_ =	sdelay $0x4  }
0x169: {  	[tilespmem:v12+s19+$0x0] =	vst.idx.msk $0xffff, v11  }
0x16a: {  	v12 =	vor.u32 $0x2, v10;
	v11 =	vld [tilespmem:s25+$0x7820];
	_ =	sdelay $0x4  }
0x16b: {  	[tilespmem:v12+s19+$0x0] =	vst.idx.msk $0xffff, v11  }
0x16c: {  	v12 =	vor.u32 $0x3, v10;
	v11 =	vld [tilespmem:s25+$0x7830]  }
.Ltmp16:
0x16d: {  	(pc) =	sbr.rel @p0 .LBB2_35-.Ltmp16, $3  }
0x16e: {  	_ =	sdelay $0x1  }
0x16f: {  	v9 =	vadd.s32 $0x4, v9  }
0x170: {  	v10 =	vand.u32 $0xFFFFFFFC, v9;
	s25 =	sshra.s32 s26, $0x2;
	s26 =	sadd.s32 $0x100, s26;
	[tilespmem:v12+s19+$0x0] =	vst.idx.msk $0xffff, v11  }
0x171: {  	v9 =	vld [tilespmem:s25+$0x7800];
	v10 =	vadd.s32 v6, v10;
	_ =	sdelay $0x4  }
0x172: {  	[tilespmem:v10+s19+$0x0] =	vst.idx.msk $0xffff, v9  }
0x173: {  	v11 =	vor.u32 $0x1, v10;
	v9 =	vld [tilespmem:s25+$0x7810];
	_ =	sdelay $0x4  }
0x174: {  	[tilespmem:v11+s19+$0x0] =	vst.idx.msk $0xffff, v9  }
0x175: {  	v11 =	vor.u32 $0x2, v10;
	v9 =	vld [tilespmem:s25+$0x7820];
	_ =	sdelay $0x4  }
0x176: {  	[tilespmem:v11+s19+$0x0] =	vst.idx.msk $0xffff, v9  }
0x177: {  	v10 =	vor.u32 $0x3, v10;
	v9 =	vld [tilespmem:s25+$0x7830];
	_ =	sdelay $0x4  }
0x178: {  	s26 =	simm.s32 $0x100;
	s25 =	simm.s32 $0x0;
	[tilespmem:v10+s19+$0x0] =	vst.idx.msk $0xffff, v9;
	v9 =	vand.u32 $0xFFFFFFFC, v8  }
.LBB2_37:
0x179: {  	p0 =	sne.s32 s26, $0x1F00;
	v10 =	vld [tilespmem:s25+$0x8000];
	v9 =	vadd.s32 v7, v9;
	_ =	sdelay $0x4  }
0x17a: {  	[tilespmem:v9+s19+$0x0] =	vst.idx.msk $0xffff, v10  }
0x17b: {  	v11 =	vor.u32 $0x1, v9;
	v10 =	vld [tilespmem:s25+$0x8010];
	_ =	sdelay $0x4  }
0x17c: {  	[tilespmem:v11+s19+$0x0] =	vst.idx.msk $0xffff, v10  }
0x17d: {  	v11 =	vor.u32 $0x2, v9;
	v10 =	vld [tilespmem:s25+$0x8020];
	_ =	sdelay $0x4  }
0x17e: {  	[tilespmem:v11+s19+$0x0] =	vst.idx.msk $0xffff, v10  }
0x17f: {  	v11 =	vor.u32 $0x3, v9;
	v10 =	vld [tilespmem:s25+$0x8030]  }
.Ltmp17:
0x180: {  	(pc) =	sbr.rel @p0 .LBB2_37-.Ltmp17, $3  }
0x181: {  	_ =	sdelay $0x1  }
0x182: {  	v8 =	vadd.s32 $0x4, v8  }
0x183: {  	v9 =	vand.u32 $0xFFFFFFFC, v8;
	s25 =	sshra.s32 s26, $0x2;
	s26 =	sadd.s32 $0x100, s26;
	[tilespmem:v11+s19+$0x0] =	vst.idx.msk $0xffff, v10  }
0x184: {  	v8 =	vld [tilespmem:s25+$0x8000];
	v9 =	vadd.s32 v7, v9;
	_ =	sdelay $0x4  }
0x185: {  	[tilespmem:v9+s19+$0x0] =	vst.idx.msk $0xffff, v8  }
0x186: {  	v10 =	vor.u32 $0x1, v9;
	v8 =	vld [tilespmem:s25+$0x8010];
	_ =	sdelay $0x4  }
0x187: {  	[tilespmem:v10+s19+$0x0] =	vst.idx.msk $0xffff, v8  }
0x188: {  	v63 =	vor.u32 $0x2, v9;
	v8 =	vld [tilespmem:s25+$0x8020];
	_ =	sdelay $0x4  }
0x189: {  	[tilespmem:v63+s19+$0x0] =	vst.idx.msk $0xffff, v8  }
0x18a: {  	v9 =	vor.u32 $0x3, v9;
	v8 =	vld [tilespmem:s25+$0x8030];
	_ =	sdelay $0x3  }
0x18b: {  	s26 =	simm.s32 $0xCC00;
	s25 =	sadd.s32 s2, s24  }
0x18c: {  	s28 =	simm.s32 $0x10;
	s29 =	simm.s32 $0xCC88;
	s30 =	sadd.s32 $0x0, s25;
	[tilespmem:v9+s19+$0x0] =	vst.idx.msk $0xffff, v8  }
.LBB2_39:
0x18d: {  	[hbm4b:s30+s3] =	stream.linear.scatter [tilespmem:s26], [sflag:$0x4], $0x80, $0x38;
	[tilespmem:$0x11000] =	vst v63  }
0x18e: {  	s30 =	smov.u32 s28;
	s26 =	smov.u32 s29;
	p0 =	sne.s32 s28, $0x3F0  }
.Ltmp18:
0x18f: {  	s28 =	sadd.s32 $0x10, s28;
	(pc) =	sbr.rel @p0 .LBB2_39-.Ltmp18, $2  }
0x190: {  	_ =	sdelay $0x2  }
0x191: {  	s29 =	sadd.s32 $0x88, s29;
	s30 =	sadd.s32 s30, s25  }
0x192: {  	[hbm4b:s30+s3] =	stream.linear.scatter [tilespmem:s26], [sflag:$0x4], $0x80, $0x38;
	[tilespmem:$0x11000] =	vst v63  }
0x193: {  	s24 =	sadd.s32 s11, s24;
	s25 =	simm.s32 $0xEE00  }
0x194: {  	s26 =	simm.s32 $0x10;
	s28 =	simm.s32 $0xEE88;
	s29 =	sadd.s32 $0x0, s24  }
.LBB2_41:
0x195: {  	[hbm4b:s29+s3] =	stream.linear.scatter [tilespmem:s25], [sflag:$0x4], $0x80, $0x38;
	[tilespmem:$0x11000] =	vst v63  }
0x196: {  	s29 =	smov.u32 s26;
	s25 =	smov.u32 s28;
	p0 =	sne.s32 s26, $0x3F0  }
.Ltmp19:
0x197: {  	s26 =	sadd.s32 $0x10, s26;
	(pc) =	sbr.rel @p0 .LBB2_41-.Ltmp19, $2  }
0x198: {  	_ =	sdelay $0x2  }
0x199: {  	s28 =	sadd.s32 $0x88, s28;
	s29 =	sadd.s32 s29, s24  }
0x19a: {  	[hbm4b:s29+s3] =	stream.linear.scatter [tilespmem:s25], [sflag:$0x4], $0x80, $0x38;
	[tilespmem:$0x11000] =	vst v63  }
0x19b: {  	_ =	swait.ge [sflag:s20], $0x2000  }
0x19c: {  	[sflag:s20] =	ssyncset.done $0x0  }
0x19d: {  	[sflag:s20] =	ssyncadd.s32 $0xFFFFE000  }
0x19e: {  	_ =	swait.ge [sflag:s20], $0x2000  }
0x19f: {  	[sflag:s20] =	ssyncset.done $0x0  }
0x1a0: {  	s23 =	sadd.s32 $0x1, s23;
	[sflag:s20] =	ssyncadd.s32 $0xFFFFE000  }
0x1a1: {  	p0 =	sne.s32 s23, $0xC;
	_ =	swait.ge [sflag:s21], $0x2000  }
.Ltmp20:
0x1a2: {  	[sflag:s21] =	ssyncset.done $0x0;
	(pc) =	sbr.rel @p0 .LBB2_2-.Ltmp20, $4  }
0x1a3: {  	[sflag:s21] =	ssyncadd.s32 $0xFFFFE000  }
0x1a4: {  	_ =	swait.ge [sflag:s21], $0x2000  }
0x1a5: {  	[sflag:s21] =	ssyncset.done $0x0  }
0x1a6: {  	[sflag:s21] =	ssyncadd.s32 $0xFFFFE000  }
0x1a7: {  	s23 =	simm.s32 $0x0  }
0x1a8: {  	[tilespmem:s23], [sflag:$0x5] =	stream.linear.gather [hbm4b:s7+s23], $0x400, $0x38;
	[tilespmem:$0x11000] =	vst v63  }
0x1a9: {  	_ =	swait.ge [sflag:s12], $0x400  }
0x1aa: {  	[sflag:s12] =	ssyncset.done $0x0  }
0x1ab: {  	[sflag:s12] =	ssyncadd.s32 $0xFFFFFC00  }
0x1ac: {  	[tilespmem:s14], [sflag:$0x1] =	stream.indirect.gather [hbm4b:s6+s13], $0x10, s23, s13, $0xb8;
	[tilespmem:$0x11000] =	vst v63  }
0x1ad: {  	_ =	swait.ge [sflag:s16], $0x4000  }
0x1ae: {  	v8 =	vimm.s32 $0x0;
	[sflag:s16] =	ssyncset.done $0x0  }
0x1af: {  	s24 =	simm.s32 $0x100;
	v9 =	vimm.s32 $0x0;
	v10 =	vand.u32 $0xFFFFFFFC, v8;
	s23 =	simm.s32 $0x0;
	[sflag:s16] =	ssyncadd.s32 $0xFFFFC000  }
.LBB2_44:
0x1b0: {  	p0 =	sne.s32 s24, $0x1F00;
	v11 =	vld [tilespmem:s23+$0x800];
	v10 =	vadd.s32 v0, v10;
	_ =	sdelay $0x4  }
0x1b1: {  	[tilespmem:v10+s17+$0x0] =	vst.idx.msk $0xffff, v11  }
0x1b2: {  	v12 =	vor.u32 $0x1, v10;
	v11 =	vld [tilespmem:s23+$0x810];
	_ =	sdelay $0x4  }
0x1b3: {  	[tilespmem:v12+s17+$0x0] =	vst.idx.msk $0xffff, v11  }
0x1b4: {  	v12 =	vor.u32 $0x2, v10;
	v11 =	vld [tilespmem:s23+$0x820];
	_ =	sdelay $0x4  }
0x1b5: {  	[tilespmem:v12+s17+$0x0] =	vst.idx.msk $0xffff, v11  }
0x1b6: {  	v12 =	vor.u32 $0x3, v10;
	v11 =	vld [tilespmem:s23+$0x830]  }
.Ltmp21:
0x1b7: {  	(pc) =	sbr.rel @p0 .LBB2_44-.Ltmp21, $3  }
0x1b8: {  	_ =	sdelay $0x1  }
0x1b9: {  	v9 =	vadd.s32 $0x4, v9  }
0x1ba: {  	v10 =	vand.u32 $0xFFFFFFFC, v9;
	s23 =	sshra.s32 s24, $0x2;
	s24 =	sadd.s32 $0x100, s24;
	[tilespmem:v12+s17+$0x0] =	vst.idx.msk $0xffff, v11  }
0x1bb: {  	v9 =	vld [tilespmem:s23+$0x800];
	v10 =	vadd.s32 v0, v10;
	_ =	sdelay $0x4  }
0x1bc: {  	[tilespmem:v10+s17+$0x0] =	vst.idx.msk $0xffff, v9  }
0x1bd: {  	v11 =	vor.u32 $0x1, v10;
	v9 =	vld [tilespmem:s23+$0x810];
	_ =	sdelay $0x4  }
0x1be: {  	[tilespmem:v11+s17+$0x0] =	vst.idx.msk $0xffff, v9  }
0x1bf: {  	v11 =	vor.u32 $0x2, v10;
	v9 =	vld [tilespmem:s23+$0x820];
	_ =	sdelay $0x4  }
0x1c0: {  	[tilespmem:v11+s17+$0x0] =	vst.idx.msk $0xffff, v9  }
0x1c1: {  	v10 =	vor.u32 $0x3, v10;
	v9 =	vld [tilespmem:s23+$0x830];
	_ =	sdelay $0x4  }
0x1c2: {  	s24 =	simm.s32 $0x100;
	s23 =	simm.s32 $0x0;
	[tilespmem:v10+s17+$0x0] =	vst.idx.msk $0xffff, v9;
	v9 =	vand.u32 $0xFFFFFFFC, v8  }
.LBB2_46:
0x1c3: {  	p0 =	sne.s32 s24, $0x1F00;
	v10 =	vld [tilespmem:s23+$0x1000];
	v9 =	vadd.s32 v1, v9;
	_ =	sdelay $0x4  }
0x1c4: {  	[tilespmem:v9+s17+$0x0] =	vst.idx.msk $0xffff, v10  }
0x1c5: {  	v11 =	vor.u32 $0x1, v9;
	v10 =	vld [tilespmem:s23+$0x1010];
	_ =	sdelay $0x4  }
0x1c6: {  	[tilespmem:v11+s17+$0x0] =	vst.idx.msk $0xffff, v10  }
0x1c7: {  	v11 =	vor.u32 $0x2, v9;
	v10 =	vld [tilespmem:s23+$0x1020];
	_ =	sdelay $0x4  }
0x1c8: {  	[tilespmem:v11+s17+$0x0] =	vst.idx.msk $0xffff, v10  }
0x1c9: {  	v11 =	vor.u32 $0x3, v9;
	v10 =	vld [tilespmem:s23+$0x1030]  }
.Ltmp22:
0x1ca: {  	(pc) =	sbr.rel @p0 .LBB2_46-.Ltmp22, $3  }
0x1cb: {  	_ =	sdelay $0x1  }
0x1cc: {  	v8 =	vadd.s32 $0x4, v8  }
0x1cd: {  	v9 =	vand.u32 $0xFFFFFFFC, v8;
	s23 =	sshra.s32 s24, $0x2;
	s24 =	sadd.s32 $0x100, s24;
	[tilespmem:v11+s17+$0x0] =	vst.idx.msk $0xffff, v10  }
0x1ce: {  	v8 =	vld [tilespmem:s23+$0x1000];
	v9 =	vadd.s32 v1, v9;
	_ =	sdelay $0x4  }
0x1cf: {  	[tilespmem:v9+s17+$0x0] =	vst.idx.msk $0xffff, v8  }
0x1d0: {  	v10 =	vor.u32 $0x1, v9;
	v8 =	vld [tilespmem:s23+$0x1010];
	_ =	sdelay $0x4  }
0x1d1: {  	[tilespmem:v10+s17+$0x0] =	vst.idx.msk $0xffff, v8  }
0x1d2: {  	v10 =	vor.u32 $0x2, v9;
	v8 =	vld [tilespmem:s23+$0x1020];
	_ =	sdelay $0x4  }
0x1d3: {  	[tilespmem:v10+s17+$0x0] =	vst.idx.msk $0xffff, v8  }
0x1d4: {  	v9 =	vor.u32 $0x3, v9;
	v10 =	vld [tilespmem:s23+$0x1030];
	_ =	sdelay $0x3  }
0x1d5: {  	v8 =	vimm.s32 $0x0  }
0x1d6: {  	s24 =	simm.s32 $0x100;
	s23 =	simm.s32 $0x0;
	[tilespmem:v9+s17+$0x0] =	vst.idx.msk $0xffff, v10;
	v10 =	vand.u32 $0xFFFFFFFC, v8;
	v9 =	vimm.s32 $0x0  }
.LBB2_48:
0x1d7: {  	p0 =	sne.s32 s24, $0x1F00;
	v11 =	vld [tilespmem:s23+$0x1800];
	v10 =	vadd.s32 v2, v10;
	_ =	sdelay $0x4  }
0x1d8: {  	[tilespmem:v10+s17+$0x0] =	vst.idx.msk $0xffff, v11  }
0x1d9: {  	v12 =	vor.u32 $0x1, v10;
	v11 =	vld [tilespmem:s23+$0x1810];
	_ =	sdelay $0x4  }
0x1da: {  	[tilespmem:v12+s17+$0x0] =	vst.idx.msk $0xffff, v11  }
0x1db: {  	v12 =	vor.u32 $0x2, v10;
	v11 =	vld [tilespmem:s23+$0x1820];
	_ =	sdelay $0x4  }
0x1dc: {  	[tilespmem:v12+s17+$0x0] =	vst.idx.msk $0xffff, v11  }
0x1dd: {  	v12 =	vor.u32 $0x3, v10;
	v11 =	vld [tilespmem:s23+$0x1830]  }
.Ltmp23:
0x1de: {  	(pc) =	sbr.rel @p0 .LBB2_48-.Ltmp23, $3  }
0x1df: {  	_ =	sdelay $0x1  }
0x1e0: {  	v9 =	vadd.s32 $0x4, v9  }
0x1e1: {  	v10 =	vand.u32 $0xFFFFFFFC, v9;
	s23 =	sshra.s32 s24, $0x2;
	s24 =	sadd.s32 $0x100, s24;
	[tilespmem:v12+s17+$0x0] =	vst.idx.msk $0xffff, v11  }
0x1e2: {  	v9 =	vld [tilespmem:s23+$0x1800];
	v10 =	vadd.s32 v2, v10;
	_ =	sdelay $0x4  }
0x1e3: {  	[tilespmem:v10+s17+$0x0] =	vst.idx.msk $0xffff, v9  }
0x1e4: {  	v11 =	vor.u32 $0x1, v10;
	v9 =	vld [tilespmem:s23+$0x1810];
	_ =	sdelay $0x4  }
0x1e5: {  	[tilespmem:v11+s17+$0x0] =	vst.idx.msk $0xffff, v9  }
0x1e6: {  	v11 =	vor.u32 $0x2, v10;
	v9 =	vld [tilespmem:s23+$0x1820];
	_ =	sdelay $0x4  }
0x1e7: {  	[tilespmem:v11+s17+$0x0] =	vst.idx.msk $0xffff, v9  }
0x1e8: {  	v10 =	vor.u32 $0x3, v10;
	v9 =	vld [tilespmem:s23+$0x1830];
	_ =	sdelay $0x4  }
0x1e9: {  	s24 =	simm.s32 $0x100;
	s23 =	simm.s32 $0x0;
	[tilespmem:v10+s17+$0x0] =	vst.idx.msk $0xffff, v9;
	v9 =	vand.u32 $0xFFFFFFFC, v8  }
.LBB2_50:
0x1ea: {  	p0 =	sne.s32 s24, $0x1F00;
	v10 =	vld [tilespmem:s23+$0x2000];
	v9 =	vadd.s32 v3, v9;
	_ =	sdelay $0x4  }
0x1eb: {  	[tilespmem:v9+s17+$0x0] =	vst.idx.msk $0xffff, v10  }
0x1ec: {  	v11 =	vor.u32 $0x1, v9;
	v10 =	vld [tilespmem:s23+$0x2010];
	_ =	sdelay $0x4  }
0x1ed: {  	[tilespmem:v11+s17+$0x0] =	vst.idx.msk $0xffff, v10  }
0x1ee: {  	v11 =	vor.u32 $0x2, v9;
	v10 =	vld [tilespmem:s23+$0x2020];
	_ =	sdelay $0x4  }
0x1ef: {  	[tilespmem:v11+s17+$0x0] =	vst.idx.msk $0xffff, v10  }
0x1f0: {  	v11 =	vor.u32 $0x3, v9;
	v10 =	vld [tilespmem:s23+$0x2030]  }
.Ltmp24:
0x1f1: {  	(pc) =	sbr.rel @p0 .LBB2_50-.Ltmp24, $3  }
0x1f2: {  	_ =	sdelay $0x1  }
0x1f3: {  	v8 =	vadd.s32 $0x4, v8  }
0x1f4: {  	v9 =	vand.u32 $0xFFFFFFFC, v8;
	s23 =	sshra.s32 s24, $0x2;
	s24 =	sadd.s32 $0x100, s24;
	[tilespmem:v11+s17+$0x0] =	vst.idx.msk $0xffff, v10  }
0x1f5: {  	v8 =	vld [tilespmem:s23+$0x2000];
	v9 =	vadd.s32 v3, v9;
	_ =	sdelay $0x4  }
0x1f6: {  	[tilespmem:v9+s17+$0x0] =	vst.idx.msk $0xffff, v8  }
0x1f7: {  	v10 =	vor.u32 $0x1, v9;
	v8 =	vld [tilespmem:s23+$0x2010];
	_ =	sdelay $0x4  }
0x1f8: {  	[tilespmem:v10+s17+$0x0] =	vst.idx.msk $0xffff, v8  }
0x1f9: {  	v10 =	vor.u32 $0x2, v9;
	v8 =	vld [tilespmem:s23+$0x2020];
	_ =	sdelay $0x4  }
0x1fa: {  	[tilespmem:v10+s17+$0x0] =	vst.idx.msk $0xffff, v8  }
0x1fb: {  	v9 =	vor.u32 $0x3, v9;
	v10 =	vld [tilespmem:s23+$0x2030];
	_ =	sdelay $0x3  }
0x1fc: {  	v8 =	vimm.s32 $0x0  }
0x1fd: {  	s24 =	simm.s32 $0x100;
	s23 =	simm.s32 $0x0;
	[tilespmem:v9+s17+$0x0] =	vst.idx.msk $0xffff, v10;
	v10 =	vand.u32 $0xFFFFFFFC, v8;
	v9 =	vimm.s32 $0x0  }
.LBB2_52:
0x1fe: {  	p0 =	sne.s32 s24, $0x1F00;
	v11 =	vld [tilespmem:s23+$0x2800];
	v10 =	vadd.s32 v4, v10;
	_ =	sdelay $0x4  }
0x1ff: {  	[tilespmem:v10+s17+$0x0] =	vst.idx.msk $0xffff, v11  }
0x200: {  	v12 =	vor.u32 $0x1, v10;
	v11 =	vld [tilespmem:s23+$0x2810];
	_ =	sdelay $0x4  }
0x201: {  	[tilespmem:v12+s17+$0x0] =	vst.idx.msk $0xffff, v11  }
0x202: {  	v12 =	vor.u32 $0x2, v10;
	v11 =	vld [tilespmem:s23+$0x2820];
	_ =	sdelay $0x4  }
0x203: {  	[tilespmem:v12+s17+$0x0] =	vst.idx.msk $0xffff, v11  }
0x204: {  	v12 =	vor.u32 $0x3, v10;
	v11 =	vld [tilespmem:s23+$0x2830]  }
.Ltmp25:
0x205: {  	(pc) =	sbr.rel @p0 .LBB2_52-.Ltmp25, $3  }
0x206: {  	_ =	sdelay $0x1  }
0x207: {  	v9 =	vadd.s32 $0x4, v9  }
0x208: {  	v10 =	vand.u32 $0xFFFFFFFC, v9;
	s23 =	sshra.s32 s24, $0x2;
	s24 =	sadd.s32 $0x100, s24;
	[tilespmem:v12+s17+$0x0] =	vst.idx.msk $0xffff, v11  }
0x209: {  	v9 =	vld [tilespmem:s23+$0x2800];
	v10 =	vadd.s32 v4, v10;
	_ =	sdelay $0x4  }
0x20a: {  	[tilespmem:v10+s17+$0x0] =	vst.idx.msk $0xffff, v9  }
0x20b: {  	v11 =	vor.u32 $0x1, v10;
	v9 =	vld [tilespmem:s23+$0x2810];
	_ =	sdelay $0x4  }
0x20c: {  	[tilespmem:v11+s17+$0x0] =	vst.idx.msk $0xffff, v9  }
0x20d: {  	v11 =	vor.u32 $0x2, v10;
	v9 =	vld [tilespmem:s23+$0x2820];
	_ =	sdelay $0x4  }
0x20e: {  	[tilespmem:v11+s17+$0x0] =	vst.idx.msk $0xffff, v9  }
0x20f: {  	v10 =	vor.u32 $0x3, v10;
	v9 =	vld [tilespmem:s23+$0x2830];
	_ =	sdelay $0x4  }
0x210: {  	s24 =	simm.s32 $0x100;
	s23 =	simm.s32 $0x0;
	[tilespmem:v10+s17+$0x0] =	vst.idx.msk $0xffff, v9;
	v9 =	vand.u32 $0xFFFFFFFC, v8  }
.LBB2_54:
0x211: {  	p0 =	sne.s32 s24, $0x1F00;
	v10 =	vld [tilespmem:s23+$0x3000];
	v9 =	vadd.s32 v5, v9;
	_ =	sdelay $0x4  }
0x212: {  	[tilespmem:v9+s17+$0x0] =	vst.idx.msk $0xffff, v10  }
0x213: {  	v11 =	vor.u32 $0x1, v9;
	v10 =	vld [tilespmem:s23+$0x3010];
	_ =	sdelay $0x4  }
0x214: {  	[tilespmem:v11+s17+$0x0] =	vst.idx.msk $0xffff, v10  }
0x215: {  	v11 =	vor.u32 $0x2, v9;
	v10 =	vld [tilespmem:s23+$0x3020];
	_ =	sdelay $0x4  }
0x216: {  	[tilespmem:v11+s17+$0x0] =	vst.idx.msk $0xffff, v10  }
0x217: {  	v11 =	vor.u32 $0x3, v9;
	v10 =	vld [tilespmem:s23+$0x3030]  }
.Ltmp26:
0x218: {  	(pc) =	sbr.rel @p0 .LBB2_54-.Ltmp26, $3  }
0x219: {  	_ =	sdelay $0x1  }
0x21a: {  	v8 =	vadd.s32 $0x4, v8  }
0x21b: {  	v9 =	vand.u32 $0xFFFFFFFC, v8;
	s23 =	sshra.s32 s24, $0x2;
	s24 =	sadd.s32 $0x100, s24;
	[tilespmem:v11+s17+$0x0] =	vst.idx.msk $0xffff, v10  }
0x21c: {  	v8 =	vld [tilespmem:s23+$0x3000];
	v9 =	vadd.s32 v5, v9;
	_ =	sdelay $0x4  }
0x21d: {  	[tilespmem:v9+s17+$0x0] =	vst.idx.msk $0xffff, v8  }
0x21e: {  	v10 =	vor.u32 $0x1, v9;
	v8 =	vld [tilespmem:s23+$0x3010];
	_ =	sdelay $0x4  }
0x21f: {  	[tilespmem:v10+s17+$0x0] =	vst.idx.msk $0xffff, v8  }
0x220: {  	v10 =	vor.u32 $0x2, v9;
	v8 =	vld [tilespmem:s23+$0x3020];
	_ =	sdelay $0x4  }
0x221: {  	[tilespmem:v10+s17+$0x0] =	vst.idx.msk $0xffff, v8  }
0x222: {  	v9 =	vor.u32 $0x3, v9;
	v10 =	vld [tilespmem:s23+$0x3030];
	_ =	sdelay $0x3  }
0x223: {  	v8 =	vimm.s32 $0x0  }
0x224: {  	s24 =	simm.s32 $0x100;
	s23 =	simm.s32 $0x0;
	[tilespmem:v9+s17+$0x0] =	vst.idx.msk $0xffff, v10;
	v10 =	vand.u32 $0xFFFFFFFC, v8;
	v9 =	vimm.s32 $0x0  }
.LBB2_56:
0x225: {  	p0 =	sne.s32 s24, $0x1F00;
	v11 =	vld [tilespmem:s23+$0x3800];
	v10 =	vadd.s32 v6, v10;
	_ =	sdelay $0x4  }
0x226: {  	[tilespmem:v10+s17+$0x0] =	vst.idx.msk $0xffff, v11  }
0x227: {  	v12 =	vor.u32 $0x1, v10;
	v11 =	vld [tilespmem:s23+$0x3810];
	_ =	sdelay $0x4  }
0x228: {  	[tilespmem:v12+s17+$0x0] =	vst.idx.msk $0xffff, v11  }
0x229: {  	v12 =	vor.u32 $0x2, v10;
	v11 =	vld [tilespmem:s23+$0x3820];
	_ =	sdelay $0x4  }
0x22a: {  	[tilespmem:v12+s17+$0x0] =	vst.idx.msk $0xffff, v11  }
0x22b: {  	v12 =	vor.u32 $0x3, v10;
	v11 =	vld [tilespmem:s23+$0x3830]  }
.Ltmp27:
0x22c: {  	(pc) =	sbr.rel @p0 .LBB2_56-.Ltmp27, $3  }
0x22d: {  	_ =	sdelay $0x1  }
0x22e: {  	v9 =	vadd.s32 $0x4, v9  }
0x22f: {  	v10 =	vand.u32 $0xFFFFFFFC, v9;
	s23 =	sshra.s32 s24, $0x2;
	s24 =	sadd.s32 $0x100, s24;
	[tilespmem:v12+s17+$0x0] =	vst.idx.msk $0xffff, v11  }
0x230: {  	v9 =	vld [tilespmem:s23+$0x3800];
	v10 =	vadd.s32 v6, v10;
	_ =	sdelay $0x4  }
0x231: {  	[tilespmem:v10+s17+$0x0] =	vst.idx.msk $0xffff, v9  }
0x232: {  	v11 =	vor.u32 $0x1, v10;
	v9 =	vld [tilespmem:s23+$0x3810];
	_ =	sdelay $0x4  }
0x233: {  	[tilespmem:v11+s17+$0x0] =	vst.idx.msk $0xffff, v9  }
0x234: {  	v11 =	vor.u32 $0x2, v10;
	v9 =	vld [tilespmem:s23+$0x3820];
	_ =	sdelay $0x4  }
0x235: {  	[tilespmem:v11+s17+$0x0] =	vst.idx.msk $0xffff, v9  }
0x236: {  	v10 =	vor.u32 $0x3, v10;
	v9 =	vld [tilespmem:s23+$0x3830];
	_ =	sdelay $0x4  }
0x237: {  	s24 =	simm.s32 $0x100;
	s23 =	simm.s32 $0x0;
	[tilespmem:v10+s17+$0x0] =	vst.idx.msk $0xffff, v9;
	v9 =	vand.u32 $0xFFFFFFFC, v8  }
.LBB2_58:
0x238: {  	p0 =	sne.s32 s24, $0x1F00;
	v10 =	vld [tilespmem:s23+$0x4000];
	v9 =	vadd.s32 v7, v9;
	_ =	sdelay $0x4  }
0x239: {  	[tilespmem:v9+s17+$0x0] =	vst.idx.msk $0xffff, v10  }
0x23a: {  	v11 =	vor.u32 $0x1, v9;
	v10 =	vld [tilespmem:s23+$0x4010];
	_ =	sdelay $0x4  }
0x23b: {  	[tilespmem:v11+s17+$0x0] =	vst.idx.msk $0xffff, v10  }
0x23c: {  	v11 =	vor.u32 $0x2, v9;
	v10 =	vld [tilespmem:s23+$0x4020];
	_ =	sdelay $0x4  }
0x23d: {  	[tilespmem:v11+s17+$0x0] =	vst.idx.msk $0xffff, v10  }
0x23e: {  	v11 =	vor.u32 $0x3, v9;
	v10 =	vld [tilespmem:s23+$0x4030]  }
.Ltmp28:
0x23f: {  	(pc) =	sbr.rel @p0 .LBB2_58-.Ltmp28, $3  }
0x240: {  	_ =	sdelay $0x1  }
0x241: {  	v8 =	vadd.s32 $0x4, v8  }
0x242: {  	v9 =	vand.u32 $0xFFFFFFFC, v8;
	s23 =	sshra.s32 s24, $0x2;
	s24 =	sadd.s32 $0x100, s24;
	[tilespmem:v11+s17+$0x0] =	vst.idx.msk $0xffff, v10  }
0x243: {  	v8 =	vld [tilespmem:s23+$0x4000];
	v9 =	vadd.s32 v7, v9;
	_ =	sdelay $0x4  }
0x244: {  	[tilespmem:v9+s17+$0x0] =	vst.idx.msk $0xffff, v8  }
0x245: {  	v10 =	vor.u32 $0x1, v9;
	v8 =	vld [tilespmem:s23+$0x4010];
	_ =	sdelay $0x4  }
0x246: {  	[tilespmem:v10+s17+$0x0] =	vst.idx.msk $0xffff, v8  }
0x247: {  	v63 =	vor.u32 $0x2, v9;
	v8 =	vld [tilespmem:s23+$0x4020];
	_ =	sdelay $0x4  }
0x248: {  	[tilespmem:v63+s17+$0x0] =	vst.idx.msk $0xffff, v8  }
0x249: {  	v9 =	vor.u32 $0x3, v9;
	v8 =	vld [tilespmem:s23+$0x4030];
	_ =	sdelay $0x3  }
0x24a: {  	s24 =	simm.s32 $0x10  }
0x24b: {  	s26 =	sadd.s32 $0x0, s8;
	s25 =	simm.s32 $0x8888;
	s23 =	simm.s32 $0x8800;
	[tilespmem:v9+s17+$0x0] =	vst.idx.msk $0xffff, v8  }
.LBB2_60:
0x24c: {  	[hbm4b:s26+s3] =	stream.linear.scatter [tilespmem:s23], [sflag:$0x3], $0x80, $0x38;
	[tilespmem:$0x11000] =	vst v63  }
0x24d: {  	s26 =	smov.u32 s24;
	s23 =	smov.u32 s25;
	p0 =	sne.s32 s24, $0x3F0  }
.Ltmp29:
0x24e: {  	s24 =	sadd.s32 $0x10, s24;
	(pc) =	sbr.rel @p0 .LBB2_60-.Ltmp29, $2  }
0x24f: {  	_ =	sdelay $0x2  }
0x250: {  	s25 =	sadd.s32 $0x88, s25;
	s26 =	sadd.s32 s26, s8  }
0x251: {  	[hbm4b:s26+s3] =	stream.linear.scatter [tilespmem:s23], [sflag:$0x3], $0x80, $0x38;
	[tilespmem:$0x11000] =	vst v63  }
0x252: {  	s23 =	simm.s32 $0xAA00  }
0x253: {  	s24 =	simm.s32 $0x10;
	s26 =	sadd.s32 $0x0, s9;
	s25 =	simm.s32 $0xAA88  }
.LBB2_62:
0x254: {  	[hbm4b:s26+s3] =	stream.linear.scatter [tilespmem:s23], [sflag:$0x3], $0x80, $0x38;
	[tilespmem:$0x11000] =	vst v63  }
0x255: {  	s26 =	smov.u32 s24;
	s23 =	smov.u32 s25;
	p0 =	sne.s32 s24, $0x3F0  }
.Ltmp30:
0x256: {  	s24 =	sadd.s32 $0x10, s24;
	(pc) =	sbr.rel @p0 .LBB2_62-.Ltmp30, $2  }
0x257: {  	_ =	sdelay $0x2  }
0x258: {  	s25 =	sadd.s32 $0x88, s25;
	s26 =	sadd.s32 s26, s9  }
0x259: {  	[hbm4b:s26+s3] =	stream.linear.scatter [tilespmem:s23], [sflag:$0x3], $0x80, $0x38;
	[tilespmem:$0x11000] =	vst v63  }
0x25a: {  	s22 =	sadd.s32 $0x1, s22  }
0x25b: {  	_ =	swait.ge [sflag:s20], $0x2000;
	p0 =	sne.s32 s22, s10  }
.Ltmp31:
0x25c: {  	[sflag:s20] =	ssyncset.done $0x0;
	(pc) =	sbr.rel @p0 .LBB2_1-.Ltmp31, $4  }
0x25d: {  	[sflag:s20] =	ssyncadd.s32 $0xFFFFE000  }
0x25e: {  	_ =	swait.ge [sflag:s20], $0x2000  }
0x25f: {  	[sflag:s20] =	ssyncset.done $0x0  }
0x260: {  	[sflag:s20] =	ssyncadd.s32 $0xFFFFE000  }
0x261: {  	_ =	sfence.sel $0x180000  }
0x262: {  	[bflag:$0x0] =	sbarrier.arrive $0xFFFF  }
0x263: {  	p0 =	sne.s32 s0, $0x0;
	_ =	strace $0x90000047  }
0x264: {  	s0 =	sadd.s32 @!p0 $0x100000, s1;
	[bflag:$0x2] =	sbarrier.arrive $0xFFFF  }
0x265: {  	[sflag:s0] =	ssyncadd.tile.s32 @!p0 $0x1;
	_ =	shalt  }
.Lfunc_end2:
_tile_overlayer_lowered:
.L_overlay_start_2:
0x266: {  	(tag) =	ssettag $0x2  }
0x267: {  	s0 =	rddreg [dreg:$0x0];
	s2 =	stileid.u32  }
0x268: {  	s1 =	rddreg [dreg:$0x1];
	p0 =	sne.s32 s2, $0x0  }
0x269: {  	s3 =	rddreg [dreg:$0x2];
	[bflag:$0x3] =	sbarrier.arrive $0xFFFF;
	s2 =	simm.s32 @!p0 $0x1C05  }
0x26a: {  	[timem:s3], [sflag:s2] =	dma.local @!p0 [hbm:s0], s1  }
0x26b: {  	s0 =	simm.s32 @!p0 $0x5  }
0x26c: {  	_ =	swait.ge @!p0 [sflag:s0], s1  }
0x26d: {  	s1 =	ssub.s32 @!p0 $0x0, s1;
	[sflag:s0] =	ssyncset.done @!p0 $0x0  }
0x26e: {  	[sflag:s0] =	ssyncadd.s32 @!p0 s1  }
0x26f: {  	[bflag:$0x3] =	sbarrier.arrive $0xFFFF  }
0x270: {  	_ =	shalt  }

</sc_bundles>
